<compile_context>
chip_gen: v7x
topology: tpu7x:2x2x1
jax: 0.10.2.dev20260603
libtpu: 0.0.44.dev20260713+nightly
codegen_flags: <defaults>
</compile_context>

<pallas_src>
import functools
import math

import jax
import jax.numpy as jnp
from jax import lax
from jax.experimental import pallas as pl
from jax.experimental.pallas import tpu as pltpu
from jax.experimental.pallas import tpu_sc as plsc

D_NODE = 128
D_EDGE = 16
MEM_D = 128
NB = 20
EMB = 256
H = 2
DH = EMB // H

NW = 32
CH = 128
R = 128
NCHUNK = 3


def _sc_gather(nodes_sh, nbn_sh, nbe_sh, memory, node_features, edge_features):
    s_chw = nodes_sh.shape[2]
    n_ch = nbn_sh.shape[1]
    n_pw = n_ch * CH
    nrows = NW * s_chw
    nbt = NW * n_pw
    mesh = plsc.VectorSubcoreMesh(core_axis_name="c", subcore_axis_name="s")

    @functools.partial(
        pl.kernel,
        out_type=[
            jax.ShapeDtypeStruct((nrows, MEM_D), jnp.float32),
            jax.ShapeDtypeStruct((nrows, D_NODE), jnp.float32),
            jax.ShapeDtypeStruct((nbt, MEM_D), jnp.float32),
            jax.ShapeDtypeStruct((nbt, D_NODE), jnp.float32),
            jax.ShapeDtypeStruct((nbt, D_EDGE), jnp.float32),
        ],
        mesh=mesh,
        scratch_types=[
            pltpu.VMEM((1, s_chw), jnp.int32),
            pltpu.VMEM((n_ch, CH), jnp.int32),
            pltpu.VMEM((n_ch, CH), jnp.int32),
            pltpu.VMEM((s_chw, MEM_D), jnp.float32),
            pltpu.VMEM((CH, MEM_D), jnp.float32),
            pltpu.VMEM((CH, D_EDGE), jnp.float32),
            pltpu.SemaphoreType.DMA,
        ],
        compiler_params=pltpu.CompilerParams(use_tc_tiling_on_sc=False),
    )
    def gather_kernel(nodes_hbm, nbn_hbm, nbe_hbm, mem_hbm, nf_hbm, ef_hbm,
                      s_mem_o, s_nf_o, nb_mem_o, nb_nf_o, nb_ef_o,
                      idx_s, idx_n, idx_e, srows, rows, erows, sem):
        wid = lax.axis_index("s") * 2 + lax.axis_index("c")
        pltpu.sync_copy(nodes_hbm.at[wid], idx_s)
        pltpu.sync_copy(nbn_hbm.at[wid], idx_n)
        pltpu.sync_copy(nbe_hbm.at[wid], idx_e)

        sbase = wid * s_chw
        pltpu.async_copy(mem_hbm.at[idx_s.at[0]], srows, sem).wait()
        pltpu.sync_copy(srows, s_mem_o.at[pl.ds(sbase, s_chw)])
        pltpu.async_copy(nf_hbm.at[idx_s.at[0]], srows, sem).wait()
        pltpu.sync_copy(srows, s_nf_o.at[pl.ds(sbase, s_chw)])

        nbase = wid * n_pw

        def n_body(j, carry):
            off = nbase + j * CH
            pltpu.async_copy(mem_hbm.at[idx_n.at[j]], rows, sem).wait()
            pltpu.sync_copy(rows, nb_mem_o.at[pl.ds(off, CH)])
            pltpu.async_copy(nf_hbm.at[idx_n.at[j]], rows, sem).wait()
            pltpu.sync_copy(rows, nb_nf_o.at[pl.ds(off, CH)])
            pltpu.async_copy(ef_hbm.at[idx_e.at[j]], erows, sem).wait()
            pltpu.sync_copy(erows, nb_ef_o.at[pl.ds(off, CH)])
            return carry

        lax.fori_loop(0, n_ch, n_body, 0)

    return gather_kernel(nodes_sh, nbn_sh, nbe_sh, memory, node_features,
                         edge_features)


_INV2PI = 0.15915494309189535
_RED_C1 = 6.28125
_RED_C2 = 0.0019353071795862326
_MAGIC = 12582912.0
_COS_POLY = (1.00000000e+00, -4.99999999e-01, 4.16666641e-02,
             -1.38888661e-03, 2.48006307e-05, -2.75358690e-07,
             2.06110827e-09, -9.74342829e-12)


def _fast_cos(x):
    y = x * _INV2PI
    n = (y + _MAGIC) - _MAGIC
    r = x - n * _RED_C1
    r = r - n * _RED_C2
    u = r * r
    p = jnp.float32(_COS_POLY[-1])
    for c in _COS_POLY[-2::-1]:
        p = p * u + jnp.float32(c)
    return p


def _tc_body(s_mem, s_nf, nbm, nbf, eft, dtt, tw, tb,
             wq_m, wq_f, wq_t, wk_m, wk_f, wk_e, wk_t,
             wv_m, wv_f, wv_e, wv_t, w1_o, w1_m, w1_f, b1, w2, b2, out):
    f32 = jnp.float32
    dot = lambda a, b: lax.dot(a, b, preferred_element_type=f32)
    twv = tw[...]
    tbv = tb[...]
    sm = s_mem[...]
    sf = s_nf[...]
    te0 = _fast_cos(tbv)
    q = dot(sm, wq_m[...]) + dot(sf, wq_f[...]) + dot(te0, wq_t[...])
    q0 = q[:, :DH]
    q1 = q[:, DH:]
    scale = 1.0 / math.sqrt(float(DH))
    rr = sm.shape[0]
    m = nbm[...].reshape(NB * rr, MEM_D)
    f = nbf[...].reshape(NB * rr, D_NODE)
    e = eft[...].reshape(NB * rr, D_EDGE)
    d = dtt[...].reshape(NB * rr, 1)
    te = _fast_cos(d * twv + tbv)
    k = (dot(m, wk_m[...]) + dot(f, wk_f[...]) + dot(e, wk_e[...])
         + dot(te, wk_t[...]))
    v = (dot(m, wv_m[...]) + dot(f, wv_f[...]) + dot(e, wv_e[...])
         + dot(te, wv_t[...]))
    k3 = k.reshape(NB, rr, EMB)
    v3 = v.reshape(NB, rr, EMB)
    l0s, l1s = [], []
    for nb in range(NB):
        kn = k3[nb]
        l0s.append(jnp.sum(q0 * kn[:, :DH], axis=1, keepdims=True))
        l1s.append(jnp.sum(q1 * kn[:, DH:], axis=1, keepdims=True))
    l0 = jnp.concatenate(l0s, axis=1) * scale
    l1 = jnp.concatenate(l1s, axis=1) * scale
    a0 = jax.nn.softmax(l0, axis=1)
    a1 = jax.nn.softmax(l1, axis=1)
    o0 = a0[:, 0:1] * v3[0][:, :DH]
    o1 = a1[:, 0:1] * v3[0][:, DH:]
    for nb in range(1, NB):
        o0 = o0 + a0[:, nb:nb + 1] * v3[nb][:, :DH]
        o1 = o1 + a1[:, nb:nb + 1] * v3[nb][:, DH:]
    w1_ov = w1_o[...]
    h1 = (dot(o0, w1_ov[:DH]) + dot(o1, w1_ov[DH:]) + dot(sm, w1_m[...])
          + dot(sf, w1_f[...]) + b1[...])
    h2 = dot(jnp.maximum(h1, 0.0), w2[...]) + b2[...]
    out[...] = h2


def _dense(s_mem, s_nf, nbm_t, nbf_t, eft_t, dtt, tw2, tb2,
           wq_m, wq_f, wq_t, wk_m, wk_f, wk_e, wk_t,
           wv_m, wv_f, wv_e, wv_t, w1_o, w1_m, w1_f, b12, w2, b22,
           interpret=False):
    n3b = s_mem.shape[0]
    grid = (n3b // R,)
    row2 = lambda i: (i, 0)
    nbblk = lambda i: (0, i, 0)
    const2 = lambda i: (0, 0)
    in_specs = [
        pl.BlockSpec((R, MEM_D), row2),
        pl.BlockSpec((R, D_NODE), row2),
        pl.BlockSpec((NB, R, MEM_D), nbblk),
        pl.BlockSpec((NB, R, D_NODE), nbblk),
        pl.BlockSpec((NB, R, D_EDGE), nbblk),
        pl.BlockSpec((NB, R, 1), nbblk),
        pl.BlockSpec((1, EMB), const2),
        pl.BlockSpec((1, EMB), const2),
        pl.BlockSpec((MEM_D, EMB), const2),
        pl.BlockSpec((D_NODE, EMB), const2),
        pl.BlockSpec((EMB, EMB), const2),
        pl.BlockSpec((MEM_D, EMB), const2),
        pl.BlockSpec((D_NODE, EMB), const2),
        pl.BlockSpec((D_EDGE, EMB), const2),
        pl.BlockSpec((EMB, EMB), const2),
        pl.BlockSpec((MEM_D, EMB), const2),
        pl.BlockSpec((D_NODE, EMB), const2),
        pl.BlockSpec((D_EDGE, EMB), const2),
        pl.BlockSpec((EMB, EMB), const2),
        pl.BlockSpec((EMB, EMB), const2),
        pl.BlockSpec((MEM_D, EMB), const2),
        pl.BlockSpec((D_NODE, EMB), const2),
        pl.BlockSpec((1, EMB), const2),
        pl.BlockSpec((EMB, EMB), const2),
        pl.BlockSpec((1, EMB), const2),
    ]
    return pl.pallas_call(
        _tc_body,
        grid=grid,
        in_specs=in_specs,
        out_specs=pl.BlockSpec((R, EMB), row2),
        out_shape=jax.ShapeDtypeStruct((n3b, EMB), jnp.float32),
        interpret=interpret,
    )(s_mem, s_nf, nbm_t, nbf_t, eft_t, dtt, tw2, tb2,
      wq_m, wq_f, wq_t, wk_m, wk_f, wk_e, wk_t,
      wv_m, wv_f, wv_e, wv_t, w1_o, w1_m, w1_f, b12, w2, b22)


def kernel(source_nodes, destination_nodes, negative_nodes, edge_times,
           des_timestamps_batch, edge_idxs, neighbor_nodes, neighbor_edge_idxs,
           neighbor_times, node_features, edge_features, memory,
           time_w, time_b, Wq, Wk, Wv, W1, b1, W2, b2):
    n3b = 3 * source_nodes.shape[0]
    rows_c = n3b // NCHUNK
    s_chw = rows_c // NW
    n_ch = rows_c * NB // (NW * CH)

    nodes = jnp.concatenate(
        [source_nodes, destination_nodes, negative_nodes]).astype(jnp.int32)
    ts = jnp.concatenate(
        [edge_times, des_timestamps_batch, des_timestamps_batch])
    nbn = neighbor_nodes.astype(jnp.int32)
    nbe = neighbor_edge_idxs.astype(jnp.int32)

    tw2 = time_w.reshape(1, EMB)
    tb2 = time_b.reshape(1, EMB)
    wq_m, wq_f, wq_t = Wq[:MEM_D], Wq[MEM_D:EMB], Wq[EMB:]
    wk_m, wk_f = Wk[:MEM_D], Wk[MEM_D:EMB]
    wk_e, wk_t = Wk[EMB:EMB + D_EDGE], Wk[EMB + D_EDGE:]
    wv_m, wv_f = Wv[:MEM_D], Wv[MEM_D:EMB]
    wv_e, wv_t = Wv[EMB:EMB + D_EDGE], Wv[EMB + D_EDGE:]
    w1_o, w1_m, w1_f = W1[:EMB], W1[EMB:EMB + MEM_D], W1[EMB + MEM_D:]
    b12 = b1.reshape(1, EMB)
    b22 = b2.reshape(1, EMB)

    outs = []
    for c in range(NCHUNK):
        sl = slice(c * rows_c, (c + 1) * rows_c)
        nodes_sh = nodes[sl].reshape(NW, 1, s_chw)
        nbn_t = nbn[sl].T.reshape(NW, n_ch, CH)
        nbe_t = nbe[sl].T.reshape(NW, n_ch, CH)
        s_mem, s_nf, nb_mem, nb_nf, nb_ef = _sc_gather(
            nodes_sh, nbn_t, nbe_t, memory, node_features, edge_features)
        nbm_t = nb_mem.reshape(NB, rows_c, MEM_D)
        nbf_t = nb_nf.reshape(NB, rows_c, D_NODE)
        eft_t = nb_ef.reshape(NB, rows_c, D_EDGE)
        dtt = (ts[sl][None, :] - neighbor_times[sl].T)[..., None]
        outs.append(
            _dense(s_mem, s_nf, nbm_t, nbf_t, eft_t, dtt, tw2, tb2,
                   wq_m, wq_f, wq_t, wk_m, wk_f, wk_e, wk_t,
                   wv_m, wv_f, wv_e, wv_t, w1_o, w1_m, w1_f, b12, W2, b22))
    return jnp.concatenate(outs, axis=0)

# --- scband reference (transcript-rebuilt; emitter-appended) ---
"""Pipeline reference for scband-tgn-66151086293627 (READ-ONLY COPY).

The authoritative reference and input builder live on the scoring server;
editing this copy changes nothing except your own understanding.
"""

import jax, jax.numpy as jnp
import numpy as np

N_NODES = 100000
N_EDGES = 1600000
D_NODE = 128
D_EDGE = 16
MEM_D = 128
B = 4096
NB = 20
EMB = 2 * D_NODE  # 256, matches n_node_features = node_features.shape[1] * 2
TD = EMB          # time encoder dimension = n_node_features
H = 2


def setup_inputs(seed: int = 0):
    key = jax.random.key(seed)
    ks = jax.random.split(key, 20)
    source_nodes = jax.random.randint(ks[0], (B,), 0, N_NODES)
    destination_nodes = jax.random.randint(ks[1], (B,), 0, N_NODES)
    negative_nodes = jax.random.randint(ks[2], (B,), 0, N_NODES)
    edge_times = jax.random.uniform(ks[3], (B,), dtype=jnp.float32) * 1e5
    des_timestamps_batch = jax.random.uniform(ks[4], (B,), dtype=jnp.float32) * 1e5
    edge_idxs = jax.random.randint(ks[5], (B,), 0, N_EDGES)
    # precomputed temporal neighborhood (stands in for neighbor_finder output)
    neighbor_nodes = jax.random.randint(ks[6], (3 * B, NB), 0, N_NODES)
    neighbor_edge_idxs = jax.random.randint(ks[7], (3 * B, NB), 0, N_EDGES)
    neighbor_times = jax.random.uniform(ks[8], (3 * B, NB), dtype=jnp.float32) * 1e5
    # learned / stateful parameters
    node_features = jax.random.normal(ks[9], (N_NODES, D_NODE), dtype=jnp.float32)
    edge_features = jax.random.normal(ks[10], (N_EDGES, D_EDGE), dtype=jnp.float32)
    memory = jax.random.normal(ks[11], (N_NODES, MEM_D), dtype=jnp.float32)
    time_w = jax.random.normal(ks[12], (TD,), dtype=jnp.float32)
    time_b = jax.random.normal(ks[13], (TD,), dtype=jnp.float32)
    Wq = jax.random.normal(ks[14], (EMB + TD, EMB), dtype=jnp.float32) * 0.05
    Wk = jax.random.normal(ks[15], (EMB + D_EDGE + TD, EMB), dtype=jnp.float32) * 0.05
    Wv = jax.random.normal(ks[16], (EMB + D_EDGE + TD, EMB), dtype=jnp.float32) * 0.05
    W1 = jax.random.normal(ks[17], (EMB + EMB, EMB), dtype=jnp.float32) * 0.05
    b1 = jnp.zeros((EMB,), dtype=jnp.float32)
    W2 = jax.random.normal(ks[18], (EMB, EMB), dtype=jnp.float32) * 0.05
    b2 = jnp.zeros((EMB,), dtype=jnp.float32)
    return dict(source_nodes=source_nodes, destination_nodes=destination_nodes,
                negative_nodes=negative_nodes, edge_times=edge_times,
                des_timestamps_batch=des_timestamps_batch, edge_idxs=edge_idxs,
                neighbor_nodes=neighbor_nodes, neighbor_edge_idxs=neighbor_edge_idxs,
                neighbor_times=neighbor_times, node_features=node_features,
                edge_features=edge_features, memory=memory, time_w=time_w,
                time_b=time_b, Wq=Wq, Wk=Wk, Wv=Wv, W1=W1, b1=b1, W2=W2, b2=b2)


def _time_enc(t, w, b):
    # TimeEncode: cos(t * w + b)
    return jnp.cos(t[..., None] * w + b)


def reference(source_nodes, destination_nodes, negative_nodes, edge_times,
              des_timestamps_batch, edge_idxs, neighbor_nodes, neighbor_edge_idxs,
              neighbor_times, node_features, edge_features, memory,
              time_w, time_b, Wq, Wk, Wv, W1, b1, W2, b2):
    # compute_temporal_embeddings core: concat src/dst/neg, gather memory +
    # raw node features, temporal graph attention over sampled neighbors.
    nodes = jnp.concatenate([source_nodes, destination_nodes, negative_nodes])
    ts = jnp.concatenate([edge_times, des_timestamps_batch, des_timestamps_batch])
    node_state = jnp.concatenate([memory[nodes], node_features[nodes]], axis=-1)          # [3B, EMB]
    nb_state = jnp.concatenate([memory[neighbor_nodes], node_features[neighbor_nodes]], axis=-1)  # [3B, NB, EMB]
    edge_f = edge_features[neighbor_edge_idxs]                                            # [3B, NB, D_EDGE]
    dt = ts[:, None] - neighbor_times                                                     # [3B, NB]
    te_nb = _time_enc(dt, time_w, time_b)                                                 # [3B, NB, TD]
    te0 = _time_enc(jnp.zeros_like(ts), time_w, time_b)                                   # [3B, TD]
    q = jnp.concatenate([node_state, te0], axis=-1) @ Wq                                  # [3B, EMB]
    kv_in = jnp.concatenate([nb_state, edge_f, te_nb], axis=-1)                           # [3B, NB, EMB+D_EDGE+TD]
    k = kv_in @ Wk
    v = kv_in @ Wv
    n = q.shape[0]
    dh = EMB // H
    qh = q.reshape(n, H, dh)
    kh = k.reshape(n, NB, H, dh)
    vh = v.reshape(n, NB, H, dh)
    logits = jnp.einsum('nhd,nkhd->nhk', qh, kh) / jnp.sqrt(float(dh))
    attn = jax.nn.softmax(logits, axis=-1)
    out = jnp.einsum('nhk,nkhd->nhd', attn, vh).reshape(n, EMB)
    # MergeLayer on (attn output, source node state)
    h = jnp.concatenate([out, node_state], axis=-1) @ W1 + b1
    h = jax.nn.relu(h) @ W2 + b2
    return h  # [3B, EMB] temporal embeddings for src | dst | neg

if __name__ == "__main__":
    import jax
    _d = setup_inputs()
    print(jax.jit(kernel)(*tuple(_d.values())))

</pallas_src>

<mosaic_0001>
#map = affine_map<(d0, d1) -> (0, 0, 0)>
#map1 = affine_map<(d0, d1) -> (0, 0)>
module attributes {stable_mosaic.version = 14 : i64} {
  func.func @gather_kernel(%arg0: i32, %arg1: i32, %arg2: memref<32x1x128xi32, #tpu.memory_space<hbm>>, %arg3: memref<32x20x128xi32, #tpu.memory_space<hbm>>, %arg4: memref<32x20x128xi32, #tpu.memory_space<hbm>>, %arg5: memref<100000x128xf32, #tpu.memory_space<hbm>>, %arg6: memref<100000x128xf32, #tpu.memory_space<hbm>>, %arg7: memref<1600000x16xf32, #tpu.memory_space<hbm>>, %arg8: memref<4096x128xf32, #tpu.memory_space<hbm>>, %arg9: memref<4096x128xf32, #tpu.memory_space<hbm>>, %arg10: memref<81920x128xf32, #tpu.memory_space<hbm>>, %arg11: memref<81920x128xf32, #tpu.memory_space<hbm>>, %arg12: memref<81920x16xf32, #tpu.memory_space<hbm>>, %arg13: memref<1x128xi32, #tpu.memory_space<vmem>>, %arg14: memref<20x128xi32, #tpu.memory_space<vmem>>, %arg15: memref<20x128xi32, #tpu.memory_space<vmem>>, %arg16: memref<128x128xf32, #tpu.memory_space<vmem>>, %arg17: memref<128x128xf32, #tpu.memory_space<vmem>>, %arg18: memref<128x16xf32, #tpu.memory_space<vmem>>, %arg19: memref<!tpu.dma_semaphore, #tpu.memory_space<semaphore_mem>>) attributes {dimension_semantics = [#tpu.dimension_semantics<core_parallel>, #tpu.dimension_semantics<subcore_parallel>], iteration_bounds = array<i64: 2, 16>, scalar_prefetch = 0 : i64, scratch_operands = 7 : i64, tpu.core_type = #tpu.core_type<sc_vector_subcore>, window_params = [{transform_indices = #map}, {transform_indices = #map}, {transform_indices = #map}, {transform_indices = #map1}, {transform_indices = #map1}, {transform_indices = #map1}, {transform_indices = #map1}, {transform_indices = #map1}, {transform_indices = #map1}, {transform_indices = #map1}, {transform_indices = #map1}]} {
    %mul3A = arith.constant 2 : i32
    %mul3A_0 = arith.muli %arg1, %mul3A : i32
    %add3A = arith.addi %mul3A_0, %arg0 : i32
    "tpu.region"() ({
      %run_scoped3A = tpu.sem_alloc : memref<!tpu.dma_semaphore, #tpu.memory_space<semaphore_mem>>
      %dma_start3A_36 = arith.constant 0 : i32
      %dma_start3A_37 = arith.constant 0 : i32
      %dma_start3A_38 = tpu.memref_slice %arg2[%add3A, %dma_start3A_36, %dma_start3A_37] : memref<32x1x128xi32, #tpu.memory_space<hbm>> -> memref<1x1x128xi32, #tpu.memory_space<hbm>>
      %dma_start3A_39 = tpu.memref_squeeze %dma_start3A_38 : memref<1x1x128xi32, #tpu.memory_space<hbm>> -> memref<1x128xi32, #tpu.memory_space<hbm>>
      %dma_start3A_40 = arith.constant 0 : i32
      %dma_start3A_41 = arith.constant 0 : i32
      %dma_start3A_42 = tpu.memref_slice %arg2[%add3A, %dma_start3A_40, %dma_start3A_41] : memref<32x1x128xi32, #tpu.memory_space<hbm>> -> memref<1x1x128xi32, #tpu.memory_space<hbm>>
      %dma_start3A_43 = tpu.memref_squeeze %dma_start3A_42 : memref<1x1x128xi32, #tpu.memory_space<hbm>> -> memref<1x128xi32, #tpu.memory_space<hbm>>
      tpu.enqueue_dma source(%dma_start3A_43 : memref<1x128xi32, #tpu.memory_space<hbm>>) target(%arg13 : memref<1x128xi32, #tpu.memory_space<vmem>>) target_semaphore(%run_scoped3A : memref<!tpu.dma_semaphore, #tpu.memory_space<semaphore_mem>>)
      %dma_wait3A_44 = arith.constant 0 : i32
      %dma_wait3A_45 = arith.constant 0 : i32
      %dma_wait3A_46 = tpu.memref_slice %arg2[%add3A, %dma_wait3A_44, %dma_wait3A_45] : memref<32x1x128xi32, #tpu.memory_space<hbm>> -> memref<1x1x128xi32, #tpu.memory_space<hbm>>
      %dma_wait3A_47 = tpu.memref_squeeze %dma_wait3A_46 : memref<1x1x128xi32, #tpu.memory_space<hbm>> -> memref<1x128xi32, #tpu.memory_space<hbm>>
      %dma_wait3A_48 = arith.constant 0 : i32
      %dma_wait3A_49 = arith.constant 0 : i32
      %dma_wait3A_50 = tpu.memref_slice %arg2[%add3A, %dma_wait3A_48, %dma_wait3A_49] : memref<32x1x128xi32, #tpu.memory_space<hbm>> -> memref<1x1x128xi32, #tpu.memory_space<hbm>>
      %dma_wait3A_51 = tpu.memref_squeeze %dma_wait3A_50 : memref<1x1x128xi32, #tpu.memory_space<hbm>> -> memref<1x128xi32, #tpu.memory_space<hbm>>
      tpu.wait_dma2 semaphore(%run_scoped3A : memref<!tpu.dma_semaphore, #tpu.memory_space<semaphore_mem>>) src(%dma_wait3A_51 : memref<1x128xi32, #tpu.memory_space<hbm>>) dst(%arg13 : memref<1x128xi32, #tpu.memory_space<vmem>>)
      tpu.yield
    }) : () -> ()
    "tpu.region"() ({
      %run_scoped3A = tpu.sem_alloc : memref<!tpu.dma_semaphore, #tpu.memory_space<semaphore_mem>>
      %dma_start3A_36 = arith.constant 0 : i32
      %dma_start3A_37 = arith.constant 0 : i32
      %dma_start3A_38 = tpu.memref_slice %arg3[%add3A, %dma_start3A_36, %dma_start3A_37] : memref<32x20x128xi32, #tpu.memory_space<hbm>> -> memref<1x20x128xi32, #tpu.memory_space<hbm>>
      %dma_start3A_39 = tpu.memref_squeeze %dma_start3A_38 : memref<1x20x128xi32, #tpu.memory_space<hbm>> -> memref<20x128xi32, #tpu.memory_space<hbm>>
      %dma_start3A_40 = arith.constant 0 : i32
      %dma_start3A_41 = arith.constant 0 : i32
      %dma_start3A_42 = tpu.memref_slice %arg3[%add3A, %dma_start3A_40, %dma_start3A_41] : memref<32x20x128xi32, #tpu.memory_space<hbm>> -> memref<1x20x128xi32, #tpu.memory_space<hbm>>
      %dma_start3A_43 = tpu.memref_squeeze %dma_start3A_42 : memref<1x20x128xi32, #tpu.memory_space<hbm>> -> memref<20x128xi32, #tpu.memory_space<hbm>>
      tpu.enqueue_dma source(%dma_start3A_43 : memref<20x128xi32, #tpu.memory_space<hbm>>) target(%arg14 : memref<20x128xi32, #tpu.memory_space<vmem>>) target_semaphore(%run_scoped3A : memref<!tpu.dma_semaphore, #tpu.memory_space<semaphore_mem>>)
      %dma_wait3A_44 = arith.constant 0 : i32
      %dma_wait3A_45 = arith.constant 0 : i32
      %dma_wait3A_46 = tpu.memref_slice %arg3[%add3A, %dma_wait3A_44, %dma_wait3A_45] : memref<32x20x128xi32, #tpu.memory_space<hbm>> -> memref<1x20x128xi32, #tpu.memory_space<hbm>>
      %dma_wait3A_47 = tpu.memref_squeeze %dma_wait3A_46 : memref<1x20x128xi32, #tpu.memory_space<hbm>> -> memref<20x128xi32, #tpu.memory_space<hbm>>
      %dma_wait3A_48 = arith.constant 0 : i32
      %dma_wait3A_49 = arith.constant 0 : i32
      %dma_wait3A_50 = tpu.memref_slice %arg3[%add3A, %dma_wait3A_48, %dma_wait3A_49] : memref<32x20x128xi32, #tpu.memory_space<hbm>> -> memref<1x20x128xi32, #tpu.memory_space<hbm>>
      %dma_wait3A_51 = tpu.memref_squeeze %dma_wait3A_50 : memref<1x20x128xi32, #tpu.memory_space<hbm>> -> memref<20x128xi32, #tpu.memory_space<hbm>>
      tpu.wait_dma2 semaphore(%run_scoped3A : memref<!tpu.dma_semaphore, #tpu.memory_space<semaphore_mem>>) src(%dma_wait3A_51 : memref<20x128xi32, #tpu.memory_space<hbm>>) dst(%arg14 : memref<20x128xi32, #tpu.memory_space<vmem>>)
      tpu.yield
    }) : () -> ()
    "tpu.region"() ({
      %run_scoped3A = tpu.sem_alloc : memref<!tpu.dma_semaphore, #tpu.memory_space<semaphore_mem>>
      %dma_start3A_36 = arith.constant 0 : i32
      %dma_start3A_37 = arith.constant 0 : i32
      %dma_start3A_38 = tpu.memref_slice %arg4[%add3A, %dma_start3A_36, %dma_start3A_37] : memref<32x20x128xi32, #tpu.memory_space<hbm>> -> memref<1x20x128xi32, #tpu.memory_space<hbm>>
      %dma_start3A_39 = tpu.memref_squeeze %dma_start3A_38 : memref<1x20x128xi32, #tpu.memory_space<hbm>> -> memref<20x128xi32, #tpu.memory_space<hbm>>
      %dma_start3A_40 = arith.constant 0 : i32
      %dma_start3A_41 = arith.constant 0 : i32
      %dma_start3A_42 = tpu.memref_slice %arg4[%add3A, %dma_start3A_40, %dma_start3A_41] : memref<32x20x128xi32, #tpu.memory_space<hbm>> -> memref<1x20x128xi32, #tpu.memory_space<hbm>>
      %dma_start3A_43 = tpu.memref_squeeze %dma_start3A_42 : memref<1x20x128xi32, #tpu.memory_space<hbm>> -> memref<20x128xi32, #tpu.memory_space<hbm>>
      tpu.enqueue_dma source(%dma_start3A_43 : memref<20x128xi32, #tpu.memory_space<hbm>>) target(%arg15 : memref<20x128xi32, #tpu.memory_space<vmem>>) target_semaphore(%run_scoped3A : memref<!tpu.dma_semaphore, #tpu.memory_space<semaphore_mem>>)
      %dma_wait3A_44 = arith.constant 0 : i32
      %dma_wait3A_45 = arith.constant 0 : i32
      %dma_wait3A_46 = tpu.memref_slice %arg4[%add3A, %dma_wait3A_44, %dma_wait3A_45] : memref<32x20x128xi32, #tpu.memory_space<hbm>> -> memref<1x20x128xi32, #tpu.memory_space<hbm>>
      %dma_wait3A_47 = tpu.memref_squeeze %dma_wait3A_46 : memref<1x20x128xi32, #tpu.memory_space<hbm>> -> memref<20x128xi32, #tpu.memory_space<hbm>>
      %dma_wait3A_48 = arith.constant 0 : i32
      %dma_wait3A_49 = arith.constant 0 : i32
      %dma_wait3A_50 = tpu.memref_slice %arg4[%add3A, %dma_wait3A_48, %dma_wait3A_49] : memref<32x20x128xi32, #tpu.memory_space<hbm>> -> memref<1x20x128xi32, #tpu.memory_space<hbm>>
      %dma_wait3A_51 = tpu.memref_squeeze %dma_wait3A_50 : memref<1x20x128xi32, #tpu.memory_space<hbm>> -> memref<20x128xi32, #tpu.memory_space<hbm>>
      tpu.wait_dma2 semaphore(%run_scoped3A : memref<!tpu.dma_semaphore, #tpu.memory_space<semaphore_mem>>) src(%dma_wait3A_51 : memref<20x128xi32, #tpu.memory_space<hbm>>) dst(%arg15 : memref<20x128xi32, #tpu.memory_space<vmem>>)
      tpu.yield
    }) : () -> ()
    %mul3A_1 = arith.constant 128 : i32
    %mul3A_2 = arith.muli %add3A, %mul3A_1 : i32
    %dma_start3A = arith.constant 0 : i32
    %dma_start3A_3 = arith.constant 0 : i32
    %dma_start3A_4 = tpu.memref_slice %arg13[%dma_start3A, %dma_start3A_3] : memref<1x128xi32, #tpu.memory_space<vmem>> -> memref<1x128xi32, #tpu.memory_space<vmem>>
    %dma_start3A_5 = tpu.memref_squeeze %dma_start3A_4 : memref<1x128xi32, #tpu.memory_space<vmem>> -> memref<128xi32, #tpu.memory_space<vmem>>
    %dma_start3A_6 = arith.constant 0 : i32
    %dma_start3A_7 = arith.constant 0 : i32
    %dma_start3A_8 = tpu.memref_slice %arg5[%dma_start3A_6, %dma_start3A_7] : memref<100000x128xf32, #tpu.memory_space<hbm>> -> memref<100000x128xf32, #tpu.memory_space<hbm>>
    tpu.enqueue_indirect_dma source(%dma_start3A_8 : memref<100000x128xf32, #tpu.memory_space<hbm>>) target(%arg16 : memref<128x128xf32, #tpu.memory_space<vmem>>) offsets(%dma_start3A_5 : memref<128xi32, #tpu.memory_space<vmem>>) semaphore(%arg19 : memref<!tpu.dma_semaphore, #tpu.memory_space<semaphore_mem>>)
    %dma_wait3A = arith.constant 0 : i32
    %dma_wait3A_9 = arith.constant 0 : i32
    %dma_wait3A_10 = tpu.memref_slice %arg13[%dma_wait3A, %dma_wait3A_9] : memref<1x128xi32, #tpu.memory_space<vmem>> -> memref<1x128xi32, #tpu.memory_space<vmem>>
    %dma_wait3A_11 = tpu.memref_squeeze %dma_wait3A_10 : memref<1x128xi32, #tpu.memory_space<vmem>> -> memref<128xi32, #tpu.memory_space<vmem>>
    %dma_wait3A_12 = arith.constant 0 : i32
    %dma_wait3A_13 = arith.constant 0 : i32
    %dma_wait3A_14 = tpu.memref_slice %arg5[%dma_wait3A_12, %dma_wait3A_13] : memref<100000x128xf32, #tpu.memory_space<hbm>> -> memref<100000x128xf32, #tpu.memory_space<hbm>>
    tpu.wait_indirect_dma semaphore(%arg19 : memref<!tpu.dma_semaphore, #tpu.memory_space<semaphore_mem>>) src(%dma_wait3A_14 : memref<100000x128xf32, #tpu.memory_space<hbm>>) dst(%arg16 : memref<128x128xf32, #tpu.memory_space<vmem>>)
    "tpu.region"() ({
      %run_scoped3A = tpu.sem_alloc : memref<!tpu.dma_semaphore, #tpu.memory_space<semaphore_mem>>
      %dma_start3A_36 = arith.constant 0 : i32
      %dma_start3A_37 = tpu.memref_slice %arg8[%mul3A_2, %dma_start3A_36] : memref<4096x128xf32, #tpu.memory_space<hbm>> -> memref<128x128xf32, #tpu.memory_space<hbm>>
      %dma_start3A_38 = arith.constant 0 : i32
      %dma_start3A_39 = tpu.memref_slice %arg8[%mul3A_2, %dma_start3A_38] : memref<4096x128xf32, #tpu.memory_space<hbm>> -> memref<128x128xf32, #tpu.memory_space<hbm>>
      tpu.enqueue_dma source(%arg16 : memref<128x128xf32, #tpu.memory_space<vmem>>) target(%dma_start3A_39 : memref<128x128xf32, #tpu.memory_space<hbm>>) target_semaphore(%run_scoped3A : memref<!tpu.dma_semaphore, #tpu.memory_space<semaphore_mem>>)
      %dma_wait3A_40 = arith.constant 0 : i32
      %dma_wait3A_41 = tpu.memref_slice %arg8[%mul3A_2, %dma_wait3A_40] : memref<4096x128xf32, #tpu.memory_space<hbm>> -> memref<128x128xf32, #tpu.memory_space<hbm>>
      %dma_wait3A_42 = arith.constant 0 : i32
      %dma_wait3A_43 = tpu.memref_slice %arg8[%mul3A_2, %dma_wait3A_42] : memref<4096x128xf32, #tpu.memory_space<hbm>> -> memref<128x128xf32, #tpu.memory_space<hbm>>
      tpu.wait_dma2 semaphore(%run_scoped3A : memref<!tpu.dma_semaphore, #tpu.memory_space<semaphore_mem>>) src(%arg16 : memref<128x128xf32, #tpu.memory_space<vmem>>) dst(%dma_wait3A_43 : memref<128x128xf32, #tpu.memory_space<hbm>>)
      tpu.yield
    }) : () -> ()
    %dma_start3A_15 = arith.constant 0 : i32
    %dma_start3A_16 = arith.constant 0 : i32
    %dma_start3A_17 = tpu.memref_slice %arg13[%dma_start3A_15, %dma_start3A_16] : memref<1x128xi32, #tpu.memory_space<vmem>> -> memref<1x128xi32, #tpu.memory_space<vmem>>
    %dma_start3A_18 = tpu.memref_squeeze %dma_start3A_17 : memref<1x128xi32, #tpu.memory_space<vmem>> -> memref<128xi32, #tpu.memory_space<vmem>>
    %dma_start3A_19 = arith.constant 0 : i32
    %dma_start3A_20 = arith.constant 0 : i32
    %dma_start3A_21 = tpu.memref_slice %arg6[%dma_start3A_19, %dma_start3A_20] : memref<100000x128xf32, #tpu.memory_space<hbm>> -> memref<100000x128xf32, #tpu.memory_space<hbm>>
    tpu.enqueue_indirect_dma source(%dma_start3A_21 : memref<100000x128xf32, #tpu.memory_space<hbm>>) target(%arg16 : memref<128x128xf32, #tpu.memory_space<vmem>>) offsets(%dma_start3A_18 : memref<128xi32, #tpu.memory_space<vmem>>) semaphore(%arg19 : memref<!tpu.dma_semaphore, #tpu.memory_space<semaphore_mem>>)
    %dma_wait3A_22 = arith.constant 0 : i32
    %dma_wait3A_23 = arith.constant 0 : i32
    %dma_wait3A_24 = tpu.memref_slice %arg13[%dma_wait3A_22, %dma_wait3A_23] : memref<1x128xi32, #tpu.memory_space<vmem>> -> memref<1x128xi32, #tpu.memory_space<vmem>>
    %dma_wait3A_25 = tpu.memref_squeeze %dma_wait3A_24 : memref<1x128xi32, #tpu.memory_space<vmem>> -> memref<128xi32, #tpu.memory_space<vmem>>
    %dma_wait3A_26 = arith.constant 0 : i32
    %dma_wait3A_27 = arith.constant 0 : i32
    %dma_wait3A_28 = tpu.memref_slice %arg6[%dma_wait3A_26, %dma_wait3A_27] : memref<100000x128xf32, #tpu.memory_space<hbm>> -> memref<100000x128xf32, #tpu.memory_space<hbm>>
    tpu.wait_indirect_dma semaphore(%arg19 : memref<!tpu.dma_semaphore, #tpu.memory_space<semaphore_mem>>) src(%dma_wait3A_28 : memref<100000x128xf32, #tpu.memory_space<hbm>>) dst(%arg16 : memref<128x128xf32, #tpu.memory_space<vmem>>)
    "tpu.region"() ({
      %run_scoped3A = tpu.sem_alloc : memref<!tpu.dma_semaphore, #tpu.memory_space<semaphore_mem>>
      %dma_start3A_36 = arith.constant 0 : i32
      %dma_start3A_37 = tpu.memref_slice %arg9[%mul3A_2, %dma_start3A_36] : memref<4096x128xf32, #tpu.memory_space<hbm>> -> memref<128x128xf32, #tpu.memory_space<hbm>>
      %dma_start3A_38 = arith.constant 0 : i32
      %dma_start3A_39 = tpu.memref_slice %arg9[%mul3A_2, %dma_start3A_38] : memref<4096x128xf32, #tpu.memory_space<hbm>> -> memref<128x128xf32, #tpu.memory_space<hbm>>
      tpu.enqueue_dma source(%arg16 : memref<128x128xf32, #tpu.memory_space<vmem>>) target(%dma_start3A_39 : memref<128x128xf32, #tpu.memory_space<hbm>>) target_semaphore(%run_scoped3A : memref<!tpu.dma_semaphore, #tpu.memory_space<semaphore_mem>>)
      %dma_wait3A_40 = arith.constant 0 : i32
      %dma_wait3A_41 = tpu.memref_slice %arg9[%mul3A_2, %dma_wait3A_40] : memref<4096x128xf32, #tpu.memory_space<hbm>> -> memref<128x128xf32, #tpu.memory_space<hbm>>
      %dma_wait3A_42 = arith.constant 0 : i32
      %dma_wait3A_43 = tpu.memref_slice %arg9[%mul3A_2, %dma_wait3A_42] : memref<4096x128xf32, #tpu.memory_space<hbm>> -> memref<128x128xf32, #tpu.memory_space<hbm>>
      tpu.wait_dma2 semaphore(%run_scoped3A : memref<!tpu.dma_semaphore, #tpu.memory_space<semaphore_mem>>) src(%arg16 : memref<128x128xf32, #tpu.memory_space<vmem>>) dst(%dma_wait3A_43 : memref<128x128xf32, #tpu.memory_space<hbm>>)
      tpu.yield
    }) : () -> ()
    %mul3A_29 = arith.constant 2560 : i32
    %mul3A_30 = arith.muli %add3A, %mul3A_29 : i32
    %scan3A = arith.constant 0 : i32
    %scan3A_31 = arith.constant 0 : i32
    %scan3A_32 = arith.constant 20 : i32
    %scan3A_33 = arith.addi %scan3A_31, %scan3A_32 : i32
    %scan3A_34 = arith.constant 1 : i32
    scf.for %scan3A_36 = %scan3A_31 to %scan3A_33 step %scan3A_34  : i32 {
      %mul3A_37 = arith.constant 128 : i32
      %mul3A_38 = arith.muli %scan3A_36, %mul3A_37 : i32
      %add3A_39 = arith.addi %mul3A_30, %mul3A_38 : i32
      %dma_start3A_40 = arith.constant 0 : i32
      %dma_start3A_41 = tpu.memref_slice %arg14[%scan3A_36, %dma_start3A_40] : memref<20x128xi32, #tpu.memory_space<vmem>> -> memref<1x128xi32, #tpu.memory_space<vmem>>
      %dma_start3A_42 = tpu.memref_squeeze %dma_start3A_41 : memref<1x128xi32, #tpu.memory_space<vmem>> -> memref<128xi32, #tpu.memory_space<vmem>>
      %dma_start3A_43 = arith.constant 0 : i32
      %dma_start3A_44 = arith.constant 0 : i32
      %dma_start3A_45 = tpu.memref_slice %arg5[%dma_start3A_43, %dma_start3A_44] : memref<100000x128xf32, #tpu.memory_space<hbm>> -> memref<100000x128xf32, #tpu.memory_space<hbm>>
      tpu.enqueue_indirect_dma source(%dma_start3A_45 : memref<100000x128xf32, #tpu.memory_space<hbm>>) target(%arg17 : memref<128x128xf32, #tpu.memory_space<vmem>>) offsets(%dma_start3A_42 : memref<128xi32, #tpu.memory_space<vmem>>) semaphore(%arg19 : memref<!tpu.dma_semaphore, #tpu.memory_space<semaphore_mem>>)
      %dma_wait3A_46 = arith.constant 0 : i32
      %dma_wait3A_47 = tpu.memref_slice %arg14[%scan3A_36, %dma_wait3A_46] : memref<20x128xi32, #tpu.memory_space<vmem>> -> memref<1x128xi32, #tpu.memory_space<vmem>>
      %dma_wait3A_48 = tpu.memref_squeeze %dma_wait3A_47 : memref<1x128xi32, #tpu.memory_space<vmem>> -> memref<128xi32, #tpu.memory_space<vmem>>
      %dma_wait3A_49 = arith.constant 0 : i32
      %dma_wait3A_50 = arith.constant 0 : i32
      %dma_wait3A_51 = tpu.memref_slice %arg5[%dma_wait3A_49, %dma_wait3A_50] : memref<100000x128xf32, #tpu.memory_space<hbm>> -> memref<100000x128xf32, #tpu.memory_space<hbm>>
      tpu.wait_indirect_dma semaphore(%arg19 : memref<!tpu.dma_semaphore, #tpu.memory_space<semaphore_mem>>) src(%dma_wait3A_51 : memref<100000x128xf32, #tpu.memory_space<hbm>>) dst(%arg17 : memref<128x128xf32, #tpu.memory_space<vmem>>)
      "tpu.region"() ({
        %run_scoped3A = tpu.sem_alloc : memref<!tpu.dma_semaphore, #tpu.memory_space<semaphore_mem>>
        %dma_start3A_76 = arith.constant 0 : i32
        %dma_start3A_77 = tpu.memref_slice %arg10[%add3A_39, %dma_start3A_76] : memref<81920x128xf32, #tpu.memory_space<hbm>> -> memref<128x128xf32, #tpu.memory_space<hbm>>
        %dma_start3A_78 = arith.constant 0 : i32
        %dma_start3A_79 = tpu.memref_slice %arg10[%add3A_39, %dma_start3A_78] : memref<81920x128xf32, #tpu.memory_space<hbm>> -> memref<128x128xf32, #tpu.memory_space<hbm>>
        tpu.enqueue_dma source(%arg17 : memref<128x128xf32, #tpu.memory_space<vmem>>) target(%dma_start3A_79 : memref<128x128xf32, #tpu.memory_space<hbm>>) target_semaphore(%run_scoped3A : memref<!tpu.dma_semaphore, #tpu.memory_space<semaphore_mem>>)
        %dma_wait3A_80 = arith.constant 0 : i32
        %dma_wait3A_81 = tpu.memref_slice %arg10[%add3A_39, %dma_wait3A_80] : memref<81920x128xf32, #tpu.memory_space<hbm>> -> memref<128x128xf32, #tpu.memory_space<hbm>>
        %dma_wait3A_82 = arith.constant 0 : i32
        %dma_wait3A_83 = tpu.memref_slice %arg10[%add3A_39, %dma_wait3A_82] : memref<81920x128xf32, #tpu.memory_space<hbm>> -> memref<128x128xf32, #tpu.memory_space<hbm>>
        tpu.wait_dma2 semaphore(%run_scoped3A : memref<!tpu.dma_semaphore, #tpu.memory_space<semaphore_mem>>) src(%arg17 : memref<128x128xf32, #tpu.memory_space<vmem>>) dst(%dma_wait3A_83 : memref<128x128xf32, #tpu.memory_space<hbm>>)
        tpu.yield
      }) : () -> ()
      %dma_start3A_52 = arith.constant 0 : i32
      %dma_start3A_53 = tpu.memref_slice %arg14[%scan3A_36, %dma_start3A_52] : memref<20x128xi32, #tpu.memory_space<vmem>> -> memref<1x128xi32, #tpu.memory_space<vmem>>
      %dma_start3A_54 = tpu.memref_squeeze %dma_start3A_53 : memref<1x128xi32, #tpu.memory_space<vmem>> -> memref<128xi32, #tpu.memory_space<vmem>>
      %dma_start3A_55 = arith.constant 0 : i32
      %dma_start3A_56 = arith.constant 0 : i32
      %dma_start3A_57 = tpu.memref_slice %arg6[%dma_start3A_55, %dma_start3A_56] : memref<100000x128xf32, #tpu.memory_space<hbm>> -> memref<100000x128xf32, #tpu.memory_space<hbm>>
      tpu.enqueue_indirect_dma source(%dma_start3A_57 : memref<100000x128xf32, #tpu.memory_space<hbm>>) target(%arg17 : memref<128x128xf32, #tpu.memory_space<vmem>>) offsets(%dma_start3A_54 : memref<128xi32, #tpu.memory_space<vmem>>) semaphore(%arg19 : memref<!tpu.dma_semaphore, #tpu.memory_space<semaphore_mem>>)
      %dma_wait3A_58 = arith.constant 0 : i32
      %dma_wait3A_59 = tpu.memref_slice %arg14[%scan3A_36, %dma_wait3A_58] : memref<20x128xi32, #tpu.memory_space<vmem>> -> memref<1x128xi32, #tpu.memory_space<vmem>>
      %dma_wait3A_60 = tpu.memref_squeeze %dma_wait3A_59 : memref<1x128xi32, #tpu.memory_space<vmem>> -> memref<128xi32, #tpu.memory_space<vmem>>
      %dma_wait3A_61 = arith.constant 0 : i32
      %dma_wait3A_62 = arith.constant 0 : i32
      %dma_wait3A_63 = tpu.memref_slice %arg6[%dma_wait3A_61, %dma_wait3A_62] : memref<100000x128xf32, #tpu.memory_space<hbm>> -> memref<100000x128xf32, #tpu.memory_space<hbm>>
      tpu.wait_indirect_dma semaphore(%arg19 : memref<!tpu.dma_semaphore, #tpu.memory_space<semaphore_mem>>) src(%dma_wait3A_63 : memref<100000x128xf32, #tpu.memory_space<hbm>>) dst(%arg17 : memref<128x128xf32, #tpu.memory_space<vmem>>)
      "tpu.region"() ({
        %run_scoped3A = tpu.sem_alloc : memref<!tpu.dma_semaphore, #tpu.memory_space<semaphore_mem>>
        %dma_start3A_76 = arith.constant 0 : i32
        %dma_start3A_77 = tpu.memref_slice %arg11[%add3A_39, %dma_start3A_76] : memref<81920x128xf32, #tpu.memory_space<hbm>> -> memref<128x128xf32, #tpu.memory_space<hbm>>
        %dma_start3A_78 = arith.constant 0 : i32
        %dma_start3A_79 = tpu.memref_slice %arg11[%add3A_39, %dma_start3A_78] : memref<81920x128xf32, #tpu.memory_space<hbm>> -> memref<128x128xf32, #tpu.memory_space<hbm>>
        tpu.enqueue_dma source(%arg17 : memref<128x128xf32, #tpu.memory_space<vmem>>) target(%dma_start3A_79 : memref<128x128xf32, #tpu.memory_space<hbm>>) target_semaphore(%run_scoped3A : memref<!tpu.dma_semaphore, #tpu.memory_space<semaphore_mem>>)
        %dma_wait3A_80 = arith.constant 0 : i32
        %dma_wait3A_81 = tpu.memref_slice %arg11[%add3A_39, %dma_wait3A_80] : memref<81920x128xf32, #tpu.memory_space<hbm>> -> memref<128x128xf32, #tpu.memory_space<hbm>>
        %dma_wait3A_82 = arith.constant 0 : i32
        %dma_wait3A_83 = tpu.memref_slice %arg11[%add3A_39, %dma_wait3A_82] : memref<81920x128xf32, #tpu.memory_space<hbm>> -> memref<128x128xf32, #tpu.memory_space<hbm>>
        tpu.wait_dma2 semaphore(%run_scoped3A : memref<!tpu.dma_semaphore, #tpu.memory_space<semaphore_mem>>) src(%arg17 : memref<128x128xf32, #tpu.memory_space<vmem>>) dst(%dma_wait3A_83 : memref<128x128xf32, #tpu.memory_space<hbm>>)
        tpu.yield
      }) : () -> ()
      %dma_start3A_64 = arith.constant 0 : i32
      %dma_start3A_65 = tpu.memref_slice %arg15[%scan3A_36, %dma_start3A_64] : memref<20x128xi32, #tpu.memory_space<vmem>> -> memref<1x128xi32, #tpu.memory_space<vmem>>
      %dma_start3A_66 = tpu.memref_squeeze %dma_start3A_65 : memref<1x128xi32, #tpu.memory_space<vmem>> -> memref<128xi32, #tpu.memory_space<vmem>>
      %dma_start3A_67 = arith.constant 0 : i32
      %dma_start3A_68 = arith.constant 0 : i32
      %dma_start3A_69 = tpu.memref_slice %arg7[%dma_start3A_67, %dma_start3A_68] : memref<1600000x16xf32, #tpu.memory_space<hbm>> -> memref<1600000x16xf32, #tpu.memory_space<hbm>>
      tpu.enqueue_indirect_dma source(%dma_start3A_69 : memref<1600000x16xf32, #tpu.memory_space<hbm>>) target(%arg18 : memref<128x16xf32, #tpu.memory_space<vmem>>) offsets(%dma_start3A_66 : memref<128xi32, #tpu.memory_space<vmem>>) semaphore(%arg19 : memref<!tpu.dma_semaphore, #tpu.memory_space<semaphore_mem>>)
      %dma_wait3A_70 = arith.constant 0 : i32
      %dma_wait3A_71 = tpu.memref_slice %arg15[%scan3A_36, %dma_wait3A_70] : memref<20x128xi32, #tpu.memory_space<vmem>> -> memref<1x128xi32, #tpu.memory_space<vmem>>
      %dma_wait3A_72 = tpu.memref_squeeze %dma_wait3A_71 : memref<1x128xi32, #tpu.memory_space<vmem>> -> memref<128xi32, #tpu.memory_space<vmem>>
      %dma_wait3A_73 = arith.constant 0 : i32
      %dma_wait3A_74 = arith.constant 0 : i32
      %dma_wait3A_75 = tpu.memref_slice %arg7[%dma_wait3A_73, %dma_wait3A_74] : memref<1600000x16xf32, #tpu.memory_space<hbm>> -> memref<1600000x16xf32, #tpu.memory_space<hbm>>
      tpu.wait_indirect_dma semaphore(%arg19 : memref<!tpu.dma_semaphore, #tpu.memory_space<semaphore_mem>>) src(%dma_wait3A_75 : memref<1600000x16xf32, #tpu.memory_space<hbm>>) dst(%arg18 : memref<128x16xf32, #tpu.memory_space<vmem>>)
      "tpu.region"() ({
        %run_scoped3A = tpu.sem_alloc : memref<!tpu.dma_semaphore, #tpu.memory_space<semaphore_mem>>
        %dma_start3A_76 = arith.constant 0 : i32
        %dma_start3A_77 = tpu.memref_slice %arg12[%add3A_39, %dma_start3A_76] : memref<81920x16xf32, #tpu.memory_space<hbm>> -> memref<128x16xf32, #tpu.memory_space<hbm>>
        %dma_start3A_78 = arith.constant 0 : i32
        %dma_start3A_79 = tpu.memref_slice %arg12[%add3A_39, %dma_start3A_78] : memref<81920x16xf32, #tpu.memory_space<hbm>> -> memref<128x16xf32, #tpu.memory_space<hbm>>
        tpu.enqueue_dma source(%arg18 : memref<128x16xf32, #tpu.memory_space<vmem>>) target(%dma_start3A_79 : memref<128x16xf32, #tpu.memory_space<hbm>>) target_semaphore(%run_scoped3A : memref<!tpu.dma_semaphore, #tpu.memory_space<semaphore_mem>>)
        %dma_wait3A_80 = arith.constant 0 : i32
        %dma_wait3A_81 = tpu.memref_slice %arg12[%add3A_39, %dma_wait3A_80] : memref<81920x16xf32, #tpu.memory_space<hbm>> -> memref<128x16xf32, #tpu.memory_space<hbm>>
        %dma_wait3A_82 = arith.constant 0 : i32
        %dma_wait3A_83 = tpu.memref_slice %arg12[%add3A_39, %dma_wait3A_82] : memref<81920x16xf32, #tpu.memory_space<hbm>> -> memref<128x16xf32, #tpu.memory_space<hbm>>
        tpu.wait_dma2 semaphore(%run_scoped3A : memref<!tpu.dma_semaphore, #tpu.memory_space<semaphore_mem>>) src(%arg18 : memref<128x16xf32, #tpu.memory_space<vmem>>) dst(%dma_wait3A_83 : memref<128x16xf32, #tpu.memory_space<hbm>>)
        tpu.yield
      }) : () -> ()
    }
    %scan3A_35 = arith.constant 20 : i32
    return
  }
}

#map = affine_map<(d0, d1) -> (0, 0, 0)>
#map1 = affine_map<(d0, d1) -> (0, 0)>
module attributes {stable_mosaic.version = 14 : i64} {
  func.func @gather_kernel(%arg0: i32, %arg1: i32, %arg2: memref<32x1x128xi32, #tpu.memory_space<hbm>>, %arg3: memref<32x20x128xi32, #tpu.memory_space<hbm>>, %arg4: memref<32x20x128xi32, #tpu.memory_space<hbm>>, %arg5: memref<100000x128xf32, #tpu.memory_space<hbm>>, %arg6: memref<100000x128xf32, #tpu.memory_space<hbm>>, %arg7: memref<1600000x16xf32, #tpu.memory_space<hbm>>, %arg8: memref<4096x128xf32, #tpu.memory_space<hbm>>, %arg9: memref<4096x128xf32, #tpu.memory_space<hbm>>, %arg10: memref<81920x128xf32, #tpu.memory_space<hbm>>, %arg11: memref<81920x128xf32, #tpu.memory_space<hbm>>, %arg12: memref<81920x16xf32, #tpu.memory_space<hbm>>, %arg13: memref<1x128xi32, #tpu.memory_space<vmem>>, %arg14: memref<20x128xi32, #tpu.memory_space<vmem>>, %arg15: memref<20x128xi32, #tpu.memory_space<vmem>>, %arg16: memref<128x128xf32, #tpu.memory_space<vmem>>, %arg17: memref<128x128xf32, #tpu.memory_space<vmem>>, %arg18: memref<128x16xf32, #tpu.memory_space<vmem>>, %arg19: memref<!tpu.dma_semaphore, #tpu.memory_space<semaphore_mem>>) attributes {dimension_semantics = [#tpu.dimension_semantics<core_parallel>, #tpu.dimension_semantics<subcore_parallel>], iteration_bounds = array<i64: 2, 16>, scalar_prefetch = 0 : i64, scratch_operands = 7 : i64, tpu.core_type = #tpu.core_type<sc_vector_subcore>, window_params = [{transform_indices = #map}, {transform_indices = #map}, {transform_indices = #map}, {transform_indices = #map1}, {transform_indices = #map1}, {transform_indices = #map1}, {transform_indices = #map1}, {transform_indices = #map1}, {transform_indices = #map1}, {transform_indices = #map1}, {transform_indices = #map1}]} {
    %mul3A = arith.constant 2 : i32
    %mul3A_0 = arith.muli %arg1, %mul3A : i32
    %add3A = arith.addi %mul3A_0, %arg0 : i32
    "tpu.region"() ({
      %run_scoped3A = tpu.sem_alloc : memref<!tpu.dma_semaphore, #tpu.memory_space<semaphore_mem>>
      %dma_start3A_36 = arith.constant 0 : i32
      %dma_start3A_37 = arith.constant 0 : i32
      %dma_start3A_38 = tpu.memref_slice %arg2[%add3A, %dma_start3A_36, %dma_start3A_37] : memref<32x1x128xi32, #tpu.memory_space<hbm>> -> memref<1x1x128xi32, #tpu.memory_space<hbm>>
      %dma_start3A_39 = tpu.memref_squeeze %dma_start3A_38 : memref<1x1x128xi32, #tpu.memory_space<hbm>> -> memref<1x128xi32, #tpu.memory_space<hbm>>
      %dma_start3A_40 = arith.constant 0 : i32
      %dma_start3A_41 = arith.constant 0 : i32
      %dma_start3A_42 = tpu.memref_slice %arg2[%add3A, %dma_start3A_40, %dma_start3A_41] : memref<32x1x128xi32, #tpu.memory_space<hbm>> -> memref<1x1x128xi32, #tpu.memory_space<hbm>>
      %dma_start3A_43 = tpu.memref_squeeze %dma_start3A_42 : memref<1x1x128xi32, #tpu.memory_space<hbm>> -> memref<1x128xi32, #tpu.memory_space<hbm>>
      tpu.enqueue_dma source(%dma_start3A_43 : memref<1x128xi32, #tpu.memory_space<hbm>>) target(%arg13 : memref<1x128xi32, #tpu.memory_space<vmem>>) target_semaphore(%run_scoped3A : memref<!tpu.dma_semaphore, #tpu.memory_space<semaphore_mem>>)
      %dma_wait3A_44 = arith.constant 0 : i32
      %dma_wait3A_45 = arith.constant 0 : i32
      %dma_wait3A_46 = tpu.memref_slice %arg2[%add3A, %dma_wait3A_44, %dma_wait3A_45] : memref<32x1x128xi32, #tpu.memory_space<hbm>> -> memref<1x1x128xi32, #tpu.memory_space<hbm>>
      %dma_wait3A_47 = tpu.memref_squeeze %dma_wait3A_46 : memref<1x1x128xi32, #tpu.memory_space<hbm>> -> memref<1x128xi32, #tpu.memory_space<hbm>>
      %dma_wait3A_48 = arith.constant 0 : i32
      %dma_wait3A_49 = arith.constant 0 : i32
      %dma_wait3A_50 = tpu.memref_slice %arg2[%add3A, %dma_wait3A_48, %dma_wait3A_49] : memref<32x1x128xi32, #tpu.memory_space<hbm>> -> memref<1x1x128xi32, #tpu.memory_space<hbm>>
      %dma_wait3A_51 = tpu.memref_squeeze %dma_wait3A_50 : memref<1x1x128xi32, #tpu.memory_space<hbm>> -> memref<1x128xi32, #tpu.memory_space<hbm>>
      tpu.wait_dma2 semaphore(%run_scoped3A : memref<!tpu.dma_semaphore, #tpu.memory_space<semaphore_mem>>) src(%dma_wait3A_51 : memref<1x128xi32, #tpu.memory_space<hbm>>) dst(%arg13 : memref<1x128xi32, #tpu.memory_space<vmem>>)
      tpu.yield
    }) : () -> ()
    "tpu.region"() ({
      %run_scoped3A = tpu.sem_alloc : memref<!tpu.dma_semaphore, #tpu.memory_space<semaphore_mem>>
      %dma_start3A_36 = arith.constant 0 : i32
      %dma_start3A_37 = arith.constant 0 : i32
      %dma_start3A_38 = tpu.memref_slice %arg3[%add3A, %dma_start3A_36, %dma_start3A_37] : memref<32x20x128xi32, #tpu.memory_space<hbm>> -> memref<1x20x128xi32, #tpu.memory_space<hbm>>
      %dma_start3A_39 = tpu.memref_squeeze %dma_start3A_38 : memref<1x20x128xi32, #tpu.memory_space<hbm>> -> memref<20x128xi32, #tpu.memory_space<hbm>>
      %dma_start3A_40 = arith.constant 0 : i32
      %dma_start3A_41 = arith.constant 0 : i32
      %dma_start3A_42 = tpu.memref_slice %arg3[%add3A, %dma_start3A_40, %dma_start3A_41] : memref<32x20x128xi32, #tpu.memory_space<hbm>> -> memref<1x20x128xi32, #tpu.memory_space<hbm>>
      %dma_start3A_43 = tpu.memref_squeeze %dma_start3A_42 : memref<1x20x128xi32, #tpu.memory_space<hbm>> -> memref<20x128xi32, #tpu.memory_space<hbm>>
      tpu.enqueue_dma source(%dma_start3A_43 : memref<20x128xi32, #tpu.memory_space<hbm>>) target(%arg14 : memref<20x128xi32, #tpu.memory_space<vmem>>) target_semaphore(%run_scoped3A : memref<!tpu.dma_semaphore, #tpu.memory_space<semaphore_mem>>)
      %dma_wait3A_44 = arith.constant 0 : i32
      %dma_wait3A_45 = arith.constant 0 : i32
      %dma_wait3A_46 = tpu.memref_slice %arg3[%add3A, %dma_wait3A_44, %dma_wait3A_45] : memref<32x20x128xi32, #tpu.memory_space<hbm>> -> memref<1x20x128xi32, #tpu.memory_space<hbm>>
      %dma_wait3A_47 = tpu.memref_squeeze %dma_wait3A_46 : memref<1x20x128xi32, #tpu.memory_space<hbm>> -> memref<20x128xi32, #tpu.memory_space<hbm>>
      %dma_wait3A_48 = arith.constant 0 : i32
      %dma_wait3A_49 = arith.constant 0 : i32
      %dma_wait3A_50 = tpu.memref_slice %arg3[%add3A, %dma_wait3A_48, %dma_wait3A_49] : memref<32x20x128xi32, #tpu.memory_space<hbm>> -> memref<1x20x128xi32, #tpu.memory_space<hbm>>
      %dma_wait3A_51 = tpu.memref_squeeze %dma_wait3A_50 : memref<1x20x128xi32, #tpu.memory_space<hbm>> -> memref<20x128xi32, #tpu.memory_space<hbm>>
      tpu.wait_dma2 semaphore(%run_scoped3A : memref<!tpu.dma_semaphore, #tpu.memory_space<semaphore_mem>>) src(%dma_wait3A_51 : memref<20x128xi32, #tpu.memory_space<hbm>>) dst(%arg14 : memref<20x128xi32, #tpu.memory_space<vmem>>)
      tpu.yield
    }) : () -> ()
    "tpu.region"() ({
      %run_scoped3A = tpu.sem_alloc : memref<!tpu.dma_semaphore, #tpu.memory_space<semaphore_mem>>
      %dma_start3A_36 = arith.constant 0 : i32
      %dma_start3A_37 = arith.constant 0 : i32
      %dma_start3A_38 = tpu.memref_slice %arg4[%add3A, %dma_start3A_36, %dma_start3A_37] : memref<32x20x128xi32, #tpu.memory_space<hbm>> -> memref<1x20x128xi32, #tpu.memory_space<hbm>>
      %dma_start3A_39 = tpu.memref_squeeze %dma_start3A_38 : memref<1x20x128xi32, #tpu.memory_space<hbm>> -> memref<20x128xi32, #tpu.memory_space<hbm>>
      %dma_start3A_40 = arith.constant 0 : i32
      %dma_start3A_41 = arith.constant 0 : i32
      %dma_start3A_42 = tpu.memref_slice %arg4[%add3A, %dma_start3A_40, %dma_start3A_41] : memref<32x20x128xi32, #tpu.memory_space<hbm>> -> memref<1x20x128xi32, #tpu.memory_space<hbm>>
      %dma_start3A_43 = tpu.memref_squeeze %dma_start3A_42 : memref<1x20x128xi32, #tpu.memory_space<hbm>> -> memref<20x128xi32, #tpu.memory_space<hbm>>
      tpu.enqueue_dma source(%dma_start3A_43 : memref<20x128xi32, #tpu.memory_space<hbm>>) target(%arg15 : memref<20x128xi32, #tpu.memory_space<vmem>>) target_semaphore(%run_scoped3A : memref<!tpu.dma_semaphore, #tpu.memory_space<semaphore_mem>>)
      %dma_wait3A_44 = arith.constant 0 : i32
      %dma_wait3A_45 = arith.constant 0 : i32
      %dma_wait3A_46 = tpu.memref_slice %arg4[%add3A, %dma_wait3A_44, %dma_wait3A_45] : memref<32x20x128xi32, #tpu.memory_space<hbm>> -> memref<1x20x128xi32, #tpu.memory_space<hbm>>
      %dma_wait3A_47 = tpu.memref_squeeze %dma_wait3A_46 : memref<1x20x128xi32, #tpu.memory_space<hbm>> -> memref<20x128xi32, #tpu.memory_space<hbm>>
      %dma_wait3A_48 = arith.constant 0 : i32
      %dma_wait3A_49 = arith.constant 0 : i32
      %dma_wait3A_50 = tpu.memref_slice %arg4[%add3A, %dma_wait3A_48, %dma_wait3A_49] : memref<32x20x128xi32, #tpu.memory_space<hbm>> -> memref<1x20x128xi32, #tpu.memory_space<hbm>>
      %dma_wait3A_51 = tpu.memref_squeeze %dma_wait3A_50 : memref<1x20x128xi32, #tpu.memory_space<hbm>> -> memref<20x128xi32, #tpu.memory_space<hbm>>
      tpu.wait_dma2 semaphore(%run_scoped3A : memref<!tpu.dma_semaphore, #tpu.memory_space<semaphore_mem>>) src(%dma_wait3A_51 : memref<20x128xi32, #tpu.memory_space<hbm>>) dst(%arg15 : memref<20x128xi32, #tpu.memory_space<vmem>>)
      tpu.yield
    }) : () -> ()
    %mul3A_1 = arith.constant 128 : i32
    %mul3A_2 = arith.muli %add3A, %mul3A_1 : i32
    %dma_start3A = arith.constant 0 : i32
    %dma_start3A_3 = arith.constant 0 : i32
    %dma_start3A_4 = tpu.memref_slice %arg13[%dma_start3A, %dma_start3A_3] : memref<1x128xi32, #tpu.memory_space<vmem>> -> memref<1x128xi32, #tpu.memory_space<vmem>>
    %dma_start3A_5 = tpu.memref_squeeze %dma_start3A_4 : memref<1x128xi32, #tpu.memory_space<vmem>> -> memref<128xi32, #tpu.memory_space<vmem>>
    %dma_start3A_6 = arith.constant 0 : i32
    %dma_start3A_7 = arith.constant 0 : i32
    %dma_start3A_8 = tpu.memref_slice %arg5[%dma_start3A_6, %dma_start3A_7] : memref<100000x128xf32, #tpu.memory_space<hbm>> -> memref<100000x128xf32, #tpu.memory_space<hbm>>
    tpu.enqueue_indirect_dma source(%dma_start3A_8 : memref<100000x128xf32, #tpu.memory_space<hbm>>) target(%arg16 : memref<128x128xf32, #tpu.memory_space<vmem>>) offsets(%dma_start3A_5 : memref<128xi32, #tpu.memory_space<vmem>>) semaphore(%arg19 : memref<!tpu.dma_semaphore, #tpu.memory_space<semaphore_mem>>)
    %dma_wait3A = arith.constant 0 : i32
    %dma_wait3A_9 = arith.constant 0 : i32
    %dma_wait3A_10 = tpu.memref_slice %arg13[%dma_wait3A, %dma_wait3A_9] : memref<1x128xi32, #tpu.memory_space<vmem>> -> memref<1x128xi32, #tpu.memory_space<vmem>>
    %dma_wait3A_11 = tpu.memref_squeeze %dma_wait3A_10 : memref<1x128xi32, #tpu.memory_space<vmem>> -> memref<128xi32, #tpu.memory_space<vmem>>
    %dma_wait3A_12 = arith.constant 0 : i32
    %dma_wait3A_13 = arith.constant 0 : i32
    %dma_wait3A_14 = tpu.memref_slice %arg5[%dma_wait3A_12, %dma_wait3A_13] : memref<100000x128xf32, #tpu.memory_space<hbm>> -> memref<100000x128xf32, #tpu.memory_space<hbm>>
    tpu.wait_indirect_dma semaphore(%arg19 : memref<!tpu.dma_semaphore, #tpu.memory_space<semaphore_mem>>) src(%dma_wait3A_14 : memref<100000x128xf32, #tpu.memory_space<hbm>>) dst(%arg16 : memref<128x128xf32, #tpu.memory_space<vmem>>)
    "tpu.region"() ({
      %run_scoped3A = tpu.sem_alloc : memref<!tpu.dma_semaphore, #tpu.memory_space<semaphore_mem>>
      %dma_start3A_36 = arith.constant 0 : i32
      %dma_start3A_37 = tpu.memref_slice %arg8[%mul3A_2, %dma_start3A_36] : memref<4096x128xf32, #tpu.memory_space<hbm>> -> memref<128x128xf32, #tpu.memory_space<hbm>>
      %dma_start3A_38 = arith.constant 0 : i32
      %dma_start3A_39 = tpu.memref_slice %arg8[%mul3A_2, %dma_start3A_38] : memref<4096x128xf32, #tpu.memory_space<hbm>> -> memref<128x128xf32, #tpu.memory_space<hbm>>
      tpu.enqueue_dma source(%arg16 : memref<128x128xf32, #tpu.memory_space<vmem>>) target(%dma_start3A_39 : memref<128x128xf32, #tpu.memory_space<hbm>>) target_semaphore(%run_scoped3A : memref<!tpu.dma_semaphore, #tpu.memory_space<semaphore_mem>>)
      %dma_wait3A_40 = arith.constant 0 : i32
      %dma_wait3A_41 = tpu.memref_slice %arg8[%mul3A_2, %dma_wait3A_40] : memref<4096x128xf32, #tpu.memory_space<hbm>> -> memref<128x128xf32, #tpu.memory_space<hbm>>
      %dma_wait3A_42 = arith.constant 0 : i32
      %dma_wait3A_43 = tpu.memref_slice %arg8[%mul3A_2, %dma_wait3A_42] : memref<4096x128xf32, #tpu.memory_space<hbm>> -> memref<128x128xf32, #tpu.memory_space<hbm>>
      tpu.wait_dma2 semaphore(%run_scoped3A : memref<!tpu.dma_semaphore, #tpu.memory_space<semaphore_mem>>) src(%arg16 : memref<128x128xf32, #tpu.memory_space<vmem>>) dst(%dma_wait3A_43 : memref<128x128xf32, #tpu.memory_space<hbm>>)
      tpu.yield
    }) : () -> ()
    %dma_start3A_15 = arith.constant 0 : i32
    %dma_start3A_16 = arith.constant 0 : i32
    %dma_start3A_17 = tpu.memref_slice %arg13[%dma_start3A_15, %dma_start3A_16] : memref<1x128xi32, #tpu.memory_space<vmem>> -> memref<1x128xi32, #tpu.memory_space<vmem>>
    %dma_start3A_18 = tpu.memref_squeeze %dma_start3A_17 : memref<1x128xi32, #tpu.memory_space<vmem>> -> memref<128xi32, #tpu.memory_space<vmem>>
    %dma_start3A_19 = arith.constant 0 : i32
    %dma_start3A_20 = arith.constant 0 : i32
    %dma_start3A_21 = tpu.memref_slice %arg6[%dma_start3A_19, %dma_start3A_20] : memref<100000x128xf32, #tpu.memory_space<hbm>> -> memref<100000x128xf32, #tpu.memory_space<hbm>>
    tpu.enqueue_indirect_dma source(%dma_start3A_21 : memref<100000x128xf32, #tpu.memory_space<hbm>>) target(%arg16 : memref<128x128xf32, #tpu.memory_space<vmem>>) offsets(%dma_start3A_18 : memref<128xi32, #tpu.memory_space<vmem>>) semaphore(%arg19 : memref<!tpu.dma_semaphore, #tpu.memory_space<semaphore_mem>>)
    %dma_wait3A_22 = arith.constant 0 : i32
    %dma_wait3A_23 = arith.constant 0 : i32
    %dma_wait3A_24 = tpu.memref_slice %arg13[%dma_wait3A_22, %dma_wait3A_23] : memref<1x128xi32, #tpu.memory_space<vmem>> -> memref<1x128xi32, #tpu.memory_space<vmem>>
    %dma_wait3A_25 = tpu.memref_squeeze %dma_wait3A_24 : memref<1x128xi32, #tpu.memory_space<vmem>> -> memref<128xi32, #tpu.memory_space<vmem>>
    %dma_wait3A_26 = arith.constant 0 : i32
    %dma_wait3A_27 = arith.constant 0 : i32
    %dma_wait3A_28 = tpu.memref_slice %arg6[%dma_wait3A_26, %dma_wait3A_27] : memref<100000x128xf32, #tpu.memory_space<hbm>> -> memref<100000x128xf32, #tpu.memory_space<hbm>>
    tpu.wait_indirect_dma semaphore(%arg19 : memref<!tpu.dma_semaphore, #tpu.memory_space<semaphore_mem>>) src(%dma_wait3A_28 : memref<100000x128xf32, #tpu.memory_space<hbm>>) dst(%arg16 : memref<128x128xf32, #tpu.memory_space<vmem>>)
    "tpu.region"() ({
      %run_scoped3A = tpu.sem_alloc : memref<!tpu.dma_semaphore, #tpu.memory_space<semaphore_mem>>
      %dma_start3A_36 = arith.constant 0 : i32
      %dma_start3A_37 = tpu.memref_slice %arg9[%mul3A_2, %dma_start3A_36] : memref<4096x128xf32, #tpu.memory_space<hbm>> -> memref<128x128xf32, #tpu.memory_space<hbm>>
      %dma_start3A_38 = arith.constant 0 : i32
      %dma_start3A_39 = tpu.memref_slice %arg9[%mul3A_2, %dma_start3A_38] : memref<4096x128xf32, #tpu.memory_space<hbm>> -> memref<128x128xf32, #tpu.memory_space<hbm>>
      tpu.enqueue_dma source(%arg16 : memref<128x128xf32, #tpu.memory_space<vmem>>) target(%dma_start3A_39 : memref<128x128xf32, #tpu.memory_space<hbm>>) target_semaphore(%run_scoped3A : memref<!tpu.dma_semaphore, #tpu.memory_space<semaphore_mem>>)
      %dma_wait3A_40 = arith.constant 0 : i32
      %dma_wait3A_41 = tpu.memref_slice %arg9[%mul3A_2, %dma_wait3A_40] : memref<4096x128xf32, #tpu.memory_space<hbm>> -> memref<128x128xf32, #tpu.memory_space<hbm>>
      %dma_wait3A_42 = arith.constant 0 : i32
      %dma_wait3A_43 = tpu.memref_slice %arg9[%mul3A_2, %dma_wait3A_42] : memref<4096x128xf32, #tpu.memory_space<hbm>> -> memref<128x128xf32, #tpu.memory_space<hbm>>
      tpu.wait_dma2 semaphore(%run_scoped3A : memref<!tpu.dma_semaphore, #tpu.memory_space<semaphore_mem>>) src(%arg16 : memref<128x128xf32, #tpu.memory_space<vmem>>) dst(%dma_wait3A_43 : memref<128x128xf32, #tpu.memory_space<hbm>>)
      tpu.yield
    }) : () -> ()
    %mul3A_29 = arith.constant 2560 : i32
    %mul3A_30 = arith.muli %add3A, %mul3A_29 : i32
    %scan3A = arith.constant 0 : i32
    %scan3A_31 = arith.constant 0 : i32
    %scan3A_32 = arith.constant 20 : i32
    %scan3A_33 = arith.addi %scan3A_31, %scan3A_32 : i32
    %scan3A_34 = arith.constant 1 : i32
    scf.for %scan3A_36 = %scan3A_31 to %scan3A_33 step %scan3A_34  : i32 {
      %mul3A_37 = arith.constant 128 : i32
      %mul3A_38 = arith.muli %scan3A_36, %mul3A_37 : i32
      %add3A_39 = arith.addi %mul3A_30, %mul3A_38 : i32
      %dma_start3A_40 = arith.constant 0 : i32
      %dma_start3A_41 = tpu.memref_slice %arg14[%scan3A_36, %dma_start3A_40] : memref<20x128xi32, #tpu.memory_space<vmem>> -> memref<1x128xi32, #tpu.memory_space<vmem>>
      %dma_start3A_42 = tpu.memref_squeeze %dma_start3A_41 : memref<1x128xi32, #tpu.memory_space<vmem>> -> memref<128xi32, #tpu.memory_space<vmem>>
      %dma_start3A_43 = arith.constant 0 : i32
      %dma_start3A_44 = arith.constant 0 : i32
      %dma_start3A_45 = tpu.memref_slice %arg5[%dma_start3A_43, %dma_start3A_44] : memref<100000x128xf32, #tpu.memory_space<hbm>> -> memref<100000x128xf32, #tpu.memory_space<hbm>>
      tpu.enqueue_indirect_dma source(%dma_start3A_45 : memref<100000x128xf32, #tpu.memory_space<hbm>>) target(%arg17 : memref<128x128xf32, #tpu.memory_space<vmem>>) offsets(%dma_start3A_42 : memref<128xi32, #tpu.memory_space<vmem>>) semaphore(%arg19 : memref<!tpu.dma_semaphore, #tpu.memory_space<semaphore_mem>>)
      %dma_wait3A_46 = arith.constant 0 : i32
      %dma_wait3A_47 = tpu.memref_slice %arg14[%scan3A_36, %dma_wait3A_46] : memref<20x128xi32, #tpu.memory_space<vmem>> -> memref<1x128xi32, #tpu.memory_space<vmem>>
      %dma_wait3A_48 = tpu.memref_squeeze %dma_wait3A_47 : memref<1x128xi32, #tpu.memory_space<vmem>> -> memref<128xi32, #tpu.memory_space<vmem>>
      %dma_wait3A_49 = arith.constant 0 : i32
      %dma_wait3A_50 = arith.constant 0 : i32
      %dma_wait3A_51 = tpu.memref_slice %arg5[%dma_wait3A_49, %dma_wait3A_50] : memref<100000x128xf32, #tpu.memory_space<hbm>> -> memref<100000x128xf32, #tpu.memory_space<hbm>>
      tpu.wait_indirect_dma semaphore(%arg19 : memref<!tpu.dma_semaphore, #tpu.memory_space<semaphore_mem>>) src(%dma_wait3A_51 : memref<100000x128xf32, #tpu.memory_space<hbm>>) dst(%arg17 : memref<128x128xf32, #tpu.memory_space<vmem>>)
      "tpu.region"() ({
        %run_scoped3A = tpu.sem_alloc : memref<!tpu.dma_semaphore, #tpu.memory_space<semaphore_mem>>
        %dma_start3A_76 = arith.constant 0 : i32
        %dma_start3A_77 = tpu.memref_slice %arg10[%add3A_39, %dma_start3A_76] : memref<81920x128xf32, #tpu.memory_space<hbm>> -> memref<128x128xf32, #tpu.memory_space<hbm>>
        %dma_start3A_78 = arith.constant 0 : i32
        %dma_start3A_79 = tpu.memref_slice %arg10[%add3A_39, %dma_start3A_78] : memref<81920x128xf32, #tpu.memory_space<hbm>> -> memref<128x128xf32, #tpu.memory_space<hbm>>
        tpu.enqueue_dma source(%arg17 : memref<128x128xf32, #tpu.memory_space<vmem>>) target(%dma_start3A_79 : memref<128x128xf32, #tpu.memory_space<hbm>>) target_semaphore(%run_scoped3A : memref<!tpu.dma_semaphore, #tpu.memory_space<semaphore_mem>>)
        %dma_wait3A_80 = arith.constant 0 : i32
        %dma_wait3A_81 = tpu.memref_slice %arg10[%add3A_39, %dma_wait3A_80] : memref<81920x128xf32, #tpu.memory_space<hbm>> -> memref<128x128xf32, #tpu.memory_space<hbm>>
        %dma_wait3A_82 = arith.constant 0 : i32
        %dma_wait3A_83 = tpu.memref_slice %arg10[%add3A_39, %dma_wait3A_82] : memref<81920x128xf32, #tpu.memory_space<hbm>> -> memref<128x128xf32, #tpu.memory_space<hbm>>
        tpu.wait_dma2 semaphore(%run_scoped3A : memref<!tpu.dma_semaphore, #tpu.memory_space<semaphore_mem>>) src(%arg17 : memref<128x128xf32, #tpu.memory_space<vmem>>) dst(%dma_wait3A_83 : memref<128x128xf32, #tpu.memory_space<hbm>>)
        tpu.yield
      }) : () -> ()
      %dma_start3A_52 = arith.constant 0 : i32
      %dma_start3A_53 = tpu.memref_slice %arg14[%scan3A_36, %dma_start3A_52] : memref<20x128xi32, #tpu.memory_space<vmem>> -> memref<1x128xi32, #tpu.memory_space<vmem>>
      %dma_start3A_54 = tpu.memref_squeeze %dma_start3A_53 : memref<1x128xi32, #tpu.memory_space<vmem>> -> memref<128xi32, #tpu.memory_space<vmem>>
      %dma_start3A_55 = arith.constant 0 : i32
      %dma_start3A_56 = arith.constant 0 : i32
      %dma_start3A_57 = tpu.memref_slice %arg6[%dma_start3A_55, %dma_start3A_56] : memref<100000x128xf32, #tpu.memory_space<hbm>> -> memref<100000x128xf32, #tpu.memory_space<hbm>>
      tpu.enqueue_indirect_dma source(%dma_start3A_57 : memref<100000x128xf32, #tpu.memory_space<hbm>>) target(%arg17 : memref<128x128xf32, #tpu.memory_space<vmem>>) offsets(%dma_start3A_54 : memref<128xi32, #tpu.memory_space<vmem>>) semaphore(%arg19 : memref<!tpu.dma_semaphore, #tpu.memory_space<semaphore_mem>>)
      %dma_wait3A_58 = arith.constant 0 : i32
      %dma_wait3A_59 = tpu.memref_slice %arg14[%scan3A_36, %dma_wait3A_58] : memref<20x128xi32, #tpu.memory_space<vmem>> -> memref<1x128xi32, #tpu.memory_space<vmem>>
      %dma_wait3A_60 = tpu.memref_squeeze %dma_wait3A_59 : memref<1x128xi32, #tpu.memory_space<vmem>> -> memref<128xi32, #tpu.memory_space<vmem>>
      %dma_wait3A_61 = arith.constant 0 : i32
      %dma_wait3A_62 = arith.constant 0 : i32
      %dma_wait3A_63 = tpu.memref_slice %arg6[%dma_wait3A_61, %dma_wait3A_62] : memref<100000x128xf32, #tpu.memory_space<hbm>> -> memref<100000x128xf32, #tpu.memory_space<hbm>>
      tpu.wait_indirect_dma semaphore(%arg19 : memref<!tpu.dma_semaphore, #tpu.memory_space<semaphore_mem>>) src(%dma_wait3A_63 : memref<100000x128xf32, #tpu.memory_space<hbm>>) dst(%arg17 : memref<128x128xf32, #tpu.memory_space<vmem>>)
      "tpu.region"() ({
        %run_scoped3A = tpu.sem_alloc : memref<!tpu.dma_semaphore, #tpu.memory_space<semaphore_mem>>
        %dma_start3A_76 = arith.constant 0 : i32
        %dma_start3A_77 = tpu.memref_slice %arg11[%add3A_39, %dma_start3A_76] : memref<81920x128xf32, #tpu.memory_space<hbm>> -> memref<128x128xf32, #tpu.memory_space<hbm>>
        %dma_start3A_78 = arith.constant 0 : i32
        %dma_start3A_79 = tpu.memref_slice %arg11[%add3A_39, %dma_start3A_78] : memref<81920x128xf32, #tpu.memory_space<hbm>> -> memref<128x128xf32, #tpu.memory_space<hbm>>
        tpu.enqueue_dma source(%arg17 : memref<128x128xf32, #tpu.memory_space<vmem>>) target(%dma_start3A_79 : memref<128x128xf32, #tpu.memory_space<hbm>>) target_semaphore(%run_scoped3A : memref<!tpu.dma_semaphore, #tpu.memory_space<semaphore_mem>>)
        %dma_wait3A_80 = arith.constant 0 : i32
        %dma_wait3A_81 = tpu.memref_slice %arg11[%add3A_39, %dma_wait3A_80] : memref<81920x128xf32, #tpu.memory_space<hbm>> -> memref<128x128xf32, #tpu.memory_space<hbm>>
        %dma_wait3A_82 = arith.constant 0 : i32
        %dma_wait3A_83 = tpu.memref_slice %arg11[%add3A_39, %dma_wait3A_82] : memref<81920x128xf32, #tpu.memory_space<hbm>> -> memref<128x128xf32, #tpu.memory_space<hbm>>
        tpu.wait_dma2 semaphore(%run_scoped3A : memref<!tpu.dma_semaphore, #tpu.memory_space<semaphore_mem>>) src(%arg17 : memref<128x128xf32, #tpu.memory_space<vmem>>) dst(%dma_wait3A_83 : memref<128x128xf32, #tpu.memory_space<hbm>>)
        tpu.yield
      }) : () -> ()
      %dma_start3A_64 = arith.constant 0 : i32
      %dma_start3A_65 = tpu.memref_slice %arg15[%scan3A_36, %dma_start3A_64] : memref<20x128xi32, #tpu.memory_space<vmem>> -> memref<1x128xi32, #tpu.memory_space<vmem>>
      %dma_start3A_66 = tpu.memref_squeeze %dma_start3A_65 : memref<1x128xi32, #tpu.memory_space<vmem>> -> memref<128xi32, #tpu.memory_space<vmem>>
      %dma_start3A_67 = arith.constant 0 : i32
      %dma_start3A_68 = arith.constant 0 : i32
      %dma_start3A_69 = tpu.memref_slice %arg7[%dma_start3A_67, %dma_start3A_68] : memref<1600000x16xf32, #tpu.memory_space<hbm>> -> memref<1600000x16xf32, #tpu.memory_space<hbm>>
      tpu.enqueue_indirect_dma source(%dma_start3A_69 : memref<1600000x16xf32, #tpu.memory_space<hbm>>) target(%arg18 : memref<128x16xf32, #tpu.memory_space<vmem>>) offsets(%dma_start3A_66 : memref<128xi32, #tpu.memory_space<vmem>>) semaphore(%arg19 : memref<!tpu.dma_semaphore, #tpu.memory_space<semaphore_mem>>)
      %dma_wait3A_70 = arith.constant 0 : i32
      %dma_wait3A_71 = tpu.memref_slice %arg15[%scan3A_36, %dma_wait3A_70] : memref<20x128xi32, #tpu.memory_space<vmem>> -> memref<1x128xi32, #tpu.memory_space<vmem>>
      %dma_wait3A_72 = tpu.memref_squeeze %dma_wait3A_71 : memref<1x128xi32, #tpu.memory_space<vmem>> -> memref<128xi32, #tpu.memory_space<vmem>>
      %dma_wait3A_73 = arith.constant 0 : i32
      %dma_wait3A_74 = arith.constant 0 : i32
      %dma_wait3A_75 = tpu.memref_slice %arg7[%dma_wait3A_73, %dma_wait3A_74] : memref<1600000x16xf32, #tpu.memory_space<hbm>> -> memref<1600000x16xf32, #tpu.memory_space<hbm>>
      tpu.wait_indirect_dma semaphore(%arg19 : memref<!tpu.dma_semaphore, #tpu.memory_space<semaphore_mem>>) src(%dma_wait3A_75 : memref<1600000x16xf32, #tpu.memory_space<hbm>>) dst(%arg18 : memref<128x16xf32, #tpu.memory_space<vmem>>)
      "tpu.region"() ({
        %run_scoped3A = tpu.sem_alloc : memref<!tpu.dma_semaphore, #tpu.memory_space<semaphore_mem>>
        %dma_start3A_76 = arith.constant 0 : i32
        %dma_start3A_77 = tpu.memref_slice %arg12[%add3A_39, %dma_start3A_76] : memref<81920x16xf32, #tpu.memory_space<hbm>> -> memref<128x16xf32, #tpu.memory_space<hbm>>
        %dma_start3A_78 = arith.constant 0 : i32
        %dma_start3A_79 = tpu.memref_slice %arg12[%add3A_39, %dma_start3A_78] : memref<81920x16xf32, #tpu.memory_space<hbm>> -> memref<128x16xf32, #tpu.memory_space<hbm>>
        tpu.enqueue_dma source(%arg18 : memref<128x16xf32, #tpu.memory_space<vmem>>) target(%dma_start3A_79 : memref<128x16xf32, #tpu.memory_space<hbm>>) target_semaphore(%run_scoped3A : memref<!tpu.dma_semaphore, #tpu.memory_space<semaphore_mem>>)
        %dma_wait3A_80 = arith.constant 0 : i32
        %dma_wait3A_81 = tpu.memref_slice %arg12[%add3A_39, %dma_wait3A_80] : memref<81920x16xf32, #tpu.memory_space<hbm>> -> memref<128x16xf32, #tpu.memory_space<hbm>>
        %dma_wait3A_82 = arith.constant 0 : i32
        %dma_wait3A_83 = tpu.memref_slice %arg12[%add3A_39, %dma_wait3A_82] : memref<81920x16xf32, #tpu.memory_space<hbm>> -> memref<128x16xf32, #tpu.memory_space<hbm>>
        tpu.wait_dma2 semaphore(%run_scoped3A : memref<!tpu.dma_semaphore, #tpu.memory_space<semaphore_mem>>) src(%arg18 : memref<128x16xf32, #tpu.memory_space<vmem>>) dst(%dma_wait3A_83 : memref<128x16xf32, #tpu.memory_space<hbm>>)
        tpu.yield
      }) : () -> ()
    }
    %scan3A_35 = arith.constant 20 : i32
    return
  }
}

#map = affine_map<(d0, d1) -> (0, 0, 0)>
#map1 = affine_map<(d0, d1) -> (0, 0)>
module attributes {stable_mosaic.version = 14 : i64} {
  func.func @gather_kernel(%arg0: i32, %arg1: i32, %arg2: memref<32x1x128xi32, #tpu.memory_space<hbm>>, %arg3: memref<32x20x128xi32, #tpu.memory_space<hbm>>, %arg4: memref<32x20x128xi32, #tpu.memory_space<hbm>>, %arg5: memref<100000x128xf32, #tpu.memory_space<hbm>>, %arg6: memref<100000x128xf32, #tpu.memory_space<hbm>>, %arg7: memref<1600000x16xf32, #tpu.memory_space<hbm>>, %arg8: memref<4096x128xf32, #tpu.memory_space<hbm>>, %arg9: memref<4096x128xf32, #tpu.memory_space<hbm>>, %arg10: memref<81920x128xf32, #tpu.memory_space<hbm>>, %arg11: memref<81920x128xf32, #tpu.memory_space<hbm>>, %arg12: memref<81920x16xf32, #tpu.memory_space<hbm>>, %arg13: memref<1x128xi32, #tpu.memory_space<vmem>>, %arg14: memref<20x128xi32, #tpu.memory_space<vmem>>, %arg15: memref<20x128xi32, #tpu.memory_space<vmem>>, %arg16: memref<128x128xf32, #tpu.memory_space<vmem>>, %arg17: memref<128x128xf32, #tpu.memory_space<vmem>>, %arg18: memref<128x16xf32, #tpu.memory_space<vmem>>, %arg19: memref<!tpu.dma_semaphore, #tpu.memory_space<semaphore_mem>>) attributes {dimension_semantics = [#tpu.dimension_semantics<core_parallel>, #tpu.dimension_semantics<subcore_parallel>], iteration_bounds = array<i64: 2, 16>, scalar_prefetch = 0 : i64, scratch_operands = 7 : i64, tpu.core_type = #tpu.core_type<sc_vector_subcore>, window_params = [{transform_indices = #map}, {transform_indices = #map}, {transform_indices = #map}, {transform_indices = #map1}, {transform_indices = #map1}, {transform_indices = #map1}, {transform_indices = #map1}, {transform_indices = #map1}, {transform_indices = #map1}, {transform_indices = #map1}, {transform_indices = #map1}]} {
    %mul3A = arith.constant 2 : i32
    %mul3A_0 = arith.muli %arg1, %mul3A : i32
    %add3A = arith.addi %mul3A_0, %arg0 : i32
    "tpu.region"() ({
      %run_scoped3A = tpu.sem_alloc : memref<!tpu.dma_semaphore, #tpu.memory_space<semaphore_mem>>
      %dma_start3A_36 = arith.constant 0 : i32
      %dma_start3A_37 = arith.constant 0 : i32
      %dma_start3A_38 = tpu.memref_slice %arg2[%add3A, %dma_start3A_36, %dma_start3A_37] : memref<32x1x128xi32, #tpu.memory_space<hbm>> -> memref<1x1x128xi32, #tpu.memory_space<hbm>>
      %dma_start3A_39 = tpu.memref_squeeze %dma_start3A_38 : memref<1x1x128xi32, #tpu.memory_space<hbm>> -> memref<1x128xi32, #tpu.memory_space<hbm>>
      %dma_start3A_40 = arith.constant 0 : i32
      %dma_start3A_41 = arith.constant 0 : i32
      %dma_start3A_42 = tpu.memref_slice %arg2[%add3A, %dma_start3A_40, %dma_start3A_41] : memref<32x1x128xi32, #tpu.memory_space<hbm>> -> memref<1x1x128xi32, #tpu.memory_space<hbm>>
      %dma_start3A_43 = tpu.memref_squeeze %dma_start3A_42 : memref<1x1x128xi32, #tpu.memory_space<hbm>> -> memref<1x128xi32, #tpu.memory_space<hbm>>
      tpu.enqueue_dma source(%dma_start3A_43 : memref<1x128xi32, #tpu.memory_space<hbm>>) target(%arg13 : memref<1x128xi32, #tpu.memory_space<vmem>>) target_semaphore(%run_scoped3A : memref<!tpu.dma_semaphore, #tpu.memory_space<semaphore_mem>>)
      %dma_wait3A_44 = arith.constant 0 : i32
      %dma_wait3A_45 = arith.constant 0 : i32
      %dma_wait3A_46 = tpu.memref_slice %arg2[%add3A, %dma_wait3A_44, %dma_wait3A_45] : memref<32x1x128xi32, #tpu.memory_space<hbm>> -> memref<1x1x128xi32, #tpu.memory_space<hbm>>
      %dma_wait3A_47 = tpu.memref_squeeze %dma_wait3A_46 : memref<1x1x128xi32, #tpu.memory_space<hbm>> -> memref<1x128xi32, #tpu.memory_space<hbm>>
      %dma_wait3A_48 = arith.constant 0 : i32
      %dma_wait3A_49 = arith.constant 0 : i32
      %dma_wait3A_50 = tpu.memref_slice %arg2[%add3A, %dma_wait3A_48, %dma_wait3A_49] : memref<32x1x128xi32, #tpu.memory_space<hbm>> -> memref<1x1x128xi32, #tpu.memory_space<hbm>>
      %dma_wait3A_51 = tpu.memref_squeeze %dma_wait3A_50 : memref<1x1x128xi32, #tpu.memory_space<hbm>> -> memref<1x128xi32, #tpu.memory_space<hbm>>
      tpu.wait_dma2 semaphore(%run_scoped3A : memref<!tpu.dma_semaphore, #tpu.memory_space<semaphore_mem>>) src(%dma_wait3A_51 : memref<1x128xi32, #tpu.memory_space<hbm>>) dst(%arg13 : memref<1x128xi32, #tpu.memory_space<vmem>>)
      tpu.yield
    }) : () -> ()
    "tpu.region"() ({
      %run_scoped3A = tpu.sem_alloc : memref<!tpu.dma_semaphore, #tpu.memory_space<semaphore_mem>>
      %dma_start3A_36 = arith.constant 0 : i32
      %dma_start3A_37 = arith.constant 0 : i32
      %dma_start3A_38 = tpu.memref_slice %arg3[%add3A, %dma_start3A_36, %dma_start3A_37] : memref<32x20x128xi32, #tpu.memory_space<hbm>> -> memref<1x20x128xi32, #tpu.memory_space<hbm>>
      %dma_start3A_39 = tpu.memref_squeeze %dma_start3A_38 : memref<1x20x128xi32, #tpu.memory_space<hbm>> -> memref<20x128xi32, #tpu.memory_space<hbm>>
      %dma_start3A_40 = arith.constant 0 : i32
      %dma_start3A_41 = arith.constant 0 : i32
      %dma_start3A_42 = tpu.memref_slice %arg3[%add3A, %dma_start3A_40, %dma_start3A_41] : memref<32x20x128xi32, #tpu.memory_space<hbm>> -> memref<1x20x128xi32, #tpu.memory_space<hbm>>
      %dma_start3A_43 = tpu.memref_squeeze %dma_start3A_42 : memref<1x20x128xi32, #tpu.memory_space<hbm>> -> memref<20x128xi32, #tpu.memory_space<hbm>>
      tpu.enqueue_dma source(%dma_start3A_43 : memref<20x128xi32, #tpu.memory_space<hbm>>) target(%arg14 : memref<20x128xi32, #tpu.memory_space<vmem>>) target_semaphore(%run_scoped3A : memref<!tpu.dma_semaphore, #tpu.memory_space<semaphore_mem>>)
      %dma_wait3A_44 = arith.constant 0 : i32
      %dma_wait3A_45 = arith.constant 0 : i32
      %dma_wait3A_46 = tpu.memref_slice %arg3[%add3A, %dma_wait3A_44, %dma_wait3A_45] : memref<32x20x128xi32, #tpu.memory_space<hbm>> -> memref<1x20x128xi32, #tpu.memory_space<hbm>>
      %dma_wait3A_47 = tpu.memref_squeeze %dma_wait3A_46 : memref<1x20x128xi32, #tpu.memory_space<hbm>> -> memref<20x128xi32, #tpu.memory_space<hbm>>
      %dma_wait3A_48 = arith.constant 0 : i32
      %dma_wait3A_49 = arith.constant 0 : i32
      %dma_wait3A_50 = tpu.memref_slice %arg3[%add3A, %dma_wait3A_48, %dma_wait3A_49] : memref<32x20x128xi32, #tpu.memory_space<hbm>> -> memref<1x20x128xi32, #tpu.memory_space<hbm>>
      %dma_wait3A_51 = tpu.memref_squeeze %dma_wait3A_50 : memref<1x20x128xi32, #tpu.memory_space<hbm>> -> memref<20x128xi32, #tpu.memory_space<hbm>>
      tpu.wait_dma2 semaphore(%run_scoped3A : memref<!tpu.dma_semaphore, #tpu.memory_space<semaphore_mem>>) src(%dma_wait3A_51 : memref<20x128xi32, #tpu.memory_space<hbm>>) dst(%arg14 : memref<20x128xi32, #tpu.memory_space<vmem>>)
      tpu.yield
    }) : () -> ()
    "tpu.region"() ({
      %run_scoped3A = tpu.sem_alloc : memref<!tpu.dma_semaphore, #tpu.memory_space<semaphore_mem>>
      %dma_start3A_36 = arith.constant 0 : i32
      %dma_start3A_37 = arith.constant 0 : i32
      %dma_start3A_38 = tpu.memref_slice %arg4[%add3A, %dma_start3A_36, %dma_start3A_37] : memref<32x20x128xi32, #tpu.memory_space<hbm>> -> memref<1x20x128xi32, #tpu.memory_space<hbm>>
      %dma_start3A_39 = tpu.memref_squeeze %dma_start3A_38 : memref<1x20x128xi32, #tpu.memory_space<hbm>> -> memref<20x128xi32, #tpu.memory_space<hbm>>
      %dma_start3A_40 = arith.constant 0 : i32
      %dma_start3A_41 = arith.constant 0 : i32
      %dma_start3A_42 = tpu.memref_slice %arg4[%add3A, %dma_start3A_40, %dma_start3A_41] : memref<32x20x128xi32, #tpu.memory_space<hbm>> -> memref<1x20x128xi32, #tpu.memory_space<hbm>>
      %dma_start3A_43 = tpu.memref_squeeze %dma_start3A_42 : memref<1x20x128xi32, #tpu.memory_space<hbm>> -> memref<20x128xi32, #tpu.memory_space<hbm>>
      tpu.enqueue_dma source(%dma_start3A_43 : memref<20x128xi32, #tpu.memory_space<hbm>>) target(%arg15 : memref<20x128xi32, #tpu.memory_space<vmem>>) target_semaphore(%run_scoped3A : memref<!tpu.dma_semaphore, #tpu.memory_space<semaphore_mem>>)
      %dma_wait3A_44 = arith.constant 0 : i32
      %dma_wait3A_45 = arith.constant 0 : i32
      %dma_wait3A_46 = tpu.memref_slice %arg4[%add3A, %dma_wait3A_44, %dma_wait3A_45] : memref<32x20x128xi32, #tpu.memory_space<hbm>> -> memref<1x20x128xi32, #tpu.memory_space<hbm>>
      %dma_wait3A_47 = tpu.memref_squeeze %dma_wait3A_46 : memref<1x20x128xi32, #tpu.memory_space<hbm>> -> memref<20x128xi32, #tpu.memory_space<hbm>>
      %dma_wait3A_48 = arith.constant 0 : i32
      %dma_wait3A_49 = arith.constant 0 : i32
      %dma_wait3A_50 = tpu.memref_slice %arg4[%add3A, %dma_wait3A_48, %dma_wait3A_49] : memref<32x20x128xi32, #tpu.memory_space<hbm>> -> memref<1x20x128xi32, #tpu.memory_space<hbm>>
      %dma_wait3A_51 = tpu.memref_squeeze %dma_wait3A_50 : memref<1x20x128xi32, #tpu.memory_space<hbm>> -> memref<20x128xi32, #tpu.memory_space<hbm>>
      tpu.wait_dma2 semaphore(%run_scoped3A : memref<!tpu.dma_semaphore, #tpu.memory_space<semaphore_mem>>) src(%dma_wait3A_51 : memref<20x128xi32, #tpu.memory_space<hbm>>) dst(%arg15 : memref<20x128xi32, #tpu.memory_space<vmem>>)
      tpu.yield
    }) : () -> ()
    %mul3A_1 = arith.constant 128 : i32
    %mul3A_2 = arith.muli %add3A, %mul3A_1 : i32
    %dma_start3A = arith.constant 0 : i32
    %dma_start3A_3 = arith.constant 0 : i32
    %dma_start3A_4 = tpu.memref_slice %arg13[%dma_start3A, %dma_start3A_3] : memref<1x128xi32, #tpu.memory_space<vmem>> -> memref<1x128xi32, #tpu.memory_space<vmem>>
    %dma_start3A_5 = tpu.memref_squeeze %dma_start3A_4 : memref<1x128xi32, #tpu.memory_space<vmem>> -> memref<128xi32, #tpu.memory_space<vmem>>
    %dma_start3A_6 = arith.constant 0 : i32
    %dma_start3A_7 = arith.constant 0 : i32
    %dma_start3A_8 = tpu.memref_slice %arg5[%dma_start3A_6, %dma_start3A_7] : memref<100000x128xf32, #tpu.memory_space<hbm>> -> memref<100000x128xf32, #tpu.memory_space<hbm>>
    tpu.enqueue_indirect_dma source(%dma_start3A_8 : memref<100000x128xf32, #tpu.memory_space<hbm>>) target(%arg16 : memref<128x128xf32, #tpu.memory_space<vmem>>) offsets(%dma_start3A_5 : memref<128xi32, #tpu.memory_space<vmem>>) semaphore(%arg19 : memref<!tpu.dma_semaphore, #tpu.memory_space<semaphore_mem>>)
    %dma_wait3A = arith.constant 0 : i32
    %dma_wait3A_9 = arith.constant 0 : i32
    %dma_wait3A_10 = tpu.memref_slice %arg13[%dma_wait3A, %dma_wait3A_9] : memref<1x128xi32, #tpu.memory_space<vmem>> -> memref<1x128xi32, #tpu.memory_space<vmem>>
    %dma_wait3A_11 = tpu.memref_squeeze %dma_wait3A_10 : memref<1x128xi32, #tpu.memory_space<vmem>> -> memref<128xi32, #tpu.memory_space<vmem>>
    %dma_wait3A_12 = arith.constant 0 : i32
    %dma_wait3A_13 = arith.constant 0 : i32
    %dma_wait3A_14 = tpu.memref_slice %arg5[%dma_wait3A_12, %dma_wait3A_13] : memref<100000x128xf32, #tpu.memory_space<hbm>> -> memref<100000x128xf32, #tpu.memory_space<hbm>>
    tpu.wait_indirect_dma semaphore(%arg19 : memref<!tpu.dma_semaphore, #tpu.memory_space<semaphore_mem>>) src(%dma_wait3A_14 : memref<100000x128xf32, #tpu.memory_space<hbm>>) dst(%arg16 : memref<128x128xf32, #tpu.memory_space<vmem>>)
    "tpu.region"() ({
      %run_scoped3A = tpu.sem_alloc : memref<!tpu.dma_semaphore, #tpu.memory_space<semaphore_mem>>
      %dma_start3A_36 = arith.constant 0 : i32
      %dma_start3A_37 = tpu.memref_slice %arg8[%mul3A_2, %dma_start3A_36] : memref<4096x128xf32, #tpu.memory_space<hbm>> -> memref<128x128xf32, #tpu.memory_space<hbm>>
      %dma_start3A_38 = arith.constant 0 : i32
      %dma_start3A_39 = tpu.memref_slice %arg8[%mul3A_2, %dma_start3A_38] : memref<4096x128xf32, #tpu.memory_space<hbm>> -> memref<128x128xf32, #tpu.memory_space<hbm>>
      tpu.enqueue_dma source(%arg16 : memref<128x128xf32, #tpu.memory_space<vmem>>) target(%dma_start3A_39 : memref<128x128xf32, #tpu.memory_space<hbm>>) target_semaphore(%run_scoped3A : memref<!tpu.dma_semaphore, #tpu.memory_space<semaphore_mem>>)
      %dma_wait3A_40 = arith.constant 0 : i32
      %dma_wait3A_41 = tpu.memref_slice %arg8[%mul3A_2, %dma_wait3A_40] : memref<4096x128xf32, #tpu.memory_space<hbm>> -> memref<128x128xf32, #tpu.memory_space<hbm>>
      %dma_wait3A_42 = arith.constant 0 : i32
      %dma_wait3A_43 = tpu.memref_slice %arg8[%mul3A_2, %dma_wait3A_42] : memref<4096x128xf32, #tpu.memory_space<hbm>> -> memref<128x128xf32, #tpu.memory_space<hbm>>
      tpu.wait_dma2 semaphore(%run_scoped3A : memref<!tpu.dma_semaphore, #tpu.memory_space<semaphore_mem>>) src(%arg16 : memref<128x128xf32, #tpu.memory_space<vmem>>) dst(%dma_wait3A_43 : memref<128x128xf32, #tpu.memory_space<hbm>>)
      tpu.yield
    }) : () -> ()
    %dma_start3A_15 = arith.constant 0 : i32
    %dma_start3A_16 = arith.constant 0 : i32
    %dma_start3A_17 = tpu.memref_slice %arg13[%dma_start3A_15, %dma_start3A_16] : memref<1x128xi32, #tpu.memory_space<vmem>> -> memref<1x128xi32, #tpu.memory_space<vmem>>
    %dma_start3A_18 = tpu.memref_squeeze %dma_start3A_17 : memref<1x128xi32, #tpu.memory_space<vmem>> -> memref<128xi32, #tpu.memory_space<vmem>>
    %dma_start3A_19 = arith.constant 0 : i32
    %dma_start3A_20 = arith.constant 0 : i32
    %dma_start3A_21 = tpu.memref_slice %arg6[%dma_start3A_19, %dma_start3A_20] : memref<100000x128xf32, #tpu.memory_space<hbm>> -> memref<100000x128xf32, #tpu.memory_space<hbm>>
    tpu.enqueue_indirect_dma source(%dma_start3A_21 : memref<100000x128xf32, #tpu.memory_space<hbm>>) target(%arg16 : memref<128x128xf32, #tpu.memory_space<vmem>>) offsets(%dma_start3A_18 : memref<128xi32, #tpu.memory_space<vmem>>) semaphore(%arg19 : memref<!tpu.dma_semaphore, #tpu.memory_space<semaphore_mem>>)
    %dma_wait3A_22 = arith.constant 0 : i32
    %dma_wait3A_23 = arith.constant 0 : i32
    %dma_wait3A_24 = tpu.memref_slice %arg13[%dma_wait3A_22, %dma_wait3A_23] : memref<1x128xi32, #tpu.memory_space<vmem>> -> memref<1x128xi32, #tpu.memory_space<vmem>>
    %dma_wait3A_25 = tpu.memref_squeeze %dma_wait3A_24 : memref<1x128xi32, #tpu.memory_space<vmem>> -> memref<128xi32, #tpu.memory_space<vmem>>
    %dma_wait3A_26 = arith.constant 0 : i32
    %dma_wait3A_27 = arith.constant 0 : i32
    %dma_wait3A_28 = tpu.memref_slice %arg6[%dma_wait3A_26, %dma_wait3A_27] : memref<100000x128xf32, #tpu.memory_space<hbm>> -> memref<100000x128xf32, #tpu.memory_space<hbm>>
    tpu.wait_indirect_dma semaphore(%arg19 : memref<!tpu.dma_semaphore, #tpu.memory_space<semaphore_mem>>) src(%dma_wait3A_28 : memref<100000x128xf32, #tpu.memory_space<hbm>>) dst(%arg16 : memref<128x128xf32, #tpu.memory_space<vmem>>)
    "tpu.region"() ({
      %run_scoped3A = tpu.sem_alloc : memref<!tpu.dma_semaphore, #tpu.memory_space<semaphore_mem>>
      %dma_start3A_36 = arith.constant 0 : i32
      %dma_start3A_37 = tpu.memref_slice %arg9[%mul3A_2, %dma_start3A_36] : memref<4096x128xf32, #tpu.memory_space<hbm>> -> memref<128x128xf32, #tpu.memory_space<hbm>>
      %dma_start3A_38 = arith.constant 0 : i32
      %dma_start3A_39 = tpu.memref_slice %arg9[%mul3A_2, %dma_start3A_38] : memref<4096x128xf32, #tpu.memory_space<hbm>> -> memref<128x128xf32, #tpu.memory_space<hbm>>
      tpu.enqueue_dma source(%arg16 : memref<128x128xf32, #tpu.memory_space<vmem>>) target(%dma_start3A_39 : memref<128x128xf32, #tpu.memory_space<hbm>>) target_semaphore(%run_scoped3A : memref<!tpu.dma_semaphore, #tpu.memory_space<semaphore_mem>>)
      %dma_wait3A_40 = arith.constant 0 : i32
      %dma_wait3A_41 = tpu.memref_slice %arg9[%mul3A_2, %dma_wait3A_40] : memref<4096x128xf32, #tpu.memory_space<hbm>> -> memref<128x128xf32, #tpu.memory_space<hbm>>
      %dma_wait3A_42 = arith.constant 0 : i32
      %dma_wait3A_43 = tpu.memref_slice %arg9[%mul3A_2, %dma_wait3A_42] : memref<4096x128xf32, #tpu.memory_space<hbm>> -> memref<128x128xf32, #tpu.memory_space<hbm>>
      tpu.wait_dma2 semaphore(%run_scoped3A : memref<!tpu.dma_semaphore, #tpu.memory_space<semaphore_mem>>) src(%arg16 : memref<128x128xf32, #tpu.memory_space<vmem>>) dst(%dma_wait3A_43 : memref<128x128xf32, #tpu.memory_space<hbm>>)
      tpu.yield
    }) : () -> ()
    %mul3A_29 = arith.constant 2560 : i32
    %mul3A_30 = arith.muli %add3A, %mul3A_29 : i32
    %scan3A = arith.constant 0 : i32
    %scan3A_31 = arith.constant 0 : i32
    %scan3A_32 = arith.constant 20 : i32
    %scan3A_33 = arith.addi %scan3A_31, %scan3A_32 : i32
    %scan3A_34 = arith.constant 1 : i32
    scf.for %scan3A_36 = %scan3A_31 to %scan3A_33 step %scan3A_34  : i32 {
      %mul3A_37 = arith.constant 128 : i32
      %mul3A_38 = arith.muli %scan3A_36, %mul3A_37 : i32
      %add3A_39 = arith.addi %mul3A_30, %mul3A_38 : i32
      %dma_start3A_40 = arith.constant 0 : i32
      %dma_start3A_41 = tpu.memref_slice %arg14[%scan3A_36, %dma_start3A_40] : memref<20x128xi32, #tpu.memory_space<vmem>> -> memref<1x128xi32, #tpu.memory_space<vmem>>
      %dma_start3A_42 = tpu.memref_squeeze %dma_start3A_41 : memref<1x128xi32, #tpu.memory_space<vmem>> -> memref<128xi32, #tpu.memory_space<vmem>>
      %dma_start3A_43 = arith.constant 0 : i32
      %dma_start3A_44 = arith.constant 0 : i32
      %dma_start3A_45 = tpu.memref_slice %arg5[%dma_start3A_43, %dma_start3A_44] : memref<100000x128xf32, #tpu.memory_space<hbm>> -> memref<100000x128xf32, #tpu.memory_space<hbm>>
      tpu.enqueue_indirect_dma source(%dma_start3A_45 : memref<100000x128xf32, #tpu.memory_space<hbm>>) target(%arg17 : memref<128x128xf32, #tpu.memory_space<vmem>>) offsets(%dma_start3A_42 : memref<128xi32, #tpu.memory_space<vmem>>) semaphore(%arg19 : memref<!tpu.dma_semaphore, #tpu.memory_space<semaphore_mem>>)
      %dma_wait3A_46 = arith.constant 0 : i32
      %dma_wait3A_47 = tpu.memref_slice %arg14[%scan3A_36, %dma_wait3A_46] : memref<20x128xi32, #tpu.memory_space<vmem>> -> memref<1x128xi32, #tpu.memory_space<vmem>>
      %dma_wait3A_48 = tpu.memref_squeeze %dma_wait3A_47 : memref<1x128xi32, #tpu.memory_space<vmem>> -> memref<128xi32, #tpu.memory_space<vmem>>
      %dma_wait3A_49 = arith.constant 0 : i32
      %dma_wait3A_50 = arith.constant 0 : i32
      %dma_wait3A_51 = tpu.memref_slice %arg5[%dma_wait3A_49, %dma_wait3A_50] : memref<100000x128xf32, #tpu.memory_space<hbm>> -> memref<100000x128xf32, #tpu.memory_space<hbm>>
      tpu.wait_indirect_dma semaphore(%arg19 : memref<!tpu.dma_semaphore, #tpu.memory_space<semaphore_mem>>) src(%dma_wait3A_51 : memref<100000x128xf32, #tpu.memory_space<hbm>>) dst(%arg17 : memref<128x128xf32, #tpu.memory_space<vmem>>)
      "tpu.region"() ({
        %run_scoped3A = tpu.sem_alloc : memref<!tpu.dma_semaphore, #tpu.memory_space<semaphore_mem>>
        %dma_start3A_76 = arith.constant 0 : i32
        %dma_start3A_77 = tpu.memref_slice %arg10[%add3A_39, %dma_start3A_76] : memref<81920x128xf32, #tpu.memory_space<hbm>> -> memref<128x128xf32, #tpu.memory_space<hbm>>
        %dma_start3A_78 = arith.constant 0 : i32
        %dma_start3A_79 = tpu.memref_slice %arg10[%add3A_39, %dma_start3A_78] : memref<81920x128xf32, #tpu.memory_space<hbm>> -> memref<128x128xf32, #tpu.memory_space<hbm>>
        tpu.enqueue_dma source(%arg17 : memref<128x128xf32, #tpu.memory_space<vmem>>) target(%dma_start3A_79 : memref<128x128xf32, #tpu.memory_space<hbm>>) target_semaphore(%run_scoped3A : memref<!tpu.dma_semaphore, #tpu.memory_space<semaphore_mem>>)
        %dma_wait3A_80 = arith.constant 0 : i32
        %dma_wait3A_81 = tpu.memref_slice %arg10[%add3A_39, %dma_wait3A_80] : memref<81920x128xf32, #tpu.memory_space<hbm>> -> memref<128x128xf32, #tpu.memory_space<hbm>>
        %dma_wait3A_82 = arith.constant 0 : i32
        %dma_wait3A_83 = tpu.memref_slice %arg10[%add3A_39, %dma_wait3A_82] : memref<81920x128xf32, #tpu.memory_space<hbm>> -> memref<128x128xf32, #tpu.memory_space<hbm>>
        tpu.wait_dma2 semaphore(%run_scoped3A : memref<!tpu.dma_semaphore, #tpu.memory_space<semaphore_mem>>) src(%arg17 : memref<128x128xf32, #tpu.memory_space<vmem>>) dst(%dma_wait3A_83 : memref<128x128xf32, #tpu.memory_space<hbm>>)
        tpu.yield
      }) : () -> ()
      %dma_start3A_52 = arith.constant 0 : i32
      %dma_start3A_53 = tpu.memref_slice %arg14[%scan3A_36, %dma_start3A_52] : memref<20x128xi32, #tpu.memory_space<vmem>> -> memref<1x128xi32, #tpu.memory_space<vmem>>
      %dma_start3A_54 = tpu.memref_squeeze %dma_start3A_53 : memref<1x128xi32, #tpu.memory_space<vmem>> -> memref<128xi32, #tpu.memory_space<vmem>>
      %dma_start3A_55 = arith.constant 0 : i32
      %dma_start3A_56 = arith.constant 0 : i32
      %dma_start3A_57 = tpu.memref_slice %arg6[%dma_start3A_55, %dma_start3A_56] : memref<100000x128xf32, #tpu.memory_space<hbm>> -> memref<100000x128xf32, #tpu.memory_space<hbm>>
      tpu.enqueue_indirect_dma source(%dma_start3A_57 : memref<100000x128xf32, #tpu.memory_space<hbm>>) target(%arg17 : memref<128x128xf32, #tpu.memory_space<vmem>>) offsets(%dma_start3A_54 : memref<128xi32, #tpu.memory_space<vmem>>) semaphore(%arg19 : memref<!tpu.dma_semaphore, #tpu.memory_space<semaphore_mem>>)
      %dma_wait3A_58 = arith.constant 0 : i32
      %dma_wait3A_59 = tpu.memref_slice %arg14[%scan3A_36, %dma_wait3A_58] : memref<20x128xi32, #tpu.memory_space<vmem>> -> memref<1x128xi32, #tpu.memory_space<vmem>>
      %dma_wait3A_60 = tpu.memref_squeeze %dma_wait3A_59 : memref<1x128xi32, #tpu.memory_space<vmem>> -> memref<128xi32, #tpu.memory_space<vmem>>
      %dma_wait3A_61 = arith.constant 0 : i32
      %dma_wait3A_62 = arith.constant 0 : i32
      %dma_wait3A_63 = tpu.memref_slice %arg6[%dma_wait3A_61, %dma_wait3A_62] : memref<100000x128xf32, #tpu.memory_space<hbm>> -> memref<100000x128xf32, #tpu.memory_space<hbm>>
      tpu.wait_indirect_dma semaphore(%arg19 : memref<!tpu.dma_semaphore, #tpu.memory_space<semaphore_mem>>) src(%dma_wait3A_63 : memref<100000x128xf32, #tpu.memory_space<hbm>>) dst(%arg17 : memref<128x128xf32, #tpu.memory_space<vmem>>)
      "tpu.region"() ({
        %run_scoped3A = tpu.sem_alloc : memref<!tpu.dma_semaphore, #tpu.memory_space<semaphore_mem>>
        %dma_start3A_76 = arith.constant 0 : i32
        %dma_start3A_77 = tpu.memref_slice %arg11[%add3A_39, %dma_start3A_76] : memref<81920x128xf32, #tpu.memory_space<hbm>> -> memref<128x128xf32, #tpu.memory_space<hbm>>
        %dma_start3A_78 = arith.constant 0 : i32
        %dma_start3A_79 = tpu.memref_slice %arg11[%add3A_39, %dma_start3A_78] : memref<81920x128xf32, #tpu.memory_space<hbm>> -> memref<128x128xf32, #tpu.memory_space<hbm>>
        tpu.enqueue_dma source(%arg17 : memref<128x128xf32, #tpu.memory_space<vmem>>) target(%dma_start3A_79 : memref<128x128xf32, #tpu.memory_space<hbm>>) target_semaphore(%run_scoped3A : memref<!tpu.dma_semaphore, #tpu.memory_space<semaphore_mem>>)
        %dma_wait3A_80 = arith.constant 0 : i32
        %dma_wait3A_81 = tpu.memref_slice %arg11[%add3A_39, %dma_wait3A_80] : memref<81920x128xf32, #tpu.memory_space<hbm>> -> memref<128x128xf32, #tpu.memory_space<hbm>>
        %dma_wait3A_82 = arith.constant 0 : i32
        %dma_wait3A_83 = tpu.memref_slice %arg11[%add3A_39, %dma_wait3A_82] : memref<81920x128xf32, #tpu.memory_space<hbm>> -> memref<128x128xf32, #tpu.memory_space<hbm>>
        tpu.wait_dma2 semaphore(%run_scoped3A : memref<!tpu.dma_semaphore, #tpu.memory_space<semaphore_mem>>) src(%arg17 : memref<128x128xf32, #tpu.memory_space<vmem>>) dst(%dma_wait3A_83 : memref<128x128xf32, #tpu.memory_space<hbm>>)
        tpu.yield
      }) : () -> ()
      %dma_start3A_64 = arith.constant 0 : i32
      %dma_start3A_65 = tpu.memref_slice %arg15[%scan3A_36, %dma_start3A_64] : memref<20x128xi32, #tpu.memory_space<vmem>> -> memref<1x128xi32, #tpu.memory_space<vmem>>
      %dma_start3A_66 = tpu.memref_squeeze %dma_start3A_65 : memref<1x128xi32, #tpu.memory_space<vmem>> -> memref<128xi32, #tpu.memory_space<vmem>>
      %dma_start3A_67 = arith.constant 0 : i32
      %dma_start3A_68 = arith.constant 0 : i32
      %dma_start3A_69 = tpu.memref_slice %arg7[%dma_start3A_67, %dma_start3A_68] : memref<1600000x16xf32, #tpu.memory_space<hbm>> -> memref<1600000x16xf32, #tpu.memory_space<hbm>>
      tpu.enqueue_indirect_dma source(%dma_start3A_69 : memref<1600000x16xf32, #tpu.memory_space<hbm>>) target(%arg18 : memref<128x16xf32, #tpu.memory_space<vmem>>) offsets(%dma_start3A_66 : memref<128xi32, #tpu.memory_space<vmem>>) semaphore(%arg19 : memref<!tpu.dma_semaphore, #tpu.memory_space<semaphore_mem>>)
      %dma_wait3A_70 = arith.constant 0 : i32
      %dma_wait3A_71 = tpu.memref_slice %arg15[%scan3A_36, %dma_wait3A_70] : memref<20x128xi32, #tpu.memory_space<vmem>> -> memref<1x128xi32, #tpu.memory_space<vmem>>
      %dma_wait3A_72 = tpu.memref_squeeze %dma_wait3A_71 : memref<1x128xi32, #tpu.memory_space<vmem>> -> memref<128xi32, #tpu.memory_space<vmem>>
      %dma_wait3A_73 = arith.constant 0 : i32
      %dma_wait3A_74 = arith.constant 0 : i32
      %dma_wait3A_75 = tpu.memref_slice %arg7[%dma_wait3A_73, %dma_wait3A_74] : memref<1600000x16xf32, #tpu.memory_space<hbm>> -> memref<1600000x16xf32, #tpu.memory_space<hbm>>
      tpu.wait_indirect_dma semaphore(%arg19 : memref<!tpu.dma_semaphore, #tpu.memory_space<semaphore_mem>>) src(%dma_wait3A_75 : memref<1600000x16xf32, #tpu.memory_space<hbm>>) dst(%arg18 : memref<128x16xf32, #tpu.memory_space<vmem>>)
      "tpu.region"() ({
        %run_scoped3A = tpu.sem_alloc : memref<!tpu.dma_semaphore, #tpu.memory_space<semaphore_mem>>
        %dma_start3A_76 = arith.constant 0 : i32
        %dma_start3A_77 = tpu.memref_slice %arg12[%add3A_39, %dma_start3A_76] : memref<81920x16xf32, #tpu.memory_space<hbm>> -> memref<128x16xf32, #tpu.memory_space<hbm>>
        %dma_start3A_78 = arith.constant 0 : i32
        %dma_start3A_79 = tpu.memref_slice %arg12[%add3A_39, %dma_start3A_78] : memref<81920x16xf32, #tpu.memory_space<hbm>> -> memref<128x16xf32, #tpu.memory_space<hbm>>
        tpu.enqueue_dma source(%arg18 : memref<128x16xf32, #tpu.memory_space<vmem>>) target(%dma_start3A_79 : memref<128x16xf32, #tpu.memory_space<hbm>>) target_semaphore(%run_scoped3A : memref<!tpu.dma_semaphore, #tpu.memory_space<semaphore_mem>>)
        %dma_wait3A_80 = arith.constant 0 : i32
        %dma_wait3A_81 = tpu.memref_slice %arg12[%add3A_39, %dma_wait3A_80] : memref<81920x16xf32, #tpu.memory_space<hbm>> -> memref<128x16xf32, #tpu.memory_space<hbm>>
        %dma_wait3A_82 = arith.constant 0 : i32
        %dma_wait3A_83 = tpu.memref_slice %arg12[%add3A_39, %dma_wait3A_82] : memref<81920x16xf32, #tpu.memory_space<hbm>> -> memref<128x16xf32, #tpu.memory_space<hbm>>
        tpu.wait_dma2 semaphore(%run_scoped3A : memref<!tpu.dma_semaphore, #tpu.memory_space<semaphore_mem>>) src(%arg18 : memref<128x16xf32, #tpu.memory_space<vmem>>) dst(%dma_wait3A_83 : memref<128x16xf32, #tpu.memory_space<hbm>>)
        tpu.yield
      }) : () -> ()
    }
    %scan3A_35 = arith.constant 20 : i32
    return
  }
}

module attributes {stable_mosaic.version = 14 : i64} {
  func.func @_tc_body(%arg0: i32, %arg1: memref<128x128xf32, #tpu.memory_space<vmem>>, %arg2: memref<128x128xf32, #tpu.memory_space<vmem>>, %arg3: memref<20x128x128xf32, #tpu.memory_space<vmem>>, %arg4: memref<20x128x128xf32, #tpu.memory_space<vmem>>, %arg5: memref<20x128x16xf32, #tpu.memory_space<vmem>>, %arg6: memref<20x128x1xf32, #tpu.memory_space<vmem>>, %arg7: memref<1x256xf32, #tpu.memory_space<vmem>>, %arg8: memref<1x256xf32, #tpu.memory_space<vmem>>, %arg9: memref<128x256xf32, #tpu.memory_space<vmem>>, %arg10: memref<128x256xf32, #tpu.memory_space<vmem>>, %arg11: memref<256x256xf32, #tpu.memory_space<vmem>>, %arg12: memref<128x256xf32, #tpu.memory_space<vmem>>, %arg13: memref<128x256xf32, #tpu.memory_space<vmem>>, %arg14: memref<16x256xf32, #tpu.memory_space<vmem>>, %arg15: memref<256x256xf32, #tpu.memory_space<vmem>>, %arg16: memref<128x256xf32, #tpu.memory_space<vmem>>, %arg17: memref<128x256xf32, #tpu.memory_space<vmem>>, %arg18: memref<16x256xf32, #tpu.memory_space<vmem>>, %arg19: memref<256x256xf32, #tpu.memory_space<vmem>>, %arg20: memref<256x256xf32, #tpu.memory_space<vmem>>, %arg21: memref<128x256xf32, #tpu.memory_space<vmem>>, %arg22: memref<128x256xf32, #tpu.memory_space<vmem>>, %arg23: memref<1x256xf32, #tpu.memory_space<vmem>>, %arg24: memref<256x256xf32, #tpu.memory_space<vmem>>, %arg25: memref<1x256xf32, #tpu.memory_space<vmem>>, %arg26: memref<128x256xf32, #tpu.memory_space<vmem>>) attributes {dimension_semantics = [#tpu.dimension_semantics<arbitrary>], iteration_bounds = array<i64: 32>, scalar_prefetch = 0 : i64, scratch_operands = 0 : i64, tpu.core_type = #tpu.core_type<tc>, window_params = [{transform_indices = @transform_0, window_bounds = array<i64: 128, 128>}, {transform_indices = @transform_1, window_bounds = array<i64: 128, 128>}, {transform_indices = @transform_2, window_bounds = array<i64: 20, 128, 128>}, {transform_indices = @transform_3, window_bounds = array<i64: 20, 128, 128>}, {transform_indices = @transform_4, window_bounds = array<i64: 20, 128, 16>}, {transform_indices = @transform_5, window_bounds = array<i64: 20, 128, 1>}, {pipeline_mode = #tpu.pipeline_mode<synchronous>, transform_indices = @transform_6, window_bounds = array<i64: 1, 256>}, {pipeline_mode = #tpu.pipeline_mode<synchronous>, transform_indices = @transform_7, window_bounds = array<i64: 1, 256>}, {pipeline_mode = #tpu.pipeline_mode<synchronous>, transform_indices = @transform_8, window_bounds = array<i64: 128, 256>}, {pipeline_mode = #tpu.pipeline_mode<synchronous>, transform_indices = @transform_9, window_bounds = array<i64: 128, 256>}, {pipeline_mode = #tpu.pipeline_mode<synchronous>, transform_indices = @transform_10, window_bounds = array<i64: 256, 256>}, {pipeline_mode = #tpu.pipeline_mode<synchronous>, transform_indices = @transform_11, window_bounds = array<i64: 128, 256>}, {pipeline_mode = #tpu.pipeline_mode<synchronous>, transform_indices = @transform_12, window_bounds = array<i64: 128, 256>}, {pipeline_mode = #tpu.pipeline_mode<synchronous>, transform_indices = @transform_13, window_bounds = array<i64: 16, 256>}, {pipeline_mode = #tpu.pipeline_mode<synchronous>, transform_indices = @transform_14, window_bounds = array<i64: 256, 256>}, {pipeline_mode = #tpu.pipeline_mode<synchronous>, transform_indices = @transform_15, window_bounds = array<i64: 128, 256>}, {pipeline_mode = #tpu.pipeline_mode<synchronous>, transform_indices = @transform_16, window_bounds = array<i64: 128, 256>}, {pipeline_mode = #tpu.pipeline_mode<synchronous>, transform_indices = @transform_17, window_bounds = array<i64: 16, 256>}, {pipeline_mode = #tpu.pipeline_mode<synchronous>, transform_indices = @transform_18, window_bounds = array<i64: 256, 256>}, {pipeline_mode = #tpu.pipeline_mode<synchronous>, transform_indices = @transform_19, window_bounds = array<i64: 256, 256>}, {pipeline_mode = #tpu.pipeline_mode<synchronous>, transform_indices = @transform_20, window_bounds = array<i64: 128, 256>}, {pipeline_mode = #tpu.pipeline_mode<synchronous>, transform_indices = @transform_21, window_bounds = array<i64: 128, 256>}, {pipeline_mode = #tpu.pipeline_mode<synchronous>, transform_indices = @transform_22, window_bounds = array<i64: 1, 256>}, {pipeline_mode = #tpu.pipeline_mode<synchronous>, transform_indices = @transform_23, window_bounds = array<i64: 256, 256>}, {pipeline_mode = #tpu.pipeline_mode<synchronous>, transform_indices = @transform_24, window_bounds = array<i64: 1, 256>}, {transform_indices = @transform_25, window_bounds = array<i64: 128, 256>}]} {
    %get3A = arith.constant 0 : index
    %get3A_0 = arith.constant 0 : index
    %get3A_1 = vector.load %arg7[%get3A, %get3A_0] : memref<1x256xf32, #tpu.memory_space<vmem>>, vector<1x256xf32>
    %get3A_2 = arith.constant 0 : index
    %get3A_3 = arith.constant 0 : index
    %get3A_4 = vector.load %arg8[%get3A_2, %get3A_3] : memref<1x256xf32, #tpu.memory_space<vmem>>, vector<1x256xf32>
    %get3A_5 = arith.constant 0 : index
    %get3A_6 = arith.constant 0 : index
    %get3A_7 = vector.load %arg1[%get3A_5, %get3A_6] : memref<128x128xf32, #tpu.memory_space<vmem>>, vector<128x128xf32>
    %get3A_8 = arith.constant 0 : index
    %get3A_9 = arith.constant 0 : index
    %get3A_10 = vector.load %arg2[%get3A_8, %get3A_9] : memref<128x128xf32, #tpu.memory_space<vmem>>, vector<128x128xf32>
    %mul3A = arith.constant 0.159154937 : f32
    %mul3A_11 = vector.broadcast %mul3A : f32 to vector<1x256xf32>
    %mul3A_12 = arith.mulf %get3A_4, %mul3A_11 : vector<1x256xf32>
    %add3A = arith.constant 0x4B400000 : f32
    %add3A_13 = vector.broadcast %add3A : f32 to vector<1x256xf32>
    %add3A_14 = arith.addf %mul3A_12, %add3A_13 : vector<1x256xf32>
    %sub3A = arith.constant 0x4B400000 : f32
    %sub3A_15 = vector.broadcast %sub3A : f32 to vector<1x256xf32>
    %sub3A_16 = arith.subf %add3A_14, %sub3A_15 : vector<1x256xf32>
    %mul3A_17 = arith.constant 6.281250e+00 : f32
    %mul3A_18 = vector.broadcast %mul3A_17 : f32 to vector<1x256xf32>
    %mul3A_19 = arith.mulf %sub3A_16, %mul3A_18 : vector<1x256xf32>
    %sub3A_20 = arith.subf %get3A_4, %mul3A_19 : vector<1x256xf32>
    %mul3A_21 = arith.constant 0.00193530717 : f32
    %mul3A_22 = vector.broadcast %mul3A_21 : f32 to vector<1x256xf32>
    %mul3A_23 = arith.mulf %sub3A_16, %mul3A_22 : vector<1x256xf32>
    %sub3A_24 = arith.subf %sub3A_20, %mul3A_23 : vector<1x256xf32>
    %mul3A_25 = arith.mulf %sub3A_24, %sub3A_24 : vector<1x256xf32>
    %mul3A_26 = arith.constant -9.74342828E-12 : f32
    %mul3A_27 = vector.broadcast %mul3A_26 : f32 to vector<1x256xf32>
    %mul3A_28 = arith.mulf %mul3A_27, %mul3A_25 : vector<1x256xf32>
    %add3A_29 = arith.constant 2.06110817E-9 : f32
    %add3A_30 = vector.broadcast %add3A_29 : f32 to vector<1x256xf32>
    %add3A_31 = arith.addf %mul3A_28, %add3A_30 : vector<1x256xf32>
    %mul3A_32 = arith.mulf %add3A_31, %mul3A_25 : vector<1x256xf32>
    %add3A_33 = arith.constant -2.75358701E-7 : f32
    %add3A_34 = vector.broadcast %add3A_33 : f32 to vector<1x256xf32>
    %add3A_35 = arith.addf %mul3A_32, %add3A_34 : vector<1x256xf32>
    %mul3A_36 = arith.mulf %add3A_35, %mul3A_25 : vector<1x256xf32>
    %add3A_37 = arith.constant 2.48006309E-5 : f32
    %add3A_38 = vector.broadcast %add3A_37 : f32 to vector<1x256xf32>
    %add3A_39 = arith.addf %mul3A_36, %add3A_38 : vector<1x256xf32>
    %mul3A_40 = arith.mulf %add3A_39, %mul3A_25 : vector<1x256xf32>
    %add3A_41 = arith.constant -0.00138888659 : f32
    %add3A_42 = vector.broadcast %add3A_41 : f32 to vector<1x256xf32>
    %add3A_43 = arith.addf %mul3A_40, %add3A_42 : vector<1x256xf32>
    %mul3A_44 = arith.mulf %add3A_43, %mul3A_25 : vector<1x256xf32>
    %add3A_45 = arith.constant 0.0416666642 : f32
    %add3A_46 = vector.broadcast %add3A_45 : f32 to vector<1x256xf32>
    %add3A_47 = arith.addf %mul3A_44, %add3A_46 : vector<1x256xf32>
    %mul3A_48 = arith.mulf %add3A_47, %mul3A_25 : vector<1x256xf32>
    %add3A_49 = arith.constant -5.000000e-01 : f32
    %add3A_50 = vector.broadcast %add3A_49 : f32 to vector<1x256xf32>
    %add3A_51 = arith.addf %mul3A_48, %add3A_50 : vector<1x256xf32>
    %mul3A_52 = arith.mulf %add3A_51, %mul3A_25 : vector<1x256xf32>
    %add3A_53 = arith.constant 1.000000e+00 : f32
    %add3A_54 = vector.broadcast %add3A_53 : f32 to vector<1x256xf32>
    %add3A_55 = arith.addf %mul3A_52, %add3A_54 : vector<1x256xf32>
    %get3A_56 = arith.constant 0 : index
    %get3A_57 = arith.constant 0 : index
    %get3A_58 = vector.load %arg9[%get3A_56, %get3A_57] : memref<128x256xf32, #tpu.memory_space<vmem>>, vector<128x256xf32>
    %dot_general3A = arith.constant dense<0.000000e+00> : vector<128x256xf32>
    %dot_general3A_59 = tpu.matmul %get3A_7, %get3A_58, %dot_general3A {dimension_numbers = #tpu.dot_dimension_numbers<[1], [0], [0], [1], [0, 0, 1, 1], [], []>, transpose_lhs_hint = false} : vector<128x128xf32>, vector<128x256xf32>, vector<128x256xf32> -> vector<128x256xf32>
    %get3A_60 = arith.constant 0 : index
    %get3A_61 = arith.constant 0 : index
    %get3A_62 = vector.load %arg10[%get3A_60, %get3A_61] : memref<128x256xf32, #tpu.memory_space<vmem>>, vector<128x256xf32>
    %dot_general3A_63 = arith.constant dense<0.000000e+00> : vector<128x256xf32>
    %dot_general3A_64 = tpu.matmul %get3A_10, %get3A_62, %dot_general3A_63 {dimension_numbers = #tpu.dot_dimension_numbers<[1], [0], [0], [1], [0, 0, 1, 1], [], []>, transpose_lhs_hint = false} : vector<128x128xf32>, vector<128x256xf32>, vector<128x256xf32> -> vector<128x256xf32>
    %add3A_65 = arith.addf %dot_general3A_59, %dot_general3A_64 : vector<128x256xf32>
    %get3A_66 = arith.constant 0 : index
    %get3A_67 = arith.constant 0 : index
    %get3A_68 = vector.load %arg11[%get3A_66, %get3A_67] : memref<256x256xf32, #tpu.memory_space<vmem>>, vector<256x256xf32>
    %dot_general3A_69 = arith.constant dense<0.000000e+00> : vector<1x256xf32>
    %dot_general3A_70 = tpu.matmul %add3A_55, %get3A_68, %dot_general3A_69 {dimension_numbers = #tpu.dot_dimension_numbers<[1], [0], [0], [1], [0, 0, 1, 1], [], []>, transpose_lhs_hint = false} : vector<1x256xf32>, vector<256x256xf32>, vector<1x256xf32> -> vector<1x256xf32>
    %add3A_71 = vector.broadcast %dot_general3A_70 : vector<1x256xf32> to vector<128x256xf32>
    %add3A_72 = arith.addf %add3A_65, %add3A_71 : vector<128x256xf32>
    %slice3A = vector.extract_strided_slice %add3A_72 {offsets = [0, 0], sizes = [128, 128], strides = [1, 1]} : vector<128x256xf32> to vector<128x128xf32>
    %slice3A_73 = vector.extract_strided_slice %add3A_72 {offsets = [0, 128], sizes = [128, 128], strides = [1, 1]} : vector<128x256xf32> to vector<128x128xf32>
    %get3A_74 = arith.constant 0 : index
    %get3A_75 = arith.constant 0 : index
    %get3A_76 = arith.constant 0 : index
    %get3A_77 = vector.load %arg3[%get3A_74, %get3A_75, %get3A_76] : memref<20x128x128xf32, #tpu.memory_space<vmem>>, vector<20x128x128xf32>
    %reshape3A = vector.shape_cast %get3A_77 : vector<20x128x128xf32> to vector<2560x128xf32>
    %get3A_78 = arith.constant 0 : index
    %get3A_79 = arith.constant 0 : index
    %get3A_80 = arith.constant 0 : index
    %get3A_81 = vector.load %arg4[%get3A_78, %get3A_79, %get3A_80] : memref<20x128x128xf32, #tpu.memory_space<vmem>>, vector<20x128x128xf32>
    %reshape3A_82 = vector.shape_cast %get3A_81 : vector<20x128x128xf32> to vector<2560x128xf32>
    %get3A_83 = arith.constant 0 : index
    %get3A_84 = arith.constant 0 : index
    %get3A_85 = arith.constant 0 : index
    %get3A_86 = vector.load %arg5[%get3A_83, %get3A_84, %get3A_85] : memref<20x128x16xf32, #tpu.memory_space<vmem>>, vector<20x128x16xf32>
    %reshape3A_87 = vector.shape_cast %get3A_86 : vector<20x128x16xf32> to vector<2560x16xf32>
    %get3A_88 = arith.constant 0 : index
    %get3A_89 = arith.constant 0 : index
    %get3A_90 = arith.constant 0 : index
    %get3A_91 = vector.load %arg6[%get3A_88, %get3A_89, %get3A_90] : memref<20x128x1xf32, #tpu.memory_space<vmem>>, vector<20x128x1xf32>
    %reshape3A_92 = vector.shape_cast %get3A_91 : vector<20x128x1xf32> to vector<2560x1xf32>
    %mul3A_93 = vector.broadcast %reshape3A_92 : vector<2560x1xf32> to vector<2560x256xf32>
    %mul3A_94 = vector.broadcast %get3A_1 : vector<1x256xf32> to vector<2560x256xf32>
    %mul3A_95 = arith.mulf %mul3A_93, %mul3A_94 : vector<2560x256xf32>
    %add3A_96 = vector.broadcast %get3A_4 : vector<1x256xf32> to vector<2560x256xf32>
    %add3A_97 = arith.addf %mul3A_95, %add3A_96 : vector<2560x256xf32>
    %mul3A_98 = arith.constant 0.159154937 : f32
    %mul3A_99 = vector.broadcast %mul3A_98 : f32 to vector<2560x256xf32>
    %mul3A_100 = arith.mulf %add3A_97, %mul3A_99 : vector<2560x256xf32>
    %add3A_101 = arith.constant 0x4B400000 : f32
    %add3A_102 = vector.broadcast %add3A_101 : f32 to vector<2560x256xf32>
    %add3A_103 = arith.addf %mul3A_100, %add3A_102 : vector<2560x256xf32>
    %sub3A_104 = arith.constant 0x4B400000 : f32
    %sub3A_105 = vector.broadcast %sub3A_104 : f32 to vector<2560x256xf32>
    %sub3A_106 = arith.subf %add3A_103, %sub3A_105 : vector<2560x256xf32>
    %mul3A_107 = arith.constant 6.281250e+00 : f32
    %mul3A_108 = vector.broadcast %mul3A_107 : f32 to vector<2560x256xf32>
    %mul3A_109 = arith.mulf %sub3A_106, %mul3A_108 : vector<2560x256xf32>
    %sub3A_110 = arith.subf %add3A_97, %mul3A_109 : vector<2560x256xf32>
    %mul3A_111 = arith.constant 0.00193530717 : f32
    %mul3A_112 = vector.broadcast %mul3A_111 : f32 to vector<2560x256xf32>
    %mul3A_113 = arith.mulf %sub3A_106, %mul3A_112 : vector<2560x256xf32>
    %sub3A_114 = arith.subf %sub3A_110, %mul3A_113 : vector<2560x256xf32>
    %mul3A_115 = arith.mulf %sub3A_114, %sub3A_114 : vector<2560x256xf32>
    %mul3A_116 = arith.constant -9.74342828E-12 : f32
    %mul3A_117 = vector.broadcast %mul3A_116 : f32 to vector<2560x256xf32>
    %mul3A_118 = arith.mulf %mul3A_117, %mul3A_115 : vector<2560x256xf32>
    %add3A_119 = arith.constant 2.06110817E-9 : f32
    %add3A_120 = vector.broadcast %add3A_119 : f32 to vector<2560x256xf32>
    %add3A_121 = arith.addf %mul3A_118, %add3A_120 : vector<2560x256xf32>
    %mul3A_122 = arith.mulf %add3A_121, %mul3A_115 : vector<2560x256xf32>
    %add3A_123 = arith.constant -2.75358701E-7 : f32
    %add3A_124 = vector.broadcast %add3A_123 : f32 to vector<2560x256xf32>
    %add3A_125 = arith.addf %mul3A_122, %add3A_124 : vector<2560x256xf32>
    %mul3A_126 = arith.mulf %add3A_125, %mul3A_115 : vector<2560x256xf32>
    %add3A_127 = arith.constant 2.48006309E-5 : f32
    %add3A_128 = vector.broadcast %add3A_127 : f32 to vector<2560x256xf32>
    %add3A_129 = arith.addf %mul3A_126, %add3A_128 : vector<2560x256xf32>
    %mul3A_130 = arith.mulf %add3A_129, %mul3A_115 : vector<2560x256xf32>
    %add3A_131 = arith.constant -0.00138888659 : f32
    %add3A_132 = vector.broadcast %add3A_131 : f32 to vector<2560x256xf32>
    %add3A_133 = arith.addf %mul3A_130, %add3A_132 : vector<2560x256xf32>
    %mul3A_134 = arith.mulf %add3A_133, %mul3A_115 : vector<2560x256xf32>
    %add3A_135 = arith.constant 0.0416666642 : f32
    %add3A_136 = vector.broadcast %add3A_135 : f32 to vector<2560x256xf32>
    %add3A_137 = arith.addf %mul3A_134, %add3A_136 : vector<2560x256xf32>
    %mul3A_138 = arith.mulf %add3A_137, %mul3A_115 : vector<2560x256xf32>
    %add3A_139 = arith.constant -5.000000e-01 : f32
    %add3A_140 = vector.broadcast %add3A_139 : f32 to vector<2560x256xf32>
    %add3A_141 = arith.addf %mul3A_138, %add3A_140 : vector<2560x256xf32>
    %mul3A_142 = arith.mulf %add3A_141, %mul3A_115 : vector<2560x256xf32>
    %add3A_143 = arith.constant 1.000000e+00 : f32
    %add3A_144 = vector.broadcast %add3A_143 : f32 to vector<2560x256xf32>
    %add3A_145 = arith.addf %mul3A_142, %add3A_144 : vector<2560x256xf32>
    %get3A_146 = arith.constant 0 : index
    %get3A_147 = arith.constant 0 : index
    %get3A_148 = vector.load %arg12[%get3A_146, %get3A_147] : memref<128x256xf32, #tpu.memory_space<vmem>>, vector<128x256xf32>
    %dot_general3A_149 = arith.constant dense<0.000000e+00> : vector<2560x256xf32>
    %dot_general3A_150 = tpu.matmul %reshape3A, %get3A_148, %dot_general3A_149 {dimension_numbers = #tpu.dot_dimension_numbers<[1], [0], [0], [1], [0, 0, 1, 1], [], []>, transpose_lhs_hint = false} : vector<2560x128xf32>, vector<128x256xf32>, vector<2560x256xf32> -> vector<2560x256xf32>
    %get3A_151 = arith.constant 0 : index
    %get3A_152 = arith.constant 0 : index
    %get3A_153 = vector.load %arg13[%get3A_151, %get3A_152] : memref<128x256xf32, #tpu.memory_space<vmem>>, vector<128x256xf32>
    %dot_general3A_154 = arith.constant dense<0.000000e+00> : vector<2560x256xf32>
    %dot_general3A_155 = tpu.matmul %reshape3A_82, %get3A_153, %dot_general3A_154 {dimension_numbers = #tpu.dot_dimension_numbers<[1], [0], [0], [1], [0, 0, 1, 1], [], []>, transpose_lhs_hint = false} : vector<2560x128xf32>, vector<128x256xf32>, vector<2560x256xf32> -> vector<2560x256xf32>
    %add3A_156 = arith.addf %dot_general3A_150, %dot_general3A_155 : vector<2560x256xf32>
    %get3A_157 = arith.constant 0 : index
    %get3A_158 = arith.constant 0 : index
    %get3A_159 = vector.load %arg14[%get3A_157, %get3A_158] : memref<16x256xf32, #tpu.memory_space<vmem>>, vector<16x256xf32>
    %dot_general3A_160 = arith.constant dense<0.000000e+00> : vector<2560x256xf32>
    %dot_general3A_161 = tpu.matmul %reshape3A_87, %get3A_159, %dot_general3A_160 {dimension_numbers = #tpu.dot_dimension_numbers<[1], [0], [0], [1], [0, 0, 1, 1], [], []>, transpose_lhs_hint = false} : vector<2560x16xf32>, vector<16x256xf32>, vector<2560x256xf32> -> vector<2560x256xf32>
    %add3A_162 = arith.addf %add3A_156, %dot_general3A_161 : vector<2560x256xf32>
    %get3A_163 = arith.constant 0 : index
    %get3A_164 = arith.constant 0 : index
    %get3A_165 = vector.load %arg15[%get3A_163, %get3A_164] : memref<256x256xf32, #tpu.memory_space<vmem>>, vector<256x256xf32>
    %dot_general3A_166 = arith.constant dense<0.000000e+00> : vector<2560x256xf32>
    %dot_general3A_167 = tpu.matmul %add3A_145, %get3A_165, %dot_general3A_166 {dimension_numbers = #tpu.dot_dimension_numbers<[1], [0], [0], [1], [0, 0, 1, 1], [], []>, transpose_lhs_hint = false} : vector<2560x256xf32>, vector<256x256xf32>, vector<2560x256xf32> -> vector<2560x256xf32>
    %add3A_168 = arith.addf %add3A_162, %dot_general3A_167 : vector<2560x256xf32>
    %get3A_169 = arith.constant 0 : index
    %get3A_170 = arith.constant 0 : index
    %get3A_171 = vector.load %arg16[%get3A_169, %get3A_170] : memref<128x256xf32, #tpu.memory_space<vmem>>, vector<128x256xf32>
    %dot_general3A_172 = arith.constant dense<0.000000e+00> : vector<2560x256xf32>
    %dot_general3A_173 = tpu.matmul %reshape3A, %get3A_171, %dot_general3A_172 {dimension_numbers = #tpu.dot_dimension_numbers<[1], [0], [0], [1], [0, 0, 1, 1], [], []>, transpose_lhs_hint = false} : vector<2560x128xf32>, vector<128x256xf32>, vector<2560x256xf32> -> vector<2560x256xf32>
    %get3A_174 = arith.constant 0 : index
    %get3A_175 = arith.constant 0 : index
    %get3A_176 = vector.load %arg17[%get3A_174, %get3A_175] : memref<128x256xf32, #tpu.memory_space<vmem>>, vector<128x256xf32>
    %dot_general3A_177 = arith.constant dense<0.000000e+00> : vector<2560x256xf32>
    %dot_general3A_178 = tpu.matmul %reshape3A_82, %get3A_176, %dot_general3A_177 {dimension_numbers = #tpu.dot_dimension_numbers<[1], [0], [0], [1], [0, 0, 1, 1], [], []>, transpose_lhs_hint = false} : vector<2560x128xf32>, vector<128x256xf32>, vector<2560x256xf32> -> vector<2560x256xf32>
    %add3A_179 = arith.addf %dot_general3A_173, %dot_general3A_178 : vector<2560x256xf32>
    %get3A_180 = arith.constant 0 : index
    %get3A_181 = arith.constant 0 : index
    %get3A_182 = vector.load %arg18[%get3A_180, %get3A_181] : memref<16x256xf32, #tpu.memory_space<vmem>>, vector<16x256xf32>
    %dot_general3A_183 = arith.constant dense<0.000000e+00> : vector<2560x256xf32>
    %dot_general3A_184 = tpu.matmul %reshape3A_87, %get3A_182, %dot_general3A_183 {dimension_numbers = #tpu.dot_dimension_numbers<[1], [0], [0], [1], [0, 0, 1, 1], [], []>, transpose_lhs_hint = false} : vector<2560x16xf32>, vector<16x256xf32>, vector<2560x256xf32> -> vector<2560x256xf32>
    %add3A_185 = arith.addf %add3A_179, %dot_general3A_184 : vector<2560x256xf32>
    %get3A_186 = arith.constant 0 : index
    %get3A_187 = arith.constant 0 : index
    %get3A_188 = vector.load %arg19[%get3A_186, %get3A_187] : memref<256x256xf32, #tpu.memory_space<vmem>>, vector<256x256xf32>
    %dot_general3A_189 = arith.constant dense<0.000000e+00> : vector<2560x256xf32>
    %dot_general3A_190 = tpu.matmul %add3A_145, %get3A_188, %dot_general3A_189 {dimension_numbers = #tpu.dot_dimension_numbers<[1], [0], [0], [1], [0, 0, 1, 1], [], []>, transpose_lhs_hint = false} : vector<2560x256xf32>, vector<256x256xf32>, vector<2560x256xf32> -> vector<2560x256xf32>
    %add3A_191 = arith.addf %add3A_185, %dot_general3A_190 : vector<2560x256xf32>
    %reshape3A_192 = vector.shape_cast %add3A_168 : vector<2560x256xf32> to vector<20x128x256xf32>
    %reshape3A_193 = vector.shape_cast %add3A_191 : vector<2560x256xf32> to vector<20x128x256xf32>
    %slice3A_194 = vector.extract_strided_slice %reshape3A_192 {offsets = [0, 0, 0], sizes = [1, 128, 256], strides = [1, 1, 1]} : vector<20x128x256xf32> to vector<1x128x256xf32>
    %squeeze3A = vector.shape_cast %slice3A_194 : vector<1x128x256xf32> to vector<128x256xf32>
    %slice3A_195 = vector.extract_strided_slice %squeeze3A {offsets = [0, 0], sizes = [128, 128], strides = [1, 1]} : vector<128x256xf32> to vector<128x128xf32>
    %mul3A_196 = arith.mulf %slice3A, %slice3A_195 : vector<128x128xf32>
    %reduce_sum3A = arith.constant dense<0.000000e+00> : vector<128xf32>
    %reduce_sum3A_197 = vector.multi_reduction <add>, %mul3A_196, %reduce_sum3A [1] : vector<128x128xf32> to vector<128xf32>
    %broadcast_in_dim3A = vector.shape_cast %reduce_sum3A_197 : vector<128xf32> to vector<128x1xf32>
    %slice3A_198 = vector.extract_strided_slice %squeeze3A {offsets = [0, 128], sizes = [128, 128], strides = [1, 1]} : vector<128x256xf32> to vector<128x128xf32>
    %mul3A_199 = arith.mulf %slice3A_73, %slice3A_198 : vector<128x128xf32>
    %reduce_sum3A_200 = arith.constant dense<0.000000e+00> : vector<128xf32>
    %reduce_sum3A_201 = vector.multi_reduction <add>, %mul3A_199, %reduce_sum3A_200 [1] : vector<128x128xf32> to vector<128xf32>
    %broadcast_in_dim3A_202 = vector.shape_cast %reduce_sum3A_201 : vector<128xf32> to vector<128x1xf32>
    %slice3A_203 = vector.extract_strided_slice %reshape3A_192 {offsets = [1, 0, 0], sizes = [1, 128, 256], strides = [1, 1, 1]} : vector<20x128x256xf32> to vector<1x128x256xf32>
    %squeeze3A_204 = vector.shape_cast %slice3A_203 : vector<1x128x256xf32> to vector<128x256xf32>
    %slice3A_205 = vector.extract_strided_slice %squeeze3A_204 {offsets = [0, 0], sizes = [128, 128], strides = [1, 1]} : vector<128x256xf32> to vector<128x128xf32>
    %mul3A_206 = arith.mulf %slice3A, %slice3A_205 : vector<128x128xf32>
    %reduce_sum3A_207 = arith.constant dense<0.000000e+00> : vector<128xf32>
    %reduce_sum3A_208 = vector.multi_reduction <add>, %mul3A_206, %reduce_sum3A_207 [1] : vector<128x128xf32> to vector<128xf32>
    %broadcast_in_dim3A_209 = vector.shape_cast %reduce_sum3A_208 : vector<128xf32> to vector<128x1xf32>
    %slice3A_210 = vector.extract_strided_slice %squeeze3A_204 {offsets = [0, 128], sizes = [128, 128], strides = [1, 1]} : vector<128x256xf32> to vector<128x128xf32>
    %mul3A_211 = arith.mulf %slice3A_73, %slice3A_210 : vector<128x128xf32>
    %reduce_sum3A_212 = arith.constant dense<0.000000e+00> : vector<128xf32>
    %reduce_sum3A_213 = vector.multi_reduction <add>, %mul3A_211, %reduce_sum3A_212 [1] : vector<128x128xf32> to vector<128xf32>
    %broadcast_in_dim3A_214 = vector.shape_cast %reduce_sum3A_213 : vector<128xf32> to vector<128x1xf32>
    %slice3A_215 = vector.extract_strided_slice %reshape3A_192 {offsets = [2, 0, 0], sizes = [1, 128, 256], strides = [1, 1, 1]} : vector<20x128x256xf32> to vector<1x128x256xf32>
    %squeeze3A_216 = vector.shape_cast %slice3A_215 : vector<1x128x256xf32> to vector<128x256xf32>
    %slice3A_217 = vector.extract_strided_slice %squeeze3A_216 {offsets = [0, 0], sizes = [128, 128], strides = [1, 1]} : vector<128x256xf32> to vector<128x128xf32>
    %mul3A_218 = arith.mulf %slice3A, %slice3A_217 : vector<128x128xf32>
    %reduce_sum3A_219 = arith.constant dense<0.000000e+00> : vector<128xf32>
    %reduce_sum3A_220 = vector.multi_reduction <add>, %mul3A_218, %reduce_sum3A_219 [1] : vector<128x128xf32> to vector<128xf32>
    %broadcast_in_dim3A_221 = vector.shape_cast %reduce_sum3A_220 : vector<128xf32> to vector<128x1xf32>
    %slice3A_222 = vector.extract_strided_slice %squeeze3A_216 {offsets = [0, 128], sizes = [128, 128], strides = [1, 1]} : vector<128x256xf32> to vector<128x128xf32>
    %mul3A_223 = arith.mulf %slice3A_73, %slice3A_222 : vector<128x128xf32>
    %reduce_sum3A_224 = arith.constant dense<0.000000e+00> : vector<128xf32>
    %reduce_sum3A_225 = vector.multi_reduction <add>, %mul3A_223, %reduce_sum3A_224 [1] : vector<128x128xf32> to vector<128xf32>
    %broadcast_in_dim3A_226 = vector.shape_cast %reduce_sum3A_225 : vector<128xf32> to vector<128x1xf32>
    %slice3A_227 = vector.extract_strided_slice %reshape3A_192 {offsets = [3, 0, 0], sizes = [1, 128, 256], strides = [1, 1, 1]} : vector<20x128x256xf32> to vector<1x128x256xf32>
    %squeeze3A_228 = vector.shape_cast %slice3A_227 : vector<1x128x256xf32> to vector<128x256xf32>
    %slice3A_229 = vector.extract_strided_slice %squeeze3A_228 {offsets = [0, 0], sizes = [128, 128], strides = [1, 1]} : vector<128x256xf32> to vector<128x128xf32>
    %mul3A_230 = arith.mulf %slice3A, %slice3A_229 : vector<128x128xf32>
    %reduce_sum3A_231 = arith.constant dense<0.000000e+00> : vector<128xf32>
    %reduce_sum3A_232 = vector.multi_reduction <add>, %mul3A_230, %reduce_sum3A_231 [1] : vector<128x128xf32> to vector<128xf32>
    %broadcast_in_dim3A_233 = vector.shape_cast %reduce_sum3A_232 : vector<128xf32> to vector<128x1xf32>
    %slice3A_234 = vector.extract_strided_slice %squeeze3A_228 {offsets = [0, 128], sizes = [128, 128], strides = [1, 1]} : vector<128x256xf32> to vector<128x128xf32>
    %mul3A_235 = arith.mulf %slice3A_73, %slice3A_234 : vector<128x128xf32>
    %reduce_sum3A_236 = arith.constant dense<0.000000e+00> : vector<128xf32>
    %reduce_sum3A_237 = vector.multi_reduction <add>, %mul3A_235, %reduce_sum3A_236 [1] : vector<128x128xf32> to vector<128xf32>
    %broadcast_in_dim3A_238 = vector.shape_cast %reduce_sum3A_237 : vector<128xf32> to vector<128x1xf32>
    %slice3A_239 = vector.extract_strided_slice %reshape3A_192 {offsets = [4, 0, 0], sizes = [1, 128, 256], strides = [1, 1, 1]} : vector<20x128x256xf32> to vector<1x128x256xf32>
    %squeeze3A_240 = vector.shape_cast %slice3A_239 : vector<1x128x256xf32> to vector<128x256xf32>
    %slice3A_241 = vector.extract_strided_slice %squeeze3A_240 {offsets = [0, 0], sizes = [128, 128], strides = [1, 1]} : vector<128x256xf32> to vector<128x128xf32>
    %mul3A_242 = arith.mulf %slice3A, %slice3A_241 : vector<128x128xf32>
    %reduce_sum3A_243 = arith.constant dense<0.000000e+00> : vector<128xf32>
    %reduce_sum3A_244 = vector.multi_reduction <add>, %mul3A_242, %reduce_sum3A_243 [1] : vector<128x128xf32> to vector<128xf32>
    %broadcast_in_dim3A_245 = vector.shape_cast %reduce_sum3A_244 : vector<128xf32> to vector<128x1xf32>
    %slice3A_246 = vector.extract_strided_slice %squeeze3A_240 {offsets = [0, 128], sizes = [128, 128], strides = [1, 1]} : vector<128x256xf32> to vector<128x128xf32>
    %mul3A_247 = arith.mulf %slice3A_73, %slice3A_246 : vector<128x128xf32>
    %reduce_sum3A_248 = arith.constant dense<0.000000e+00> : vector<128xf32>
    %reduce_sum3A_249 = vector.multi_reduction <add>, %mul3A_247, %reduce_sum3A_248 [1] : vector<128x128xf32> to vector<128xf32>
    %broadcast_in_dim3A_250 = vector.shape_cast %reduce_sum3A_249 : vector<128xf32> to vector<128x1xf32>
    %slice3A_251 = vector.extract_strided_slice %reshape3A_192 {offsets = [5, 0, 0], sizes = [1, 128, 256], strides = [1, 1, 1]} : vector<20x128x256xf32> to vector<1x128x256xf32>
    %squeeze3A_252 = vector.shape_cast %slice3A_251 : vector<1x128x256xf32> to vector<128x256xf32>
    %slice3A_253 = vector.extract_strided_slice %squeeze3A_252 {offsets = [0, 0], sizes = [128, 128], strides = [1, 1]} : vector<128x256xf32> to vector<128x128xf32>
    %mul3A_254 = arith.mulf %slice3A, %slice3A_253 : vector<128x128xf32>
    %reduce_sum3A_255 = arith.constant dense<0.000000e+00> : vector<128xf32>
    %reduce_sum3A_256 = vector.multi_reduction <add>, %mul3A_254, %reduce_sum3A_255 [1] : vector<128x128xf32> to vector<128xf32>
    %broadcast_in_dim3A_257 = vector.shape_cast %reduce_sum3A_256 : vector<128xf32> to vector<128x1xf32>
    %slice3A_258 = vector.extract_strided_slice %squeeze3A_252 {offsets = [0, 128], sizes = [128, 128], strides = [1, 1]} : vector<128x256xf32> to vector<128x128xf32>
    %mul3A_259 = arith.mulf %slice3A_73, %slice3A_258 : vector<128x128xf32>
    %reduce_sum3A_260 = arith.constant dense<0.000000e+00> : vector<128xf32>
    %reduce_sum3A_261 = vector.multi_reduction <add>, %mul3A_259, %reduce_sum3A_260 [1] : vector<128x128xf32> to vector<128xf32>
    %broadcast_in_dim3A_262 = vector.shape_cast %reduce_sum3A_261 : vector<128xf32> to vector<128x1xf32>
    %slice3A_263 = vector.extract_strided_slice %reshape3A_192 {offsets = [6, 0, 0], sizes = [1, 128, 256], strides = [1, 1, 1]} : vector<20x128x256xf32> to vector<1x128x256xf32>
    %squeeze3A_264 = vector.shape_cast %slice3A_263 : vector<1x128x256xf32> to vector<128x256xf32>
    %slice3A_265 = vector.extract_strided_slice %squeeze3A_264 {offsets = [0, 0], sizes = [128, 128], strides = [1, 1]} : vector<128x256xf32> to vector<128x128xf32>
    %mul3A_266 = arith.mulf %slice3A, %slice3A_265 : vector<128x128xf32>
    %reduce_sum3A_267 = arith.constant dense<0.000000e+00> : vector<128xf32>
    %reduce_sum3A_268 = vector.multi_reduction <add>, %mul3A_266, %reduce_sum3A_267 [1] : vector<128x128xf32> to vector<128xf32>
    %broadcast_in_dim3A_269 = vector.shape_cast %reduce_sum3A_268 : vector<128xf32> to vector<128x1xf32>
    %slice3A_270 = vector.extract_strided_slice %squeeze3A_264 {offsets = [0, 128], sizes = [128, 128], strides = [1, 1]} : vector<128x256xf32> to vector<128x128xf32>
    %mul3A_271 = arith.mulf %slice3A_73, %slice3A_270 : vector<128x128xf32>
    %reduce_sum3A_272 = arith.constant dense<0.000000e+00> : vector<128xf32>
    %reduce_sum3A_273 = vector.multi_reduction <add>, %mul3A_271, %reduce_sum3A_272 [1] : vector<128x128xf32> to vector<128xf32>
    %broadcast_in_dim3A_274 = vector.shape_cast %reduce_sum3A_273 : vector<128xf32> to vector<128x1xf32>
    %slice3A_275 = vector.extract_strided_slice %reshape3A_192 {offsets = [7, 0, 0], sizes = [1, 128, 256], strides = [1, 1, 1]} : vector<20x128x256xf32> to vector<1x128x256xf32>
    %squeeze3A_276 = vector.shape_cast %slice3A_275 : vector<1x128x256xf32> to vector<128x256xf32>
    %slice3A_277 = vector.extract_strided_slice %squeeze3A_276 {offsets = [0, 0], sizes = [128, 128], strides = [1, 1]} : vector<128x256xf32> to vector<128x128xf32>
    %mul3A_278 = arith.mulf %slice3A, %slice3A_277 : vector<128x128xf32>
    %reduce_sum3A_279 = arith.constant dense<0.000000e+00> : vector<128xf32>
    %reduce_sum3A_280 = vector.multi_reduction <add>, %mul3A_278, %reduce_sum3A_279 [1] : vector<128x128xf32> to vector<128xf32>
    %broadcast_in_dim3A_281 = vector.shape_cast %reduce_sum3A_280 : vector<128xf32> to vector<128x1xf32>
    %slice3A_282 = vector.extract_strided_slice %squeeze3A_276 {offsets = [0, 128], sizes = [128, 128], strides = [1, 1]} : vector<128x256xf32> to vector<128x128xf32>
    %mul3A_283 = arith.mulf %slice3A_73, %slice3A_282 : vector<128x128xf32>
    %reduce_sum3A_284 = arith.constant dense<0.000000e+00> : vector<128xf32>
    %reduce_sum3A_285 = vector.multi_reduction <add>, %mul3A_283, %reduce_sum3A_284 [1] : vector<128x128xf32> to vector<128xf32>
    %broadcast_in_dim3A_286 = vector.shape_cast %reduce_sum3A_285 : vector<128xf32> to vector<128x1xf32>
    %slice3A_287 = vector.extract_strided_slice %reshape3A_192 {offsets = [8, 0, 0], sizes = [1, 128, 256], strides = [1, 1, 1]} : vector<20x128x256xf32> to vector<1x128x256xf32>
    %squeeze3A_288 = vector.shape_cast %slice3A_287 : vector<1x128x256xf32> to vector<128x256xf32>
    %slice3A_289 = vector.extract_strided_slice %squeeze3A_288 {offsets = [0, 0], sizes = [128, 128], strides = [1, 1]} : vector<128x256xf32> to vector<128x128xf32>
    %mul3A_290 = arith.mulf %slice3A, %slice3A_289 : vector<128x128xf32>
    %reduce_sum3A_291 = arith.constant dense<0.000000e+00> : vector<128xf32>
    %reduce_sum3A_292 = vector.multi_reduction <add>, %mul3A_290, %reduce_sum3A_291 [1] : vector<128x128xf32> to vector<128xf32>
    %broadcast_in_dim3A_293 = vector.shape_cast %reduce_sum3A_292 : vector<128xf32> to vector<128x1xf32>
    %slice3A_294 = vector.extract_strided_slice %squeeze3A_288 {offsets = [0, 128], sizes = [128, 128], strides = [1, 1]} : vector<128x256xf32> to vector<128x128xf32>
    %mul3A_295 = arith.mulf %slice3A_73, %slice3A_294 : vector<128x128xf32>
    %reduce_sum3A_296 = arith.constant dense<0.000000e+00> : vector<128xf32>
    %reduce_sum3A_297 = vector.multi_reduction <add>, %mul3A_295, %reduce_sum3A_296 [1] : vector<128x128xf32> to vector<128xf32>
    %broadcast_in_dim3A_298 = vector.shape_cast %reduce_sum3A_297 : vector<128xf32> to vector<128x1xf32>
    %slice3A_299 = vector.extract_strided_slice %reshape3A_192 {offsets = [9, 0, 0], sizes = [1, 128, 256], strides = [1, 1, 1]} : vector<20x128x256xf32> to vector<1x128x256xf32>
    %squeeze3A_300 = vector.shape_cast %slice3A_299 : vector<1x128x256xf32> to vector<128x256xf32>
    %slice3A_301 = vector.extract_strided_slice %squeeze3A_300 {offsets = [0, 0], sizes = [128, 128], strides = [1, 1]} : vector<128x256xf32> to vector<128x128xf32>
    %mul3A_302 = arith.mulf %slice3A, %slice3A_301 : vector<128x128xf32>
    %reduce_sum3A_303 = arith.constant dense<0.000000e+00> : vector<128xf32>
    %reduce_sum3A_304 = vector.multi_reduction <add>, %mul3A_302, %reduce_sum3A_303 [1] : vector<128x128xf32> to vector<128xf32>
    %broadcast_in_dim3A_305 = vector.shape_cast %reduce_sum3A_304 : vector<128xf32> to vector<128x1xf32>
    %slice3A_306 = vector.extract_strided_slice %squeeze3A_300 {offsets = [0, 128], sizes = [128, 128], strides = [1, 1]} : vector<128x256xf32> to vector<128x128xf32>
    %mul3A_307 = arith.mulf %slice3A_73, %slice3A_306 : vector<128x128xf32>
    %reduce_sum3A_308 = arith.constant dense<0.000000e+00> : vector<128xf32>
    %reduce_sum3A_309 = vector.multi_reduction <add>, %mul3A_307, %reduce_sum3A_308 [1] : vector<128x128xf32> to vector<128xf32>
    %broadcast_in_dim3A_310 = vector.shape_cast %reduce_sum3A_309 : vector<128xf32> to vector<128x1xf32>
    %slice3A_311 = vector.extract_strided_slice %reshape3A_192 {offsets = [10, 0, 0], sizes = [1, 128, 256], strides = [1, 1, 1]} : vector<20x128x256xf32> to vector<1x128x256xf32>
    %squeeze3A_312 = vector.shape_cast %slice3A_311 : vector<1x128x256xf32> to vector<128x256xf32>
    %slice3A_313 = vector.extract_strided_slice %squeeze3A_312 {offsets = [0, 0], sizes = [128, 128], strides = [1, 1]} : vector<128x256xf32> to vector<128x128xf32>
    %mul3A_314 = arith.mulf %slice3A, %slice3A_313 : vector<128x128xf32>
    %reduce_sum3A_315 = arith.constant dense<0.000000e+00> : vector<128xf32>
    %reduce_sum3A_316 = vector.multi_reduction <add>, %mul3A_314, %reduce_sum3A_315 [1] : vector<128x128xf32> to vector<128xf32>
    %broadcast_in_dim3A_317 = vector.shape_cast %reduce_sum3A_316 : vector<128xf32> to vector<128x1xf32>
    %slice3A_318 = vector.extract_strided_slice %squeeze3A_312 {offsets = [0, 128], sizes = [128, 128], strides = [1, 1]} : vector<128x256xf32> to vector<128x128xf32>
    %mul3A_319 = arith.mulf %slice3A_73, %slice3A_318 : vector<128x128xf32>
    %reduce_sum3A_320 = arith.constant dense<0.000000e+00> : vector<128xf32>
    %reduce_sum3A_321 = vector.multi_reduction <add>, %mul3A_319, %reduce_sum3A_320 [1] : vector<128x128xf32> to vector<128xf32>
    %broadcast_in_dim3A_322 = vector.shape_cast %reduce_sum3A_321 : vector<128xf32> to vector<128x1xf32>
    %slice3A_323 = vector.extract_strided_slice %reshape3A_192 {offsets = [11, 0, 0], sizes = [1, 128, 256], strides = [1, 1, 1]} : vector<20x128x256xf32> to vector<1x128x256xf32>
    %squeeze3A_324 = vector.shape_cast %slice3A_323 : vector<1x128x256xf32> to vector<128x256xf32>
    %slice3A_325 = vector.extract_strided_slice %squeeze3A_324 {offsets = [0, 0], sizes = [128, 128], strides = [1, 1]} : vector<128x256xf32> to vector<128x128xf32>
    %mul3A_326 = arith.mulf %slice3A, %slice3A_325 : vector<128x128xf32>
    %reduce_sum3A_327 = arith.constant dense<0.000000e+00> : vector<128xf32>
    %reduce_sum3A_328 = vector.multi_reduction <add>, %mul3A_326, %reduce_sum3A_327 [1] : vector<128x128xf32> to vector<128xf32>
    %broadcast_in_dim3A_329 = vector.shape_cast %reduce_sum3A_328 : vector<128xf32> to vector<128x1xf32>
    %slice3A_330 = vector.extract_strided_slice %squeeze3A_324 {offsets = [0, 128], sizes = [128, 128], strides = [1, 1]} : vector<128x256xf32> to vector<128x128xf32>
    %mul3A_331 = arith.mulf %slice3A_73, %slice3A_330 : vector<128x128xf32>
    %reduce_sum3A_332 = arith.constant dense<0.000000e+00> : vector<128xf32>
    %reduce_sum3A_333 = vector.multi_reduction <add>, %mul3A_331, %reduce_sum3A_332 [1] : vector<128x128xf32> to vector<128xf32>
    %broadcast_in_dim3A_334 = vector.shape_cast %reduce_sum3A_333 : vector<128xf32> to vector<128x1xf32>
    %slice3A_335 = vector.extract_strided_slice %reshape3A_192 {offsets = [12, 0, 0], sizes = [1, 128, 256], strides = [1, 1, 1]} : vector<20x128x256xf32> to vector<1x128x256xf32>
    %squeeze3A_336 = vector.shape_cast %slice3A_335 : vector<1x128x256xf32> to vector<128x256xf32>
    %slice3A_337 = vector.extract_strided_slice %squeeze3A_336 {offsets = [0, 0], sizes = [128, 128], strides = [1, 1]} : vector<128x256xf32> to vector<128x128xf32>
    %mul3A_338 = arith.mulf %slice3A, %slice3A_337 : vector<128x128xf32>
    %reduce_sum3A_339 = arith.constant dense<0.000000e+00> : vector<128xf32>
    %reduce_sum3A_340 = vector.multi_reduction <add>, %mul3A_338, %reduce_sum3A_339 [1] : vector<128x128xf32> to vector<128xf32>
    %broadcast_in_dim3A_341 = vector.shape_cast %reduce_sum3A_340 : vector<128xf32> to vector<128x1xf32>
    %slice3A_342 = vector.extract_strided_slice %squeeze3A_336 {offsets = [0, 128], sizes = [128, 128], strides = [1, 1]} : vector<128x256xf32> to vector<128x128xf32>
    %mul3A_343 = arith.mulf %slice3A_73, %slice3A_342 : vector<128x128xf32>
    %reduce_sum3A_344 = arith.constant dense<0.000000e+00> : vector<128xf32>
    %reduce_sum3A_345 = vector.multi_reduction <add>, %mul3A_343, %reduce_sum3A_344 [1] : vector<128x128xf32> to vector<128xf32>
    %broadcast_in_dim3A_346 = vector.shape_cast %reduce_sum3A_345 : vector<128xf32> to vector<128x1xf32>
    %slice3A_347 = vector.extract_strided_slice %reshape3A_192 {offsets = [13, 0, 0], sizes = [1, 128, 256], strides = [1, 1, 1]} : vector<20x128x256xf32> to vector<1x128x256xf32>
    %squeeze3A_348 = vector.shape_cast %slice3A_347 : vector<1x128x256xf32> to vector<128x256xf32>
    %slice3A_349 = vector.extract_strided_slice %squeeze3A_348 {offsets = [0, 0], sizes = [128, 128], strides = [1, 1]} : vector<128x256xf32> to vector<128x128xf32>
    %mul3A_350 = arith.mulf %slice3A, %slice3A_349 : vector<128x128xf32>
    %reduce_sum3A_351 = arith.constant dense<0.000000e+00> : vector<128xf32>
    %reduce_sum3A_352 = vector.multi_reduction <add>, %mul3A_350, %reduce_sum3A_351 [1] : vector<128x128xf32> to vector<128xf32>
    %broadcast_in_dim3A_353 = vector.shape_cast %reduce_sum3A_352 : vector<128xf32> to vector<128x1xf32>
    %slice3A_354 = vector.extract_strided_slice %squeeze3A_348 {offsets = [0, 128], sizes = [128, 128], strides = [1, 1]} : vector<128x256xf32> to vector<128x128xf32>
    %mul3A_355 = arith.mulf %slice3A_73, %slice3A_354 : vector<128x128xf32>
    %reduce_sum3A_356 = arith.constant dense<0.000000e+00> : vector<128xf32>
    %reduce_sum3A_357 = vector.multi_reduction <add>, %mul3A_355, %reduce_sum3A_356 [1] : vector<128x128xf32> to vector<128xf32>
    %broadcast_in_dim3A_358 = vector.shape_cast %reduce_sum3A_357 : vector<128xf32> to vector<128x1xf32>
    %slice3A_359 = vector.extract_strided_slice %reshape3A_192 {offsets = [14, 0, 0], sizes = [1, 128, 256], strides = [1, 1, 1]} : vector<20x128x256xf32> to vector<1x128x256xf32>
    %squeeze3A_360 = vector.shape_cast %slice3A_359 : vector<1x128x256xf32> to vector<128x256xf32>
    %slice3A_361 = vector.extract_strided_slice %squeeze3A_360 {offsets = [0, 0], sizes = [128, 128], strides = [1, 1]} : vector<128x256xf32> to vector<128x128xf32>
    %mul3A_362 = arith.mulf %slice3A, %slice3A_361 : vector<128x128xf32>
    %reduce_sum3A_363 = arith.constant dense<0.000000e+00> : vector<128xf32>
    %reduce_sum3A_364 = vector.multi_reduction <add>, %mul3A_362, %reduce_sum3A_363 [1] : vector<128x128xf32> to vector<128xf32>
    %broadcast_in_dim3A_365 = vector.shape_cast %reduce_sum3A_364 : vector<128xf32> to vector<128x1xf32>
    %slice3A_366 = vector.extract_strided_slice %squeeze3A_360 {offsets = [0, 128], sizes = [128, 128], strides = [1, 1]} : vector<128x256xf32> to vector<128x128xf32>
    %mul3A_367 = arith.mulf %slice3A_73, %slice3A_366 : vector<128x128xf32>
    %reduce_sum3A_368 = arith.constant dense<0.000000e+00> : vector<128xf32>
    %reduce_sum3A_369 = vector.multi_reduction <add>, %mul3A_367, %reduce_sum3A_368 [1] : vector<128x128xf32> to vector<128xf32>
    %broadcast_in_dim3A_370 = vector.shape_cast %reduce_sum3A_369 : vector<128xf32> to vector<128x1xf32>
    %slice3A_371 = vector.extract_strided_slice %reshape3A_192 {offsets = [15, 0, 0], sizes = [1, 128, 256], strides = [1, 1, 1]} : vector<20x128x256xf32> to vector<1x128x256xf32>
    %squeeze3A_372 = vector.shape_cast %slice3A_371 : vector<1x128x256xf32> to vector<128x256xf32>
    %slice3A_373 = vector.extract_strided_slice %squeeze3A_372 {offsets = [0, 0], sizes = [128, 128], strides = [1, 1]} : vector<128x256xf32> to vector<128x128xf32>
    %mul3A_374 = arith.mulf %slice3A, %slice3A_373 : vector<128x128xf32>
    %reduce_sum3A_375 = arith.constant dense<0.000000e+00> : vector<128xf32>
    %reduce_sum3A_376 = vector.multi_reduction <add>, %mul3A_374, %reduce_sum3A_375 [1] : vector<128x128xf32> to vector<128xf32>
    %broadcast_in_dim3A_377 = vector.shape_cast %reduce_sum3A_376 : vector<128xf32> to vector<128x1xf32>
    %slice3A_378 = vector.extract_strided_slice %squeeze3A_372 {offsets = [0, 128], sizes = [128, 128], strides = [1, 1]} : vector<128x256xf32> to vector<128x128xf32>
    %mul3A_379 = arith.mulf %slice3A_73, %slice3A_378 : vector<128x128xf32>
    %reduce_sum3A_380 = arith.constant dense<0.000000e+00> : vector<128xf32>
    %reduce_sum3A_381 = vector.multi_reduction <add>, %mul3A_379, %reduce_sum3A_380 [1] : vector<128x128xf32> to vector<128xf32>
    %broadcast_in_dim3A_382 = vector.shape_cast %reduce_sum3A_381 : vector<128xf32> to vector<128x1xf32>
    %slice3A_383 = vector.extract_strided_slice %reshape3A_192 {offsets = [16, 0, 0], sizes = [1, 128, 256], strides = [1, 1, 1]} : vector<20x128x256xf32> to vector<1x128x256xf32>
    %squeeze3A_384 = vector.shape_cast %slice3A_383 : vector<1x128x256xf32> to vector<128x256xf32>
    %slice3A_385 = vector.extract_strided_slice %squeeze3A_384 {offsets = [0, 0], sizes = [128, 128], strides = [1, 1]} : vector<128x256xf32> to vector<128x128xf32>
    %mul3A_386 = arith.mulf %slice3A, %slice3A_385 : vector<128x128xf32>
    %reduce_sum3A_387 = arith.constant dense<0.000000e+00> : vector<128xf32>
    %reduce_sum3A_388 = vector.multi_reduction <add>, %mul3A_386, %reduce_sum3A_387 [1] : vector<128x128xf32> to vector<128xf32>
    %broadcast_in_dim3A_389 = vector.shape_cast %reduce_sum3A_388 : vector<128xf32> to vector<128x1xf32>
    %slice3A_390 = vector.extract_strided_slice %squeeze3A_384 {offsets = [0, 128], sizes = [128, 128], strides = [1, 1]} : vector<128x256xf32> to vector<128x128xf32>
    %mul3A_391 = arith.mulf %slice3A_73, %slice3A_390 : vector<128x128xf32>
    %reduce_sum3A_392 = arith.constant dense<0.000000e+00> : vector<128xf32>
    %reduce_sum3A_393 = vector.multi_reduction <add>, %mul3A_391, %reduce_sum3A_392 [1] : vector<128x128xf32> to vector<128xf32>
    %broadcast_in_dim3A_394 = vector.shape_cast %reduce_sum3A_393 : vector<128xf32> to vector<128x1xf32>
    %slice3A_395 = vector.extract_strided_slice %reshape3A_192 {offsets = [17, 0, 0], sizes = [1, 128, 256], strides = [1, 1, 1]} : vector<20x128x256xf32> to vector<1x128x256xf32>
    %squeeze3A_396 = vector.shape_cast %slice3A_395 : vector<1x128x256xf32> to vector<128x256xf32>
    %slice3A_397 = vector.extract_strided_slice %squeeze3A_396 {offsets = [0, 0], sizes = [128, 128], strides = [1, 1]} : vector<128x256xf32> to vector<128x128xf32>
    %mul3A_398 = arith.mulf %slice3A, %slice3A_397 : vector<128x128xf32>
    %reduce_sum3A_399 = arith.constant dense<0.000000e+00> : vector<128xf32>
    %reduce_sum3A_400 = vector.multi_reduction <add>, %mul3A_398, %reduce_sum3A_399 [1] : vector<128x128xf32> to vector<128xf32>
    %broadcast_in_dim3A_401 = vector.shape_cast %reduce_sum3A_400 : vector<128xf32> to vector<128x1xf32>
    %slice3A_402 = vector.extract_strided_slice %squeeze3A_396 {offsets = [0, 128], sizes = [128, 128], strides = [1, 1]} : vector<128x256xf32> to vector<128x128xf32>
    %mul3A_403 = arith.mulf %slice3A_73, %slice3A_402 : vector<128x128xf32>
    %reduce_sum3A_404 = arith.constant dense<0.000000e+00> : vector<128xf32>
    %reduce_sum3A_405 = vector.multi_reduction <add>, %mul3A_403, %reduce_sum3A_404 [1] : vector<128x128xf32> to vector<128xf32>
    %broadcast_in_dim3A_406 = vector.shape_cast %reduce_sum3A_405 : vector<128xf32> to vector<128x1xf32>
    %slice3A_407 = vector.extract_strided_slice %reshape3A_192 {offsets = [18, 0, 0], sizes = [1, 128, 256], strides = [1, 1, 1]} : vector<20x128x256xf32> to vector<1x128x256xf32>
    %squeeze3A_408 = vector.shape_cast %slice3A_407 : vector<1x128x256xf32> to vector<128x256xf32>
    %slice3A_409 = vector.extract_strided_slice %squeeze3A_408 {offsets = [0, 0], sizes = [128, 128], strides = [1, 1]} : vector<128x256xf32> to vector<128x128xf32>
    %mul3A_410 = arith.mulf %slice3A, %slice3A_409 : vector<128x128xf32>
    %reduce_sum3A_411 = arith.constant dense<0.000000e+00> : vector<128xf32>
    %reduce_sum3A_412 = vector.multi_reduction <add>, %mul3A_410, %reduce_sum3A_411 [1] : vector<128x128xf32> to vector<128xf32>
    %broadcast_in_dim3A_413 = vector.shape_cast %reduce_sum3A_412 : vector<128xf32> to vector<128x1xf32>
    %slice3A_414 = vector.extract_strided_slice %squeeze3A_408 {offsets = [0, 128], sizes = [128, 128], strides = [1, 1]} : vector<128x256xf32> to vector<128x128xf32>
    %mul3A_415 = arith.mulf %slice3A_73, %slice3A_414 : vector<128x128xf32>
    %reduce_sum3A_416 = arith.constant dense<0.000000e+00> : vector<128xf32>
    %reduce_sum3A_417 = vector.multi_reduction <add>, %mul3A_415, %reduce_sum3A_416 [1] : vector<128x128xf32> to vector<128xf32>
    %broadcast_in_dim3A_418 = vector.shape_cast %reduce_sum3A_417 : vector<128xf32> to vector<128x1xf32>
    %slice3A_419 = vector.extract_strided_slice %reshape3A_192 {offsets = [19, 0, 0], sizes = [1, 128, 256], strides = [1, 1, 1]} : vector<20x128x256xf32> to vector<1x128x256xf32>
    %squeeze3A_420 = vector.shape_cast %slice3A_419 : vector<1x128x256xf32> to vector<128x256xf32>
    %slice3A_421 = vector.extract_strided_slice %squeeze3A_420 {offsets = [0, 0], sizes = [128, 128], strides = [1, 1]} : vector<128x256xf32> to vector<128x128xf32>
    %mul3A_422 = arith.mulf %slice3A, %slice3A_421 : vector<128x128xf32>
    %reduce_sum3A_423 = arith.constant dense<0.000000e+00> : vector<128xf32>
    %reduce_sum3A_424 = vector.multi_reduction <add>, %mul3A_422, %reduce_sum3A_423 [1] : vector<128x128xf32> to vector<128xf32>
    %broadcast_in_dim3A_425 = vector.shape_cast %reduce_sum3A_424 : vector<128xf32> to vector<128x1xf32>
    %slice3A_426 = vector.extract_strided_slice %squeeze3A_420 {offsets = [0, 128], sizes = [128, 128], strides = [1, 1]} : vector<128x256xf32> to vector<128x128xf32>
    %mul3A_427 = arith.mulf %slice3A_73, %slice3A_426 : vector<128x128xf32>
    %reduce_sum3A_428 = arith.constant dense<0.000000e+00> : vector<128xf32>
    %reduce_sum3A_429 = vector.multi_reduction <add>, %mul3A_427, %reduce_sum3A_428 [1] : vector<128x128xf32> to vector<128xf32>
    %broadcast_in_dim3A_430 = vector.shape_cast %reduce_sum3A_429 : vector<128xf32> to vector<128x1xf32>
    %concatenate3A = tpu.concatenate %broadcast_in_dim3A, %broadcast_in_dim3A_209, %broadcast_in_dim3A_221, %broadcast_in_dim3A_233, %broadcast_in_dim3A_245, %broadcast_in_dim3A_257, %broadcast_in_dim3A_269, %broadcast_in_dim3A_281, %broadcast_in_dim3A_293, %broadcast_in_dim3A_305, %broadcast_in_dim3A_317, %broadcast_in_dim3A_329, %broadcast_in_dim3A_341, %broadcast_in_dim3A_353, %broadcast_in_dim3A_365, %broadcast_in_dim3A_377, %broadcast_in_dim3A_389, %broadcast_in_dim3A_401, %broadcast_in_dim3A_413, %broadcast_in_dim3A_425 in 1 : vector<128x1xf32>, vector<128x1xf32>, vector<128x1xf32>, vector<128x1xf32>, vector<128x1xf32>, vector<128x1xf32>, vector<128x1xf32>, vector<128x1xf32>, vector<128x1xf32>, vector<128x1xf32>, vector<128x1xf32>, vector<128x1xf32>, vector<128x1xf32>, vector<128x1xf32>, vector<128x1xf32>, vector<128x1xf32>, vector<128x1xf32>, vector<128x1xf32>, vector<128x1xf32>, vector<128x1xf32> -> vector<128x20xf32>
    %mul3A_431 = arith.constant 0.0883883461 : f32
    %mul3A_432 = vector.broadcast %mul3A_431 : f32 to vector<128x20xf32>
    %mul3A_433 = arith.mulf %concatenate3A, %mul3A_432 : vector<128x20xf32>
    %concatenate3A_434 = tpu.concatenate %broadcast_in_dim3A_202, %broadcast_in_dim3A_214, %broadcast_in_dim3A_226, %broadcast_in_dim3A_238, %broadcast_in_dim3A_250, %broadcast_in_dim3A_262, %broadcast_in_dim3A_274, %broadcast_in_dim3A_286, %broadcast_in_dim3A_298, %broadcast_in_dim3A_310, %broadcast_in_dim3A_322, %broadcast_in_dim3A_334, %broadcast_in_dim3A_346, %broadcast_in_dim3A_358, %broadcast_in_dim3A_370, %broadcast_in_dim3A_382, %broadcast_in_dim3A_394, %broadcast_in_dim3A_406, %broadcast_in_dim3A_418, %broadcast_in_dim3A_430 in 1 : vector<128x1xf32>, vector<128x1xf32>, vector<128x1xf32>, vector<128x1xf32>, vector<128x1xf32>, vector<128x1xf32>, vector<128x1xf32>, vector<128x1xf32>, vector<128x1xf32>, vector<128x1xf32>, vector<128x1xf32>, vector<128x1xf32>, vector<128x1xf32>, vector<128x1xf32>, vector<128x1xf32>, vector<128x1xf32>, vector<128x1xf32>, vector<128x1xf32>, vector<128x1xf32>, vector<128x1xf32> -> vector<128x20xf32>
    %mul3A_435 = arith.constant 0.0883883461 : f32
    %mul3A_436 = vector.broadcast %mul3A_435 : f32 to vector<128x20xf32>
    %mul3A_437 = arith.mulf %concatenate3A_434, %mul3A_436 : vector<128x20xf32>
    %reduce_max3A = arith.constant dense<0xFF800000> : vector<128xf32>
    %reduce_max3A_438 = vector.multi_reduction <maximumf>, %mul3A_433, %reduce_max3A [1] : vector<128x20xf32> to vector<128xf32>
    %max3A = arith.constant 0xFF800000 : f32
    %max3A_439 = vector.broadcast %max3A : f32 to vector<128xf32>
    %max3A_440 = arith.maximumf %max3A_439, %reduce_max3A_438 : vector<128xf32>
    %broadcast_in_dim3A_441 = vector.shape_cast %max3A_440 : vector<128xf32> to vector<128x1xf32>
    %sub3A_442 = vector.broadcast %broadcast_in_dim3A_441 : vector<128x1xf32> to vector<128x20xf32>
    %sub3A_443 = arith.subf %mul3A_433, %sub3A_442 : vector<128x20xf32>
    %exp3A = math.exp %sub3A_443 : vector<128x20xf32>
    %reduce_sum3A_444 = arith.constant dense<0.000000e+00> : vector<128xf32>
    %reduce_sum3A_445 = vector.multi_reduction <add>, %exp3A, %reduce_sum3A_444 [1] : vector<128x20xf32> to vector<128xf32>
    %broadcast_in_dim3A_446 = vector.shape_cast %reduce_sum3A_445 : vector<128xf32> to vector<128x1xf32>
    %div3A = vector.broadcast %broadcast_in_dim3A_446 : vector<128x1xf32> to vector<128x20xf32>
    %div3A_447 = arith.divf %exp3A, %div3A : vector<128x20xf32>
    %reduce_max3A_448 = arith.constant dense<0xFF800000> : vector<128xf32>
    %reduce_max3A_449 = vector.multi_reduction <maximumf>, %mul3A_437, %reduce_max3A_448 [1] : vector<128x20xf32> to vector<128xf32>
    %max3A_450 = arith.constant 0xFF800000 : f32
    %max3A_451 = vector.broadcast %max3A_450 : f32 to vector<128xf32>
    %max3A_452 = arith.maximumf %max3A_451, %reduce_max3A_449 : vector<128xf32>
    %broadcast_in_dim3A_453 = vector.shape_cast %max3A_452 : vector<128xf32> to vector<128x1xf32>
    %sub3A_454 = vector.broadcast %broadcast_in_dim3A_453 : vector<128x1xf32> to vector<128x20xf32>
    %sub3A_455 = arith.subf %mul3A_437, %sub3A_454 : vector<128x20xf32>
    %exp3A_456 = math.exp %sub3A_455 : vector<128x20xf32>
    %reduce_sum3A_457 = arith.constant dense<0.000000e+00> : vector<128xf32>
    %reduce_sum3A_458 = vector.multi_reduction <add>, %exp3A_456, %reduce_sum3A_457 [1] : vector<128x20xf32> to vector<128xf32>
    %broadcast_in_dim3A_459 = vector.shape_cast %reduce_sum3A_458 : vector<128xf32> to vector<128x1xf32>
    %div3A_460 = vector.broadcast %broadcast_in_dim3A_459 : vector<128x1xf32> to vector<128x20xf32>
    %div3A_461 = arith.divf %exp3A_456, %div3A_460 : vector<128x20xf32>
    %slice3A_462 = vector.extract_strided_slice %div3A_447 {offsets = [0, 0], sizes = [128, 1], strides = [1, 1]} : vector<128x20xf32> to vector<128x1xf32>
    %slice3A_463 = vector.extract_strided_slice %reshape3A_193 {offsets = [0, 0, 0], sizes = [1, 128, 256], strides = [1, 1, 1]} : vector<20x128x256xf32> to vector<1x128x256xf32>
    %squeeze3A_464 = vector.shape_cast %slice3A_463 : vector<1x128x256xf32> to vector<128x256xf32>
    %slice3A_465 = vector.extract_strided_slice %squeeze3A_464 {offsets = [0, 0], sizes = [128, 128], strides = [1, 1]} : vector<128x256xf32> to vector<128x128xf32>
    %mul3A_466 = vector.broadcast %slice3A_462 : vector<128x1xf32> to vector<128x128xf32>
    %mul3A_467 = arith.mulf %mul3A_466, %slice3A_465 : vector<128x128xf32>
    %slice3A_468 = vector.extract_strided_slice %div3A_461 {offsets = [0, 0], sizes = [128, 1], strides = [1, 1]} : vector<128x20xf32> to vector<128x1xf32>
    %slice3A_469 = vector.extract_strided_slice %reshape3A_193 {offsets = [0, 0, 0], sizes = [1, 128, 256], strides = [1, 1, 1]} : vector<20x128x256xf32> to vector<1x128x256xf32>
    %squeeze3A_470 = vector.shape_cast %slice3A_469 : vector<1x128x256xf32> to vector<128x256xf32>
    %slice3A_471 = vector.extract_strided_slice %squeeze3A_470 {offsets = [0, 128], sizes = [128, 128], strides = [1, 1]} : vector<128x256xf32> to vector<128x128xf32>
    %mul3A_472 = vector.broadcast %slice3A_468 : vector<128x1xf32> to vector<128x128xf32>
    %mul3A_473 = arith.mulf %mul3A_472, %slice3A_471 : vector<128x128xf32>
    %slice3A_474 = vector.extract_strided_slice %div3A_447 {offsets = [0, 1], sizes = [128, 1], strides = [1, 1]} : vector<128x20xf32> to vector<128x1xf32>
    %slice3A_475 = vector.extract_strided_slice %reshape3A_193 {offsets = [1, 0, 0], sizes = [1, 128, 256], strides = [1, 1, 1]} : vector<20x128x256xf32> to vector<1x128x256xf32>
    %squeeze3A_476 = vector.shape_cast %slice3A_475 : vector<1x128x256xf32> to vector<128x256xf32>
    %slice3A_477 = vector.extract_strided_slice %squeeze3A_476 {offsets = [0, 0], sizes = [128, 128], strides = [1, 1]} : vector<128x256xf32> to vector<128x128xf32>
    %mul3A_478 = vector.broadcast %slice3A_474 : vector<128x1xf32> to vector<128x128xf32>
    %mul3A_479 = arith.mulf %mul3A_478, %slice3A_477 : vector<128x128xf32>
    %add3A_480 = arith.addf %mul3A_467, %mul3A_479 : vector<128x128xf32>
    %slice3A_481 = vector.extract_strided_slice %div3A_461 {offsets = [0, 1], sizes = [128, 1], strides = [1, 1]} : vector<128x20xf32> to vector<128x1xf32>
    %slice3A_482 = vector.extract_strided_slice %reshape3A_193 {offsets = [1, 0, 0], sizes = [1, 128, 256], strides = [1, 1, 1]} : vector<20x128x256xf32> to vector<1x128x256xf32>
    %squeeze3A_483 = vector.shape_cast %slice3A_482 : vector<1x128x256xf32> to vector<128x256xf32>
    %slice3A_484 = vector.extract_strided_slice %squeeze3A_483 {offsets = [0, 128], sizes = [128, 128], strides = [1, 1]} : vector<128x256xf32> to vector<128x128xf32>
    %mul3A_485 = vector.broadcast %slice3A_481 : vector<128x1xf32> to vector<128x128xf32>
    %mul3A_486 = arith.mulf %mul3A_485, %slice3A_484 : vector<128x128xf32>
    %add3A_487 = arith.addf %mul3A_473, %mul3A_486 : vector<128x128xf32>
    %slice3A_488 = vector.extract_strided_slice %div3A_447 {offsets = [0, 2], sizes = [128, 1], strides = [1, 1]} : vector<128x20xf32> to vector<128x1xf32>
    %slice3A_489 = vector.extract_strided_slice %reshape3A_193 {offsets = [2, 0, 0], sizes = [1, 128, 256], strides = [1, 1, 1]} : vector<20x128x256xf32> to vector<1x128x256xf32>
    %squeeze3A_490 = vector.shape_cast %slice3A_489 : vector<1x128x256xf32> to vector<128x256xf32>
    %slice3A_491 = vector.extract_strided_slice %squeeze3A_490 {offsets = [0, 0], sizes = [128, 128], strides = [1, 1]} : vector<128x256xf32> to vector<128x128xf32>
    %mul3A_492 = vector.broadcast %slice3A_488 : vector<128x1xf32> to vector<128x128xf32>
    %mul3A_493 = arith.mulf %mul3A_492, %slice3A_491 : vector<128x128xf32>
    %add3A_494 = arith.addf %add3A_480, %mul3A_493 : vector<128x128xf32>
    %slice3A_495 = vector.extract_strided_slice %div3A_461 {offsets = [0, 2], sizes = [128, 1], strides = [1, 1]} : vector<128x20xf32> to vector<128x1xf32>
    %slice3A_496 = vector.extract_strided_slice %reshape3A_193 {offsets = [2, 0, 0], sizes = [1, 128, 256], strides = [1, 1, 1]} : vector<20x128x256xf32> to vector<1x128x256xf32>
    %squeeze3A_497 = vector.shape_cast %slice3A_496 : vector<1x128x256xf32> to vector<128x256xf32>
    %slice3A_498 = vector.extract_strided_slice %squeeze3A_497 {offsets = [0, 128], sizes = [128, 128], strides = [1, 1]} : vector<128x256xf32> to vector<128x128xf32>
    %mul3A_499 = vector.broadcast %slice3A_495 : vector<128x1xf32> to vector<128x128xf32>
    %mul3A_500 = arith.mulf %mul3A_499, %slice3A_498 : vector<128x128xf32>
    %add3A_501 = arith.addf %add3A_487, %mul3A_500 : vector<128x128xf32>
    %slice3A_502 = vector.extract_strided_slice %div3A_447 {offsets = [0, 3], sizes = [128, 1], strides = [1, 1]} : vector<128x20xf32> to vector<128x1xf32>
    %slice3A_503 = vector.extract_strided_slice %reshape3A_193 {offsets = [3, 0, 0], sizes = [1, 128, 256], strides = [1, 1, 1]} : vector<20x128x256xf32> to vector<1x128x256xf32>
    %squeeze3A_504 = vector.shape_cast %slice3A_503 : vector<1x128x256xf32> to vector<128x256xf32>
    %slice3A_505 = vector.extract_strided_slice %squeeze3A_504 {offsets = [0, 0], sizes = [128, 128], strides = [1, 1]} : vector<128x256xf32> to vector<128x128xf32>
    %mul3A_506 = vector.broadcast %slice3A_502 : vector<128x1xf32> to vector<128x128xf32>
    %mul3A_507 = arith.mulf %mul3A_506, %slice3A_505 : vector<128x128xf32>
    %add3A_508 = arith.addf %add3A_494, %mul3A_507 : vector<128x128xf32>
    %slice3A_509 = vector.extract_strided_slice %div3A_461 {offsets = [0, 3], sizes = [128, 1], strides = [1, 1]} : vector<128x20xf32> to vector<128x1xf32>
    %slice3A_510 = vector.extract_strided_slice %reshape3A_193 {offsets = [3, 0, 0], sizes = [1, 128, 256], strides = [1, 1, 1]} : vector<20x128x256xf32> to vector<1x128x256xf32>
    %squeeze3A_511 = vector.shape_cast %slice3A_510 : vector<1x128x256xf32> to vector<128x256xf32>
    %slice3A_512 = vector.extract_strided_slice %squeeze3A_511 {offsets = [0, 128], sizes = [128, 128], strides = [1, 1]} : vector<128x256xf32> to vector<128x128xf32>
    %mul3A_513 = vector.broadcast %slice3A_509 : vector<128x1xf32> to vector<128x128xf32>
    %mul3A_514 = arith.mulf %mul3A_513, %slice3A_512 : vector<128x128xf32>
    %add3A_515 = arith.addf %add3A_501, %mul3A_514 : vector<128x128xf32>
    %slice3A_516 = vector.extract_strided_slice %div3A_447 {offsets = [0, 4], sizes = [128, 1], strides = [1, 1]} : vector<128x20xf32> to vector<128x1xf32>
    %slice3A_517 = vector.extract_strided_slice %reshape3A_193 {offsets = [4, 0, 0], sizes = [1, 128, 256], strides = [1, 1, 1]} : vector<20x128x256xf32> to vector<1x128x256xf32>
    %squeeze3A_518 = vector.shape_cast %slice3A_517 : vector<1x128x256xf32> to vector<128x256xf32>
    %slice3A_519 = vector.extract_strided_slice %squeeze3A_518 {offsets = [0, 0], sizes = [128, 128], strides = [1, 1]} : vector<128x256xf32> to vector<128x128xf32>
    %mul3A_520 = vector.broadcast %slice3A_516 : vector<128x1xf32> to vector<128x128xf32>
    %mul3A_521 = arith.mulf %mul3A_520, %slice3A_519 : vector<128x128xf32>
    %add3A_522 = arith.addf %add3A_508, %mul3A_521 : vector<128x128xf32>
    %slice3A_523 = vector.extract_strided_slice %div3A_461 {offsets = [0, 4], sizes = [128, 1], strides = [1, 1]} : vector<128x20xf32> to vector<128x1xf32>
    %slice3A_524 = vector.extract_strided_slice %reshape3A_193 {offsets = [4, 0, 0], sizes = [1, 128, 256], strides = [1, 1, 1]} : vector<20x128x256xf32> to vector<1x128x256xf32>
    %squeeze3A_525 = vector.shape_cast %slice3A_524 : vector<1x128x256xf32> to vector<128x256xf32>
    %slice3A_526 = vector.extract_strided_slice %squeeze3A_525 {offsets = [0, 128], sizes = [128, 128], strides = [1, 1]} : vector<128x256xf32> to vector<128x128xf32>
    %mul3A_527 = vector.broadcast %slice3A_523 : vector<128x1xf32> to vector<128x128xf32>
    %mul3A_528 = arith.mulf %mul3A_527, %slice3A_526 : vector<128x128xf32>
    %add3A_529 = arith.addf %add3A_515, %mul3A_528 : vector<128x128xf32>
    %slice3A_530 = vector.extract_strided_slice %div3A_447 {offsets = [0, 5], sizes = [128, 1], strides = [1, 1]} : vector<128x20xf32> to vector<128x1xf32>
    %slice3A_531 = vector.extract_strided_slice %reshape3A_193 {offsets = [5, 0, 0], sizes = [1, 128, 256], strides = [1, 1, 1]} : vector<20x128x256xf32> to vector<1x128x256xf32>
    %squeeze3A_532 = vector.shape_cast %slice3A_531 : vector<1x128x256xf32> to vector<128x256xf32>
    %slice3A_533 = vector.extract_strided_slice %squeeze3A_532 {offsets = [0, 0], sizes = [128, 128], strides = [1, 1]} : vector<128x256xf32> to vector<128x128xf32>
    %mul3A_534 = vector.broadcast %slice3A_530 : vector<128x1xf32> to vector<128x128xf32>
    %mul3A_535 = arith.mulf %mul3A_534, %slice3A_533 : vector<128x128xf32>
    %add3A_536 = arith.addf %add3A_522, %mul3A_535 : vector<128x128xf32>
    %slice3A_537 = vector.extract_strided_slice %div3A_461 {offsets = [0, 5], sizes = [128, 1], strides = [1, 1]} : vector<128x20xf32> to vector<128x1xf32>
    %slice3A_538 = vector.extract_strided_slice %reshape3A_193 {offsets = [5, 0, 0], sizes = [1, 128, 256], strides = [1, 1, 1]} : vector<20x128x256xf32> to vector<1x128x256xf32>
    %squeeze3A_539 = vector.shape_cast %slice3A_538 : vector<1x128x256xf32> to vector<128x256xf32>
    %slice3A_540 = vector.extract_strided_slice %squeeze3A_539 {offsets = [0, 128], sizes = [128, 128], strides = [1, 1]} : vector<128x256xf32> to vector<128x128xf32>
    %mul3A_541 = vector.broadcast %slice3A_537 : vector<128x1xf32> to vector<128x128xf32>
    %mul3A_542 = arith.mulf %mul3A_541, %slice3A_540 : vector<128x128xf32>
    %add3A_543 = arith.addf %add3A_529, %mul3A_542 : vector<128x128xf32>
    %slice3A_544 = vector.extract_strided_slice %div3A_447 {offsets = [0, 6], sizes = [128, 1], strides = [1, 1]} : vector<128x20xf32> to vector<128x1xf32>
    %slice3A_545 = vector.extract_strided_slice %reshape3A_193 {offsets = [6, 0, 0], sizes = [1, 128, 256], strides = [1, 1, 1]} : vector<20x128x256xf32> to vector<1x128x256xf32>
    %squeeze3A_546 = vector.shape_cast %slice3A_545 : vector<1x128x256xf32> to vector<128x256xf32>
    %slice3A_547 = vector.extract_strided_slice %squeeze3A_546 {offsets = [0, 0], sizes = [128, 128], strides = [1, 1]} : vector<128x256xf32> to vector<128x128xf32>
    %mul3A_548 = vector.broadcast %slice3A_544 : vector<128x1xf32> to vector<128x128xf32>
    %mul3A_549 = arith.mulf %mul3A_548, %slice3A_547 : vector<128x128xf32>
    %add3A_550 = arith.addf %add3A_536, %mul3A_549 : vector<128x128xf32>
    %slice3A_551 = vector.extract_strided_slice %div3A_461 {offsets = [0, 6], sizes = [128, 1], strides = [1, 1]} : vector<128x20xf32> to vector<128x1xf32>
    %slice3A_552 = vector.extract_strided_slice %reshape3A_193 {offsets = [6, 0, 0], sizes = [1, 128, 256], strides = [1, 1, 1]} : vector<20x128x256xf32> to vector<1x128x256xf32>
    %squeeze3A_553 = vector.shape_cast %slice3A_552 : vector<1x128x256xf32> to vector<128x256xf32>
    %slice3A_554 = vector.extract_strided_slice %squeeze3A_553 {offsets = [0, 128], sizes = [128, 128], strides = [1, 1]} : vector<128x256xf32> to vector<128x128xf32>
    %mul3A_555 = vector.broadcast %slice3A_551 : vector<128x1xf32> to vector<128x128xf32>
    %mul3A_556 = arith.mulf %mul3A_555, %slice3A_554 : vector<128x128xf32>
    %add3A_557 = arith.addf %add3A_543, %mul3A_556 : vector<128x128xf32>
    %slice3A_558 = vector.extract_strided_slice %div3A_447 {offsets = [0, 7], sizes = [128, 1], strides = [1, 1]} : vector<128x20xf32> to vector<128x1xf32>
    %slice3A_559 = vector.extract_strided_slice %reshape3A_193 {offsets = [7, 0, 0], sizes = [1, 128, 256], strides = [1, 1, 1]} : vector<20x128x256xf32> to vector<1x128x256xf32>
    %squeeze3A_560 = vector.shape_cast %slice3A_559 : vector<1x128x256xf32> to vector<128x256xf32>
    %slice3A_561 = vector.extract_strided_slice %squeeze3A_560 {offsets = [0, 0], sizes = [128, 128], strides = [1, 1]} : vector<128x256xf32> to vector<128x128xf32>
    %mul3A_562 = vector.broadcast %slice3A_558 : vector<128x1xf32> to vector<128x128xf32>
    %mul3A_563 = arith.mulf %mul3A_562, %slice3A_561 : vector<128x128xf32>
    %add3A_564 = arith.addf %add3A_550, %mul3A_563 : vector<128x128xf32>
    %slice3A_565 = vector.extract_strided_slice %div3A_461 {offsets = [0, 7], sizes = [128, 1], strides = [1, 1]} : vector<128x20xf32> to vector<128x1xf32>
    %slice3A_566 = vector.extract_strided_slice %reshape3A_193 {offsets = [7, 0, 0], sizes = [1, 128, 256], strides = [1, 1, 1]} : vector<20x128x256xf32> to vector<1x128x256xf32>
    %squeeze3A_567 = vector.shape_cast %slice3A_566 : vector<1x128x256xf32> to vector<128x256xf32>
    %slice3A_568 = vector.extract_strided_slice %squeeze3A_567 {offsets = [0, 128], sizes = [128, 128], strides = [1, 1]} : vector<128x256xf32> to vector<128x128xf32>
    %mul3A_569 = vector.broadcast %slice3A_565 : vector<128x1xf32> to vector<128x128xf32>
    %mul3A_570 = arith.mulf %mul3A_569, %slice3A_568 : vector<128x128xf32>
    %add3A_571 = arith.addf %add3A_557, %mul3A_570 : vector<128x128xf32>
    %slice3A_572 = vector.extract_strided_slice %div3A_447 {offsets = [0, 8], sizes = [128, 1], strides = [1, 1]} : vector<128x20xf32> to vector<128x1xf32>
    %slice3A_573 = vector.extract_strided_slice %reshape3A_193 {offsets = [8, 0, 0], sizes = [1, 128, 256], strides = [1, 1, 1]} : vector<20x128x256xf32> to vector<1x128x256xf32>
    %squeeze3A_574 = vector.shape_cast %slice3A_573 : vector<1x128x256xf32> to vector<128x256xf32>
    %slice3A_575 = vector.extract_strided_slice %squeeze3A_574 {offsets = [0, 0], sizes = [128, 128], strides = [1, 1]} : vector<128x256xf32> to vector<128x128xf32>
    %mul3A_576 = vector.broadcast %slice3A_572 : vector<128x1xf32> to vector<128x128xf32>
    %mul3A_577 = arith.mulf %mul3A_576, %slice3A_575 : vector<128x128xf32>
    %add3A_578 = arith.addf %add3A_564, %mul3A_577 : vector<128x128xf32>
    %slice3A_579 = vector.extract_strided_slice %div3A_461 {offsets = [0, 8], sizes = [128, 1], strides = [1, 1]} : vector<128x20xf32> to vector<128x1xf32>
    %slice3A_580 = vector.extract_strided_slice %reshape3A_193 {offsets = [8, 0, 0], sizes = [1, 128, 256], strides = [1, 1, 1]} : vector<20x128x256xf32> to vector<1x128x256xf32>
    %squeeze3A_581 = vector.shape_cast %slice3A_580 : vector<1x128x256xf32> to vector<128x256xf32>
    %slice3A_582 = vector.extract_strided_slice %squeeze3A_581 {offsets = [0, 128], sizes = [128, 128], strides = [1, 1]} : vector<128x256xf32> to vector<128x128xf32>
    %mul3A_583 = vector.broadcast %slice3A_579 : vector<128x1xf32> to vector<128x128xf32>
    %mul3A_584 = arith.mulf %mul3A_583, %slice3A_582 : vector<128x128xf32>
    %add3A_585 = arith.addf %add3A_571, %mul3A_584 : vector<128x128xf32>
    %slice3A_586 = vector.extract_strided_slice %div3A_447 {offsets = [0, 9], sizes = [128, 1], strides = [1, 1]} : vector<128x20xf32> to vector<128x1xf32>
    %slice3A_587 = vector.extract_strided_slice %reshape3A_193 {offsets = [9, 0, 0], sizes = [1, 128, 256], strides = [1, 1, 1]} : vector<20x128x256xf32> to vector<1x128x256xf32>
    %squeeze3A_588 = vector.shape_cast %slice3A_587 : vector<1x128x256xf32> to vector<128x256xf32>
    %slice3A_589 = vector.extract_strided_slice %squeeze3A_588 {offsets = [0, 0], sizes = [128, 128], strides = [1, 1]} : vector<128x256xf32> to vector<128x128xf32>
    %mul3A_590 = vector.broadcast %slice3A_586 : vector<128x1xf32> to vector<128x128xf32>
    %mul3A_591 = arith.mulf %mul3A_590, %slice3A_589 : vector<128x128xf32>
    %add3A_592 = arith.addf %add3A_578, %mul3A_591 : vector<128x128xf32>
    %slice3A_593 = vector.extract_strided_slice %div3A_461 {offsets = [0, 9], sizes = [128, 1], strides = [1, 1]} : vector<128x20xf32> to vector<128x1xf32>
    %slice3A_594 = vector.extract_strided_slice %reshape3A_193 {offsets = [9, 0, 0], sizes = [1, 128, 256], strides = [1, 1, 1]} : vector<20x128x256xf32> to vector<1x128x256xf32>
    %squeeze3A_595 = vector.shape_cast %slice3A_594 : vector<1x128x256xf32> to vector<128x256xf32>
    %slice3A_596 = vector.extract_strided_slice %squeeze3A_595 {offsets = [0, 128], sizes = [128, 128], strides = [1, 1]} : vector<128x256xf32> to vector<128x128xf32>
    %mul3A_597 = vector.broadcast %slice3A_593 : vector<128x1xf32> to vector<128x128xf32>
    %mul3A_598 = arith.mulf %mul3A_597, %slice3A_596 : vector<128x128xf32>
    %add3A_599 = arith.addf %add3A_585, %mul3A_598 : vector<128x128xf32>
    %slice3A_600 = vector.extract_strided_slice %div3A_447 {offsets = [0, 10], sizes = [128, 1], strides = [1, 1]} : vector<128x20xf32> to vector<128x1xf32>
    %slice3A_601 = vector.extract_strided_slice %reshape3A_193 {offsets = [10, 0, 0], sizes = [1, 128, 256], strides = [1, 1, 1]} : vector<20x128x256xf32> to vector<1x128x256xf32>
    %squeeze3A_602 = vector.shape_cast %slice3A_601 : vector<1x128x256xf32> to vector<128x256xf32>
    %slice3A_603 = vector.extract_strided_slice %squeeze3A_602 {offsets = [0, 0], sizes = [128, 128], strides = [1, 1]} : vector<128x256xf32> to vector<128x128xf32>
    %mul3A_604 = vector.broadcast %slice3A_600 : vector<128x1xf32> to vector<128x128xf32>
    %mul3A_605 = arith.mulf %mul3A_604, %slice3A_603 : vector<128x128xf32>
    %add3A_606 = arith.addf %add3A_592, %mul3A_605 : vector<128x128xf32>
    %slice3A_607 = vector.extract_strided_slice %div3A_461 {offsets = [0, 10], sizes = [128, 1], strides = [1, 1]} : vector<128x20xf32> to vector<128x1xf32>
    %slice3A_608 = vector.extract_strided_slice %reshape3A_193 {offsets = [10, 0, 0], sizes = [1, 128, 256], strides = [1, 1, 1]} : vector<20x128x256xf32> to vector<1x128x256xf32>
    %squeeze3A_609 = vector.shape_cast %slice3A_608 : vector<1x128x256xf32> to vector<128x256xf32>
    %slice3A_610 = vector.extract_strided_slice %squeeze3A_609 {offsets = [0, 128], sizes = [128, 128], strides = [1, 1]} : vector<128x256xf32> to vector<128x128xf32>
    %mul3A_611 = vector.broadcast %slice3A_607 : vector<128x1xf32> to vector<128x128xf32>
    %mul3A_612 = arith.mulf %mul3A_611, %slice3A_610 : vector<128x128xf32>
    %add3A_613 = arith.addf %add3A_599, %mul3A_612 : vector<128x128xf32>
    %slice3A_614 = vector.extract_strided_slice %div3A_447 {offsets = [0, 11], sizes = [128, 1], strides = [1, 1]} : vector<128x20xf32> to vector<128x1xf32>
    %slice3A_615 = vector.extract_strided_slice %reshape3A_193 {offsets = [11, 0, 0], sizes = [1, 128, 256], strides = [1, 1, 1]} : vector<20x128x256xf32> to vector<1x128x256xf32>
    %squeeze3A_616 = vector.shape_cast %slice3A_615 : vector<1x128x256xf32> to vector<128x256xf32>
    %slice3A_617 = vector.extract_strided_slice %squeeze3A_616 {offsets = [0, 0], sizes = [128, 128], strides = [1, 1]} : vector<128x256xf32> to vector<128x128xf32>
    %mul3A_618 = vector.broadcast %slice3A_614 : vector<128x1xf32> to vector<128x128xf32>
    %mul3A_619 = arith.mulf %mul3A_618, %slice3A_617 : vector<128x128xf32>
    %add3A_620 = arith.addf %add3A_606, %mul3A_619 : vector<128x128xf32>
    %slice3A_621 = vector.extract_strided_slice %div3A_461 {offsets = [0, 11], sizes = [128, 1], strides = [1, 1]} : vector<128x20xf32> to vector<128x1xf32>
    %slice3A_622 = vector.extract_strided_slice %reshape3A_193 {offsets = [11, 0, 0], sizes = [1, 128, 256], strides = [1, 1, 1]} : vector<20x128x256xf32> to vector<1x128x256xf32>
    %squeeze3A_623 = vector.shape_cast %slice3A_622 : vector<1x128x256xf32> to vector<128x256xf32>
    %slice3A_624 = vector.extract_strided_slice %squeeze3A_623 {offsets = [0, 128], sizes = [128, 128], strides = [1, 1]} : vector<128x256xf32> to vector<128x128xf32>
    %mul3A_625 = vector.broadcast %slice3A_621 : vector<128x1xf32> to vector<128x128xf32>
    %mul3A_626 = arith.mulf %mul3A_625, %slice3A_624 : vector<128x128xf32>
    %add3A_627 = arith.addf %add3A_613, %mul3A_626 : vector<128x128xf32>
    %slice3A_628 = vector.extract_strided_slice %div3A_447 {offsets = [0, 12], sizes = [128, 1], strides = [1, 1]} : vector<128x20xf32> to vector<128x1xf32>
    %slice3A_629 = vector.extract_strided_slice %reshape3A_193 {offsets = [12, 0, 0], sizes = [1, 128, 256], strides = [1, 1, 1]} : vector<20x128x256xf32> to vector<1x128x256xf32>
    %squeeze3A_630 = vector.shape_cast %slice3A_629 : vector<1x128x256xf32> to vector<128x256xf32>
    %slice3A_631 = vector.extract_strided_slice %squeeze3A_630 {offsets = [0, 0], sizes = [128, 128], strides = [1, 1]} : vector<128x256xf32> to vector<128x128xf32>
    %mul3A_632 = vector.broadcast %slice3A_628 : vector<128x1xf32> to vector<128x128xf32>
    %mul3A_633 = arith.mulf %mul3A_632, %slice3A_631 : vector<128x128xf32>
    %add3A_634 = arith.addf %add3A_620, %mul3A_633 : vector<128x128xf32>
    %slice3A_635 = vector.extract_strided_slice %div3A_461 {offsets = [0, 12], sizes = [128, 1], strides = [1, 1]} : vector<128x20xf32> to vector<128x1xf32>
    %slice3A_636 = vector.extract_strided_slice %reshape3A_193 {offsets = [12, 0, 0], sizes = [1, 128, 256], strides = [1, 1, 1]} : vector<20x128x256xf32> to vector<1x128x256xf32>
    %squeeze3A_637 = vector.shape_cast %slice3A_636 : vector<1x128x256xf32> to vector<128x256xf32>
    %slice3A_638 = vector.extract_strided_slice %squeeze3A_637 {offsets = [0, 128], sizes = [128, 128], strides = [1, 1]} : vector<128x256xf32> to vector<128x128xf32>
    %mul3A_639 = vector.broadcast %slice3A_635 : vector<128x1xf32> to vector<128x128xf32>
    %mul3A_640 = arith.mulf %mul3A_639, %slice3A_638 : vector<128x128xf32>
    %add3A_641 = arith.addf %add3A_627, %mul3A_640 : vector<128x128xf32>
    %slice3A_642 = vector.extract_strided_slice %div3A_447 {offsets = [0, 13], sizes = [128, 1], strides = [1, 1]} : vector<128x20xf32> to vector<128x1xf32>
    %slice3A_643 = vector.extract_strided_slice %reshape3A_193 {offsets = [13, 0, 0], sizes = [1, 128, 256], strides = [1, 1, 1]} : vector<20x128x256xf32> to vector<1x128x256xf32>
    %squeeze3A_644 = vector.shape_cast %slice3A_643 : vector<1x128x256xf32> to vector<128x256xf32>
    %slice3A_645 = vector.extract_strided_slice %squeeze3A_644 {offsets = [0, 0], sizes = [128, 128], strides = [1, 1]} : vector<128x256xf32> to vector<128x128xf32>
    %mul3A_646 = vector.broadcast %slice3A_642 : vector<128x1xf32> to vector<128x128xf32>
    %mul3A_647 = arith.mulf %mul3A_646, %slice3A_645 : vector<128x128xf32>
    %add3A_648 = arith.addf %add3A_634, %mul3A_647 : vector<128x128xf32>
    %slice3A_649 = vector.extract_strided_slice %div3A_461 {offsets = [0, 13], sizes = [128, 1], strides = [1, 1]} : vector<128x20xf32> to vector<128x1xf32>
    %slice3A_650 = vector.extract_strided_slice %reshape3A_193 {offsets = [13, 0, 0], sizes = [1, 128, 256], strides = [1, 1, 1]} : vector<20x128x256xf32> to vector<1x128x256xf32>
    %squeeze3A_651 = vector.shape_cast %slice3A_650 : vector<1x128x256xf32> to vector<128x256xf32>
    %slice3A_652 = vector.extract_strided_slice %squeeze3A_651 {offsets = [0, 128], sizes = [128, 128], strides = [1, 1]} : vector<128x256xf32> to vector<128x128xf32>
    %mul3A_653 = vector.broadcast %slice3A_649 : vector<128x1xf32> to vector<128x128xf32>
    %mul3A_654 = arith.mulf %mul3A_653, %slice3A_652 : vector<128x128xf32>
    %add3A_655 = arith.addf %add3A_641, %mul3A_654 : vector<128x128xf32>
    %slice3A_656 = vector.extract_strided_slice %div3A_447 {offsets = [0, 14], sizes = [128, 1], strides = [1, 1]} : vector<128x20xf32> to vector<128x1xf32>
    %slice3A_657 = vector.extract_strided_slice %reshape3A_193 {offsets = [14, 0, 0], sizes = [1, 128, 256], strides = [1, 1, 1]} : vector<20x128x256xf32> to vector<1x128x256xf32>
    %squeeze3A_658 = vector.shape_cast %slice3A_657 : vector<1x128x256xf32> to vector<128x256xf32>
    %slice3A_659 = vector.extract_strided_slice %squeeze3A_658 {offsets = [0, 0], sizes = [128, 128], strides = [1, 1]} : vector<128x256xf32> to vector<128x128xf32>
    %mul3A_660 = vector.broadcast %slice3A_656 : vector<128x1xf32> to vector<128x128xf32>
    %mul3A_661 = arith.mulf %mul3A_660, %slice3A_659 : vector<128x128xf32>
    %add3A_662 = arith.addf %add3A_648, %mul3A_661 : vector<128x128xf32>
    %slice3A_663 = vector.extract_strided_slice %div3A_461 {offsets = [0, 14], sizes = [128, 1], strides = [1, 1]} : vector<128x20xf32> to vector<128x1xf32>
    %slice3A_664 = vector.extract_strided_slice %reshape3A_193 {offsets = [14, 0, 0], sizes = [1, 128, 256], strides = [1, 1, 1]} : vector<20x128x256xf32> to vector<1x128x256xf32>
    %squeeze3A_665 = vector.shape_cast %slice3A_664 : vector<1x128x256xf32> to vector<128x256xf32>
    %slice3A_666 = vector.extract_strided_slice %squeeze3A_665 {offsets = [0, 128], sizes = [128, 128], strides = [1, 1]} : vector<128x256xf32> to vector<128x128xf32>
    %mul3A_667 = vector.broadcast %slice3A_663 : vector<128x1xf32> to vector<128x128xf32>
    %mul3A_668 = arith.mulf %mul3A_667, %slice3A_666 : vector<128x128xf32>
    %add3A_669 = arith.addf %add3A_655, %mul3A_668 : vector<128x128xf32>
    %slice3A_670 = vector.extract_strided_slice %div3A_447 {offsets = [0, 15], sizes = [128, 1], strides = [1, 1]} : vector<128x20xf32> to vector<128x1xf32>
    %slice3A_671 = vector.extract_strided_slice %reshape3A_193 {offsets = [15, 0, 0], sizes = [1, 128, 256], strides = [1, 1, 1]} : vector<20x128x256xf32> to vector<1x128x256xf32>
    %squeeze3A_672 = vector.shape_cast %slice3A_671 : vector<1x128x256xf32> to vector<128x256xf32>
    %slice3A_673 = vector.extract_strided_slice %squeeze3A_672 {offsets = [0, 0], sizes = [128, 128], strides = [1, 1]} : vector<128x256xf32> to vector<128x128xf32>
    %mul3A_674 = vector.broadcast %slice3A_670 : vector<128x1xf32> to vector<128x128xf32>
    %mul3A_675 = arith.mulf %mul3A_674, %slice3A_673 : vector<128x128xf32>
    %add3A_676 = arith.addf %add3A_662, %mul3A_675 : vector<128x128xf32>
    %slice3A_677 = vector.extract_strided_slice %div3A_461 {offsets = [0, 15], sizes = [128, 1], strides = [1, 1]} : vector<128x20xf32> to vector<128x1xf32>
    %slice3A_678 = vector.extract_strided_slice %reshape3A_193 {offsets = [15, 0, 0], sizes = [1, 128, 256], strides = [1, 1, 1]} : vector<20x128x256xf32> to vector<1x128x256xf32>
    %squeeze3A_679 = vector.shape_cast %slice3A_678 : vector<1x128x256xf32> to vector<128x256xf32>
    %slice3A_680 = vector.extract_strided_slice %squeeze3A_679 {offsets = [0, 128], sizes = [128, 128], strides = [1, 1]} : vector<128x256xf32> to vector<128x128xf32>
    %mul3A_681 = vector.broadcast %slice3A_677 : vector<128x1xf32> to vector<128x128xf32>
    %mul3A_682 = arith.mulf %mul3A_681, %slice3A_680 : vector<128x128xf32>
    %add3A_683 = arith.addf %add3A_669, %mul3A_682 : vector<128x128xf32>
    %slice3A_684 = vector.extract_strided_slice %div3A_447 {offsets = [0, 16], sizes = [128, 1], strides = [1, 1]} : vector<128x20xf32> to vector<128x1xf32>
    %slice3A_685 = vector.extract_strided_slice %reshape3A_193 {offsets = [16, 0, 0], sizes = [1, 128, 256], strides = [1, 1, 1]} : vector<20x128x256xf32> to vector<1x128x256xf32>
    %squeeze3A_686 = vector.shape_cast %slice3A_685 : vector<1x128x256xf32> to vector<128x256xf32>
    %slice3A_687 = vector.extract_strided_slice %squeeze3A_686 {offsets = [0, 0], sizes = [128, 128], strides = [1, 1]} : vector<128x256xf32> to vector<128x128xf32>
    %mul3A_688 = vector.broadcast %slice3A_684 : vector<128x1xf32> to vector<128x128xf32>
    %mul3A_689 = arith.mulf %mul3A_688, %slice3A_687 : vector<128x128xf32>
    %add3A_690 = arith.addf %add3A_676, %mul3A_689 : vector<128x128xf32>
    %slice3A_691 = vector.extract_strided_slice %div3A_461 {offsets = [0, 16], sizes = [128, 1], strides = [1, 1]} : vector<128x20xf32> to vector<128x1xf32>
    %slice3A_692 = vector.extract_strided_slice %reshape3A_193 {offsets = [16, 0, 0], sizes = [1, 128, 256], strides = [1, 1, 1]} : vector<20x128x256xf32> to vector<1x128x256xf32>
    %squeeze3A_693 = vector.shape_cast %slice3A_692 : vector<1x128x256xf32> to vector<128x256xf32>
    %slice3A_694 = vector.extract_strided_slice %squeeze3A_693 {offsets = [0, 128], sizes = [128, 128], strides = [1, 1]} : vector<128x256xf32> to vector<128x128xf32>
    %mul3A_695 = vector.broadcast %slice3A_691 : vector<128x1xf32> to vector<128x128xf32>
    %mul3A_696 = arith.mulf %mul3A_695, %slice3A_694 : vector<128x128xf32>
    %add3A_697 = arith.addf %add3A_683, %mul3A_696 : vector<128x128xf32>
    %slice3A_698 = vector.extract_strided_slice %div3A_447 {offsets = [0, 17], sizes = [128, 1], strides = [1, 1]} : vector<128x20xf32> to vector<128x1xf32>
    %slice3A_699 = vector.extract_strided_slice %reshape3A_193 {offsets = [17, 0, 0], sizes = [1, 128, 256], strides = [1, 1, 1]} : vector<20x128x256xf32> to vector<1x128x256xf32>
    %squeeze3A_700 = vector.shape_cast %slice3A_699 : vector<1x128x256xf32> to vector<128x256xf32>
    %slice3A_701 = vector.extract_strided_slice %squeeze3A_700 {offsets = [0, 0], sizes = [128, 128], strides = [1, 1]} : vector<128x256xf32> to vector<128x128xf32>
    %mul3A_702 = vector.broadcast %slice3A_698 : vector<128x1xf32> to vector<128x128xf32>
    %mul3A_703 = arith.mulf %mul3A_702, %slice3A_701 : vector<128x128xf32>
    %add3A_704 = arith.addf %add3A_690, %mul3A_703 : vector<128x128xf32>
    %slice3A_705 = vector.extract_strided_slice %div3A_461 {offsets = [0, 17], sizes = [128, 1], strides = [1, 1]} : vector<128x20xf32> to vector<128x1xf32>
    %slice3A_706 = vector.extract_strided_slice %reshape3A_193 {offsets = [17, 0, 0], sizes = [1, 128, 256], strides = [1, 1, 1]} : vector<20x128x256xf32> to vector<1x128x256xf32>
    %squeeze3A_707 = vector.shape_cast %slice3A_706 : vector<1x128x256xf32> to vector<128x256xf32>
    %slice3A_708 = vector.extract_strided_slice %squeeze3A_707 {offsets = [0, 128], sizes = [128, 128], strides = [1, 1]} : vector<128x256xf32> to vector<128x128xf32>
    %mul3A_709 = vector.broadcast %slice3A_705 : vector<128x1xf32> to vector<128x128xf32>
    %mul3A_710 = arith.mulf %mul3A_709, %slice3A_708 : vector<128x128xf32>
    %add3A_711 = arith.addf %add3A_697, %mul3A_710 : vector<128x128xf32>
    %slice3A_712 = vector.extract_strided_slice %div3A_447 {offsets = [0, 18], sizes = [128, 1], strides = [1, 1]} : vector<128x20xf32> to vector<128x1xf32>
    %slice3A_713 = vector.extract_strided_slice %reshape3A_193 {offsets = [18, 0, 0], sizes = [1, 128, 256], strides = [1, 1, 1]} : vector<20x128x256xf32> to vector<1x128x256xf32>
    %squeeze3A_714 = vector.shape_cast %slice3A_713 : vector<1x128x256xf32> to vector<128x256xf32>
    %slice3A_715 = vector.extract_strided_slice %squeeze3A_714 {offsets = [0, 0], sizes = [128, 128], strides = [1, 1]} : vector<128x256xf32> to vector<128x128xf32>
    %mul3A_716 = vector.broadcast %slice3A_712 : vector<128x1xf32> to vector<128x128xf32>
    %mul3A_717 = arith.mulf %mul3A_716, %slice3A_715 : vector<128x128xf32>
    %add3A_718 = arith.addf %add3A_704, %mul3A_717 : vector<128x128xf32>
    %slice3A_719 = vector.extract_strided_slice %div3A_461 {offsets = [0, 18], sizes = [128, 1], strides = [1, 1]} : vector<128x20xf32> to vector<128x1xf32>
    %slice3A_720 = vector.extract_strided_slice %reshape3A_193 {offsets = [18, 0, 0], sizes = [1, 128, 256], strides = [1, 1, 1]} : vector<20x128x256xf32> to vector<1x128x256xf32>
    %squeeze3A_721 = vector.shape_cast %slice3A_720 : vector<1x128x256xf32> to vector<128x256xf32>
    %slice3A_722 = vector.extract_strided_slice %squeeze3A_721 {offsets = [0, 128], sizes = [128, 128], strides = [1, 1]} : vector<128x256xf32> to vector<128x128xf32>
    %mul3A_723 = vector.broadcast %slice3A_719 : vector<128x1xf32> to vector<128x128xf32>
    %mul3A_724 = arith.mulf %mul3A_723, %slice3A_722 : vector<128x128xf32>
    %add3A_725 = arith.addf %add3A_711, %mul3A_724 : vector<128x128xf32>
    %slice3A_726 = vector.extract_strided_slice %div3A_447 {offsets = [0, 19], sizes = [128, 1], strides = [1, 1]} : vector<128x20xf32> to vector<128x1xf32>
    %slice3A_727 = vector.extract_strided_slice %reshape3A_193 {offsets = [19, 0, 0], sizes = [1, 128, 256], strides = [1, 1, 1]} : vector<20x128x256xf32> to vector<1x128x256xf32>
    %squeeze3A_728 = vector.shape_cast %slice3A_727 : vector<1x128x256xf32> to vector<128x256xf32>
    %slice3A_729 = vector.extract_strided_slice %squeeze3A_728 {offsets = [0, 0], sizes = [128, 128], strides = [1, 1]} : vector<128x256xf32> to vector<128x128xf32>
    %mul3A_730 = vector.broadcast %slice3A_726 : vector<128x1xf32> to vector<128x128xf32>
    %mul3A_731 = arith.mulf %mul3A_730, %slice3A_729 : vector<128x128xf32>
    %add3A_732 = arith.addf %add3A_718, %mul3A_731 : vector<128x128xf32>
    %slice3A_733 = vector.extract_strided_slice %div3A_461 {offsets = [0, 19], sizes = [128, 1], strides = [1, 1]} : vector<128x20xf32> to vector<128x1xf32>
    %slice3A_734 = vector.extract_strided_slice %reshape3A_193 {offsets = [19, 0, 0], sizes = [1, 128, 256], strides = [1, 1, 1]} : vector<20x128x256xf32> to vector<1x128x256xf32>
    %squeeze3A_735 = vector.shape_cast %slice3A_734 : vector<1x128x256xf32> to vector<128x256xf32>
    %slice3A_736 = vector.extract_strided_slice %squeeze3A_735 {offsets = [0, 128], sizes = [128, 128], strides = [1, 1]} : vector<128x256xf32> to vector<128x128xf32>
    %mul3A_737 = vector.broadcast %slice3A_733 : vector<128x1xf32> to vector<128x128xf32>
    %mul3A_738 = arith.mulf %mul3A_737, %slice3A_736 : vector<128x128xf32>
    %add3A_739 = arith.addf %add3A_725, %mul3A_738 : vector<128x128xf32>
    %get3A_740 = arith.constant 0 : index
    %get3A_741 = arith.constant 0 : index
    %get3A_742 = vector.load %arg20[%get3A_740, %get3A_741] : memref<256x256xf32, #tpu.memory_space<vmem>>, vector<256x256xf32>
    %slice3A_743 = vector.extract_strided_slice %get3A_742 {offsets = [0, 0], sizes = [128, 256], strides = [1, 1]} : vector<256x256xf32> to vector<128x256xf32>
    %dot_general3A_744 = arith.constant dense<0.000000e+00> : vector<128x256xf32>
    %dot_general3A_745 = tpu.matmul %add3A_732, %slice3A_743, %dot_general3A_744 {dimension_numbers = #tpu.dot_dimension_numbers<[1], [0], [0], [1], [0, 0, 1, 1], [], []>, transpose_lhs_hint = false} : vector<128x128xf32>, vector<128x256xf32>, vector<128x256xf32> -> vector<128x256xf32>
    %slice3A_746 = vector.extract_strided_slice %get3A_742 {offsets = [128, 0], sizes = [128, 256], strides = [1, 1]} : vector<256x256xf32> to vector<128x256xf32>
    %dot_general3A_747 = arith.constant dense<0.000000e+00> : vector<128x256xf32>
    %dot_general3A_748 = tpu.matmul %add3A_739, %slice3A_746, %dot_general3A_747 {dimension_numbers = #tpu.dot_dimension_numbers<[1], [0], [0], [1], [0, 0, 1, 1], [], []>, transpose_lhs_hint = false} : vector<128x128xf32>, vector<128x256xf32>, vector<128x256xf32> -> vector<128x256xf32>
    %add3A_749 = arith.addf %dot_general3A_745, %dot_general3A_748 : vector<128x256xf32>
    %get3A_750 = arith.constant 0 : index
    %get3A_751 = arith.constant 0 : index
    %get3A_752 = vector.load %arg21[%get3A_750, %get3A_751] : memref<128x256xf32, #tpu.memory_space<vmem>>, vector<128x256xf32>
    %dot_general3A_753 = arith.constant dense<0.000000e+00> : vector<128x256xf32>
    %dot_general3A_754 = tpu.matmul %get3A_7, %get3A_752, %dot_general3A_753 {dimension_numbers = #tpu.dot_dimension_numbers<[1], [0], [0], [1], [0, 0, 1, 1], [], []>, transpose_lhs_hint = false} : vector<128x128xf32>, vector<128x256xf32>, vector<128x256xf32> -> vector<128x256xf32>
    %add3A_755 = arith.addf %add3A_749, %dot_general3A_754 : vector<128x256xf32>
    %get3A_756 = arith.constant 0 : index
    %get3A_757 = arith.constant 0 : index
    %get3A_758 = vector.load %arg22[%get3A_756, %get3A_757] : memref<128x256xf32, #tpu.memory_space<vmem>>, vector<128x256xf32>
    %dot_general3A_759 = arith.constant dense<0.000000e+00> : vector<128x256xf32>
    %dot_general3A_760 = tpu.matmul %get3A_10, %get3A_758, %dot_general3A_759 {dimension_numbers = #tpu.dot_dimension_numbers<[1], [0], [0], [1], [0, 0, 1, 1], [], []>, transpose_lhs_hint = false} : vector<128x128xf32>, vector<128x256xf32>, vector<128x256xf32> -> vector<128x256xf32>
    %add3A_761 = arith.addf %add3A_755, %dot_general3A_760 : vector<128x256xf32>
    %get3A_762 = arith.constant 0 : index
    %get3A_763 = arith.constant 0 : index
    %get3A_764 = vector.load %arg23[%get3A_762, %get3A_763] : memref<1x256xf32, #tpu.memory_space<vmem>>, vector<1x256xf32>
    %add3A_765 = vector.broadcast %get3A_764 : vector<1x256xf32> to vector<128x256xf32>
    %add3A_766 = arith.addf %add3A_761, %add3A_765 : vector<128x256xf32>
    %max3A_767 = arith.constant 0.000000e+00 : f32
    %max3A_768 = vector.broadcast %max3A_767 : f32 to vector<128x256xf32>
    %max3A_769 = arith.maximumf %add3A_766, %max3A_768 : vector<128x256xf32>
    %get3A_770 = arith.constant 0 : index
    %get3A_771 = arith.constant 0 : index
    %get3A_772 = vector.load %arg24[%get3A_770, %get3A_771] : memref<256x256xf32, #tpu.memory_space<vmem>>, vector<256x256xf32>
    %dot_general3A_773 = arith.constant dense<0.000000e+00> : vector<128x256xf32>
    %dot_general3A_774 = tpu.matmul %max3A_769, %get3A_772, %dot_general3A_773 {dimension_numbers = #tpu.dot_dimension_numbers<[1], [0], [0], [1], [0, 0, 1, 1], [], []>, transpose_lhs_hint = false} : vector<128x256xf32>, vector<256x256xf32>, vector<128x256xf32> -> vector<128x256xf32>
    %get3A_775 = arith.constant 0 : index
    %get3A_776 = arith.constant 0 : index
    %get3A_777 = vector.load %arg25[%get3A_775, %get3A_776] : memref<1x256xf32, #tpu.memory_space<vmem>>, vector<1x256xf32>
    %add3A_778 = vector.broadcast %get3A_777 : vector<1x256xf32> to vector<128x256xf32>
    %add3A_779 = arith.addf %dot_general3A_774, %add3A_778 : vector<128x256xf32>
    %swap3A = arith.constant 0 : index
    %swap3A_780 = arith.constant 0 : index
    %swap3A_781 = vector.load %arg26[%swap3A, %swap3A_780] : memref<128x256xf32, #tpu.memory_space<vmem>>, vector<128x256xf32>
    tpu.vector_store %arg26[%swap3A, %swap3A_780], %add3A_779 {strides = array<i32>} : memref<128x256xf32, #tpu.memory_space<vmem>>, vector<128x256xf32>,
    return
  }
  func.func @transform_0(%arg0: i32) -> (i32, i32) {
    %c0_i32 = arith.constant 0 : i32
    %c0_i32_0 = arith.constant 0 : i32
    return %arg0, %c0_i32 : i32, i32
  }
  func.func @transform_1(%arg0: i32) -> (i32, i32) {
    %c0_i32 = arith.constant 0 : i32
    %c0_i32_0 = arith.constant 0 : i32
    return %arg0, %c0_i32 : i32, i32
  }
  func.func @transform_2(%arg0: i32) -> (i32, i32, i32) {
    %c0_i32 = arith.constant 0 : i32
    %c0_i32_0 = arith.constant 0 : i32
    %c0_i32_1 = arith.constant 0 : i32
    return %c0_i32, %arg0, %c0_i32_0 : i32, i32, i32
  }
  func.func @transform_3(%arg0: i32) -> (i32, i32, i32) {
    %c0_i32 = arith.constant 0 : i32
    %c0_i32_0 = arith.constant 0 : i32
    %c0_i32_1 = arith.constant 0 : i32
    return %c0_i32, %arg0, %c0_i32_0 : i32, i32, i32
  }
  func.func @transform_4(%arg0: i32) -> (i32, i32, i32) {
    %c0_i32 = arith.constant 0 : i32
    %c0_i32_0 = arith.constant 0 : i32
    %c0_i32_1 = arith.constant 0 : i32
    return %c0_i32, %arg0, %c0_i32_0 : i32, i32, i32
  }
  func.func @transform_5(%arg0: i32) -> (i32, i32, i32) {
    %c0_i32 = arith.constant 0 : i32
    %c0_i32_0 = arith.constant 0 : i32
    %c0_i32_1 = arith.constant 0 : i32
    return %c0_i32, %arg0, %c0_i32_0 : i32, i32, i32
  }
  func.func @transform_6(%arg0: i32) -> (i32, i32) {
    %c0_i32 = arith.constant 0 : i32
    %c0_i32_0 = arith.constant 0 : i32
    %c0_i32_1 = arith.constant 0 : i32
    return %c0_i32, %c0_i32_0 : i32, i32
  }
  func.func @transform_7(%arg0: i32) -> (i32, i32) {
    %c0_i32 = arith.constant 0 : i32
    %c0_i32_0 = arith.constant 0 : i32
    %c0_i32_1 = arith.constant 0 : i32
    return %c0_i32, %c0_i32_0 : i32, i32
  }
  func.func @transform_8(%arg0: i32) -> (i32, i32) {
    %c0_i32 = arith.constant 0 : i32
    %c0_i32_0 = arith.constant 0 : i32
    %c0_i32_1 = arith.constant 0 : i32
    return %c0_i32, %c0_i32_0 : i32, i32
  }
  func.func @transform_9(%arg0: i32) -> (i32, i32) {
    %c0_i32 = arith.constant 0 : i32
    %c0_i32_0 = arith.constant 0 : i32
    %c0_i32_1 = arith.constant 0 : i32
    return %c0_i32, %c0_i32_0 : i32, i32
  }
  func.func @transform_10(%arg0: i32) -> (i32, i32) {
    %c0_i32 = arith.constant 0 : i32
    %c0_i32_0 = arith.constant 0 : i32
    %c0_i32_1 = arith.constant 0 : i32
    return %c0_i32, %c0_i32_0 : i32, i32
  }
  func.func @transform_11(%arg0: i32) -> (i32, i32) {
    %c0_i32 = arith.constant 0 : i32
    %c0_i32_0 = arith.constant 0 : i32
    %c0_i32_1 = arith.constant 0 : i32
    return %c0_i32, %c0_i32_0 : i32, i32
  }
  func.func @transform_12(%arg0: i32) -> (i32, i32) {
    %c0_i32 = arith.constant 0 : i32
    %c0_i32_0 = arith.constant 0 : i32
    %c0_i32_1 = arith.constant 0 : i32
    return %c0_i32, %c0_i32_0 : i32, i32
  }
  func.func @transform_13(%arg0: i32) -> (i32, i32) {
    %c0_i32 = arith.constant 0 : i32
    %c0_i32_0 = arith.constant 0 : i32
    %c0_i32_1 = arith.constant 0 : i32
    return %c0_i32, %c0_i32_0 : i32, i32
  }
  func.func @transform_14(%arg0: i32) -> (i32, i32) {
    %c0_i32 = arith.constant 0 : i32
    %c0_i32_0 = arith.constant 0 : i32
    %c0_i32_1 = arith.constant 0 : i32
    return %c0_i32, %c0_i32_0 : i32, i32
  }
  func.func @transform_15(%arg0: i32) -> (i32, i32) {
    %c0_i32 = arith.constant 0 : i32
    %c0_i32_0 = arith.constant 0 : i32
    %c0_i32_1 = arith.constant 0 : i32
    return %c0_i32, %c0_i32_0 : i32, i32
  }
  func.func @transform_16(%arg0: i32) -> (i32, i32) {
    %c0_i32 = arith.constant 0 : i32
    %c0_i32_0 = arith.constant 0 : i32
    %c0_i32_1 = arith.constant 0 : i32
    return %c0_i32, %c0_i32_0 : i32, i32
  }
  func.func @transform_17(%arg0: i32) -> (i32, i32) {
    %c0_i32 = arith.constant 0 : i32
    %c0_i32_0 = arith.constant 0 : i32
    %c0_i32_1 = arith.constant 0 : i32
    return %c0_i32, %c0_i32_0 : i32, i32
  }
  func.func @transform_18(%arg0: i32) -> (i32, i32) {
    %c0_i32 = arith.constant 0 : i32
    %c0_i32_0 = arith.constant 0 : i32
    %c0_i32_1 = arith.constant 0 : i32
    return %c0_i32, %c0_i32_0 : i32, i32
  }
  func.func @transform_19(%arg0: i32) -> (i32, i32) {
    %c0_i32 = arith.constant 0 : i32
    %c0_i32_0 = arith.constant 0 : i32
    %c0_i32_1 = arith.constant 0 : i32
    return %c0_i32, %c0_i32_0 : i32, i32
  }
  func.func @transform_20(%arg0: i32) -> (i32, i32) {
    %c0_i32 = arith.constant 0 : i32
    %c0_i32_0 = arith.constant 0 : i32
    %c0_i32_1 = arith.constant 0 : i32
    return %c0_i32, %c0_i32_0 : i32, i32
  }
  func.func @transform_21(%arg0: i32) -> (i32, i32) {
    %c0_i32 = arith.constant 0 : i32
    %c0_i32_0 = arith.constant 0 : i32
    %c0_i32_1 = arith.constant 0 : i32
    return %c0_i32, %c0_i32_0 : i32, i32
  }
  func.func @transform_22(%arg0: i32) -> (i32, i32) {
    %c0_i32 = arith.constant 0 : i32
    %c0_i32_0 = arith.constant 0 : i32
    %c0_i32_1 = arith.constant 0 : i32
    return %c0_i32, %c0_i32_0 : i32, i32
  }
  func.func @transform_23(%arg0: i32) -> (i32, i32) {
    %c0_i32 = arith.constant 0 : i32
    %c0_i32_0 = arith.constant 0 : i32
    %c0_i32_1 = arith.constant 0 : i32
    return %c0_i32, %c0_i32_0 : i32, i32
  }
  func.func @transform_24(%arg0: i32) -> (i32, i32) {
    %c0_i32 = arith.constant 0 : i32
    %c0_i32_0 = arith.constant 0 : i32
    %c0_i32_1 = arith.constant 0 : i32
    return %c0_i32, %c0_i32_0 : i32, i32
  }
  func.func @transform_25(%arg0: i32) -> (i32, i32) {
    %c0_i32 = arith.constant 0 : i32
    %c0_i32_0 = arith.constant 0 : i32
    return %arg0, %c0_i32 : i32, i32
  }
}

</mosaic_0001>

<sc_bundles>
// kernel: kernel.11.cloned.1.call-start
scs
__scs_entry_jumppad:
0x0: {  	(pc) =	sbr.rel $0x88, $3  }
0x1: {  	(tag) =	ssettag $0x0;
	lr =	simm.s32 $0x1  }
0x2: {  	[smem:$0x3F8D] =	sst lr;
	_ =	strace $0xD0000000  }
0x3: {  	_ = 	snop  }
0x4: {  	_ = 	snop  }
0x5: {  	_ = 	snop  }
0x6: {  	_ = 	snop  }
0x7: {  	_ = 	snop  }
__scs_overlays_trampoline_lowered:
0x8: {  	[smem:$0x3F9C] =	sst s0  }
0x9: {  	[smem:$0x3F9D] =	sst s1  }
0xa: {  	[smem:$0x3F9E] =	sst s2  }
0xb: {  	[smem:$0x3F9F] =	sst s3  }
0xc: {  	[smem:$0x3FA0] =	sst s4  }
0xd: {  	[smem:$0x3FA1] =	sst s5  }
0xe: {  	[smem:$0x3FA2] =	sst s6  }
0xf: {  	[smem:$0x3FA3] =	sst s7  }
0x10: {  	[smem:$0x3FA4] =	sst s8  }
0x11: {  	[smem:$0x3FA5] =	sst s9;
	s0 =	simm.s32 @!p0 $0x0  }
0x12: {  	s1 =	sld [smem:$0x3F8B];
	s0 =	simm.s32 @p0 $0x1  }
0x13: {  	[smem:$0x3FA6] =	sst s0;
	s0 =	simm.s32 @!p1 $0x0  }
0x14: {  	s2 =	sld [smem:$0x3F8A];
	s0 =	simm.s32 @p1 $0x1  }
0x15: {  	[smem:$0x3FA7] =	sst s0;
	s0 =	simm.s32 @!p2 $0x0  }
0x16: {  	s3 =	sld [smem:$0x3FDB];
	s0 =	simm.s32 @p2 $0x1  }
0x17: {  	s4 =	simm.s32 $0x1BF5;
	[smem:$0x3FA9] =	sst s0  }
0x18: {  	s0 =	sld [smem:$0x3F8C];
	_ =	swait.ge [sflag:s4], $0x0  }
0x19: {  	s7 =	sld [smem:$0x3F8D]  }
0x1a: {  	s8 =	sadd.s32 $0xFFFFE003, lr  }
0x1b: {  	s9 =	sadd.s32 $0xFFFFFEF7, lr;
	s5 =	simm.s32 $0xFFFFFFFF;
	p2 =	slt.u32 s8, $0xFFFFF086  }
0x1c: {  	p1 =	slt.u32 s9, $0xF7A;
	s5 =	simm.s32 @!p2 $0x0  }
0x1d: {  	s5 =	simm.s32 @p1 $0x1;
	p0 =	seq.s32 s7, s2  }
0x1e: {  	s7 =	smul.u32 @!p0 $0xF7A, s2;
	p2 =	seq.s32 @!p0 s5, $0x0  }
0x1f: {  	s9 =	smul.u32 $0xF7A, s1;
	s8 =	simm.s32 @!p0 $0x1BF5;
	p2 =	por !p2, p0  }
0x20: {  	[sflag:s8] =	ssyncset.s32 @!p0 $0xFFFFF086;
	s6 =	sadd.s32 @!p0 s3, s7;
	s7 =	simm.s32 @!p0 $0x108  }
0x21: {  	s3 =	sadd.s32 s3, s9;
	s6 =	sadd.s32 @!p0 $0x88, s6;
	s7 =	simm.s32 @p2 $0x1082  }
0x22: {  	[simem:s7], [sflag:s8] =	dma.local @!p0 [hbm:s6], $0xF7A  }
0x23: {  	s9 =	sor.u32 $0xD0000000, s2;
	s6 =	simm.s32 $0x108;
	_ =	swait.ge @!p0 [sflag:s8], $0x0  }
0x24: {  	s3 =	sadd.s32 $0x88, s3;
	s6 =	simm.s32 @!p1 $0x1082;
	[sflag:s4] =	ssyncset.s32 $0xFFFFF086  }
0x25: {  	[simem:s6], [sflag:s4] =	dma.local [hbm:s3], $0xF7A  }
0x26: {  	[smem:$0x3F8D] =	sst s1;
	(tag) =	ssettag s2;
	_ =	strace s9  }
0x27: {  	s1 =	sld [smem:$0x3F9D]  }
0x28: {  	s2 =	sld [smem:$0x3F9E]  }
0x29: {  	s4 =	sld [smem:$0x3FA0]  }
0x2a: {  	p0 =	seq.s32 s5, $0x0;
	s5 =	sld [smem:$0x3FA1]  }
0x2b: {  	s6 =	sld [smem:$0x3FA2]  }
0x2c: {  	s7 =	sld [smem:$0x3FA3]  }
0x2d: {  	s3 =	simm.s32 $0x108;
	s8 =	sld [smem:$0x3FA4]  }
0x2e: {  	s3 =	simm.s32 @!p0 $0x1082;
	s9 =	sld [smem:$0x3FA5]  }
0x2f: {  	lr =	sadd.s32 s0, s3;
	s0 =	sld [smem:$0x3F9C]  }
0x30: {  	s3 =	sld [smem:$0x3F9F]  }
0x31: {  	[smem:$0x3FA8] =	sst s10  }
0x32: {  	s10 =	sld [smem:$0x3FA6];
	_ =	sdelay $0x3  }
0x33: {  	p0 =	seq.s32 s10, $0x1;
	s10 =	sld [smem:$0x3FA8];
	_ =	sdelay $0x3  }
0x34: {  	[smem:$0x3FA8] =	sst s10  }
0x35: {  	s10 =	sld [smem:$0x3FA7];
	_ =	sdelay $0x3  }
0x36: {  	p1 =	seq.s32 s10, $0x1;
	s10 =	sld [smem:$0x3FA8];
	_ =	sdelay $0x3  }
0x37: {  	[smem:$0x3FA8] =	sst s10  }
0x38: {  	s10 =	sld [smem:$0x3FA9]  }
0x39: {  	_ = 	snop;
	(pc) =	sbr.ind lr, $3  }
0x3a: {  	_ = 	snop  }
0x3b: {  	_ = 	snop  }
0x3c: {  	p2 =	seq.s32 s10, $0x1;
	s10 =	sld [smem:$0x3FA8]  }
0x3d: {  	_ =	shalt  }
0x3e: {  	_ =	shalt  }
0x3f: {  	_ =	shalt  }
0x40: {  	_ =	shalt  }
0x41: {  	_ =	shalt  }
0x42: {  	_ =	shalt  }
0x43: {  	_ =	shalt  }
0x44: {  	_ =	shalt  }
0x45: {  	_ =	shalt  }
0x46: {  	_ =	shalt  }
0x47: {  	_ =	shalt  }
0x48: {  	_ =	shalt  }
0x49: {  	_ =	shalt  }
0x4a: {  	_ =	shalt  }
0x4b: {  	_ =	shalt  }
0x4c: {  	_ =	shalt  }
0x4d: {  	_ =	shalt  }
0x4e: {  	_ =	shalt  }
0x4f: {  	_ =	shalt  }
0x50: {  	_ =	shalt  }
0x51: {  	_ =	shalt  }
0x52: {  	_ =	shalt  }
0x53: {  	_ =	shalt  }
0x54: {  	_ =	shalt  }
0x55: {  	_ =	shalt  }
0x56: {  	_ =	shalt  }
0x57: {  	_ =	shalt  }
0x58: {  	_ =	shalt  }
0x59: {  	_ =	shalt  }
0x5a: {  	_ =	shalt  }
0x5b: {  	_ =	shalt  }
0x5c: {  	_ =	shalt  }
0x5d: {  	_ =	shalt  }
0x5e: {  	_ =	shalt  }
0x5f: {  	_ =	shalt  }
0x60: {  	_ =	shalt  }
0x61: {  	_ =	shalt  }
0x62: {  	_ =	shalt  }
0x63: {  	_ =	shalt  }
0x64: {  	_ =	shalt  }
0x65: {  	_ =	shalt  }
0x66: {  	_ =	shalt  }
0x67: {  	_ =	shalt  }
0x68: {  	_ =	shalt  }
0x69: {  	_ =	shalt  }
0x6a: {  	_ =	shalt  }
0x6b: {  	_ =	shalt  }
0x6c: {  	_ =	shalt  }
0x6d: {  	_ =	shalt  }
0x6e: {  	_ =	shalt  }
0x6f: {  	_ =	shalt  }
0x70: {  	_ =	shalt  }
0x71: {  	_ =	shalt  }
0x72: {  	_ =	shalt  }
0x73: {  	_ =	shalt  }
0x74: {  	_ =	shalt  }
0x75: {  	_ =	shalt  }
0x76: {  	_ =	shalt  }
0x77: {  	_ =	shalt  }
0x78: {  	_ =	shalt  }
0x79: {  	_ =	shalt  }
0x7a: {  	_ =	shalt  }
0x7b: {  	_ =	shalt  }
0x7c: {  	_ =	shalt  }
0x7d: {  	_ =	shalt  }
0x7e: {  	_ =	shalt  }
0x7f: {  	_ =	shalt  }
0x80: {  	_ =	shalt  }
0x81: {  	_ =	shalt  }
0x82: {  	_ =	shalt  }
0x83: {  	_ =	shalt  }
0x84: {  	_ =	shalt  }
0x85: {  	_ =	shalt  }
0x86: {  	_ =	shalt  }
0x87: {  	_ =	shalt  }
.Lfunc_end0:
.L_simem_size_0:
called_computation.1_lowered:
.L_overlay_start_0:
0x88: {  	s2 =	sld [smem:$0x3FD9]  }
0x89: {  	s3 =	sld [smem:$0x3FFE];
	_ =	sdelay $0x1  }
0x8a: {  	s1 =	srdreg.scid  }
0x8b: {  	s0 =	sand.u32 $0x1, s1  }
0x8c: {  	s17 =	sshll.u32 s0, $0xA;
	s2 =	sadd.s32 s3, s2  }
0x8d: {  	s2 =	sadd.s32 s2, s17  }
0x8e: {  	[smem:$0x3FB4] =	sst s2  }
0x8f: {  	_ = 	snop  }
0x90: {  	s4 =	sld [smem:$0x3FC8]  }
0x91: {  	s18 =	sld [smem:$0x3FC1]  }
0x92: {  	s5 =	sld [smem:$0x3FBF];
	(tm) =	ssettm $0x1  }
0x93: {  	s19 =	sld [smem:$0x3FFB];
	_ =	sdelay $0x3  }
0x94: {  	_ =	strace s19  }
0x95: {  	s2 =	sld [smem:$0x3FFC];
	_ =	sdelay $0x3  }
0x96: {  	_ =	strace s2  }
0x97: {  	s2 =	sld [smem:$0x3FFD];
	_ =	sdelay $0x3  }
0x98: {  	_ =	strace s2  }
0x99: {  	_ =	strace $0x8FFFFFFF  }
0x9a: {  	s20 =	sld [smem:$0x3FDB];
	_ =	sdelay $0x1  }
0x9b: {  	s6 =	simm.s32 $_scs_section_size  }
0x9c: {  	s7 =	simm.s32 $_size__tile_overlayer_lowered;
	s8 =	simm.s32 $_tile_overlayer_lowered  }
0x9d: {  	s9 =	simm.s32 $0x1BFF;
	s21 =	sshll.u32 s8, $0x1;
	s6 =	sadd.s32 s6, s20  }
0x9e: {  	s22 =	simm.s32 $0x0;
	s7 =	sshll.u32 s7, $0x1;
	s8 =	sadd.s32 s21, s6  }
0x9f: {  	[timem:s22], [sflag:s9] =	dma.local [hbm:s8], s7  }
0xa0: {  	_ =	swait.ge [sflag:s9], s7  }
0xa1: {  	s7 =	ssub.s32 $0x0, s7;
	[sflag:s9] =	ssyncset.done $0x0  }
0xa2: {  	[sflag:s9] =	ssyncadd.s32 s7;
	_ =	sdelay $0x1  }
0xa3: {  	s23 =	simm.s32 $0x1B8B  }
0xa4: {  	_ =	swait.ge [sflag:s23], $0x1  }
0xa5: {  	[sflag:s23] =	ssyncset.done $0x0  }
0xa6: {  	[sflag:s23] =	ssyncadd.s32 $0xFFFFFFFF  }
0xa7: {  	s7 =	sld [smem:$0x0]  }
0xa8: {  	s8 =	sand.u32 $0xFFFFFFFE, s1  }
0xa9: {  	p0 =	sne.s32 s1, s8  }
0xaa: {  	s8 =	sshll.u32 @p0 s8, $0xE  }
0xab: {  	s8 =	sadd.s32 @p0 $0x11B8D, s8;
	s9 =	sshll.u32 @p0 s7, $0x11  }
0xac: {  	s8 =	sor.u32 @p0 s9, s8  }
0xad: {  	[sflag:s8] =	ssyncadd.remote.s32 @p0 $0x1;
	_ =	sdelay $0x1  }
0xae: {  	s8 =	simm.s32 @p0 $0x1B8D  }
0xaf: {  	_ =	swait.eq @p0 [sflag:s8], $0x1  }
0xb0: {  	[sflag:s8] =	ssyncadd.s32 @p0 $0xFFFFFFFF  }
0xb1: {  	s9 =	sshll.u32 @!p0 s1, $0xE  }
0xb2: {  	s9 =	sor.u32 @!p0 $0x4000, s9;
	s8 =	simm.s32 @!p0 $0x1B8D  }
0xb3: {  	s7 =	sshll.u32 @!p0 s7, $0x11;
	s9 =	sadd.s32 @!p0 $0x11B8D, s9;
	_ =	swait.eq @!p0 [sflag:s8], $0x1  }
0xb4: {  	s7 =	sor.u32 @!p0 s7, s9;
	[sflag:s8] =	ssyncadd.s32 @!p0 $0xFFFFFFFF  }
0xb5: {  	s25 =	simm.s32 $0x1B8E;
	s24 =	sld [smem:$0x3FFE];
	[sflag:s7] =	ssyncadd.remote.s32 @!p0 $0x1  }
0xb6: {  	s26 =	simm.s32 $execute0_lowered;
	[smem:$0x3FD2] =	sst s25  }
0xb7: {  	s8 =	sshll.u32 s26, $0x1;
	_ =	strace $0x80000049;
	[dreg:$0x1] =	wrdreg $0xFFFFFFFF  }
0xb8: {  	s28 =	simm.s32 $_size_execute0_lowered;
	s6 =	sadd.s32 s6, s8;
	[dreg:$0x0] =	wrdreg $0x0  }
0xb9: {  	s8 =	sshll.u32 s28, $0x1;
	[dreg:$0x2] =	wrdreg s6  }
0xba: {  	[dreg:$0x3] =	wrdreg s8  }
0xbb: {  	[dreg:$0x4] =	wrdreg $0xC0  }
0xbc: {  	_ =	task [dreg:s22], $0x5FFFF  }
0xbd: {  	[dreg:$0x1] =	wrdreg $0xFFFFFFFF  }
0xbe: {  	[dreg:$0x0] =	wrdreg $0x60  }
0xbf: {  	[dreg:$0x2] =	wrdreg s4  }
0xc0: {  	[dreg:$0x3] =	wrdreg s24  }
0xc1: {  	[dreg:$0x4] =	wrdreg s5  }
0xc2: {  	[dreg:$0x5] =	wrdreg s18  }
0xc3: {  	[dreg:$0x6] =	wrdreg $0xA  }
0xc4: {  	_ =	task.clear_ibuf [dreg:s22], $0x7FFFF;
	_ =	strace $0x90000049  }
0xc5: {  	s29 =	simm.s32 $0xA;
	_ =	strace $0x8000004B  }
0xc6: {  	_ =	swait.ge [sflag:s29], $0x1  }
0xc7: {  	[sflag:s29] =	ssyncadd.s32 $0xFFFFFFFF  }
0xc8: {  	_ =	strace $0x9000004B  }
0xc9: {  	_ =	sfence  }
0xca: {  	s30 =	sld [smem:$0x0];
	_ =	sdelay $0x2  }
0xcb: {  	s31 =	sshll.u32 s1, $0xD;
	s1 =	sshrl.u32 s1, $0x2  }
0xcc: {  	s4 =	sand.u32 $0x4000, s31;
	s1 =	sadd.s32 s1, s30  }
0xcd: {  	s0 =	sor.u32 s4, s0;
	s1 =	sshll.u32 s1, $0x11  }
0xce: {  	s0 =	sor.u32 s1, s0  }
0xcf: {  	s0 =	sadd.s32 $0x8F2B, s0  }
0xd0: {  	[sflag:s0] =	ssyncadd.remote.s32 $0x1  }
0xd1: {  	_ =	sfence.sel $0xFFFF  }
0xd2: {  	[dreg:$0x0] =	wrdreg $0xFFFFFFFF;
	(pc) =	sbr.abs _section_cstart, $3  }
0xd3: {  	[dreg:$0x1] =	wrdreg $0xFFFFFFFF  }
0xd4: {  	_ =	task.clear_ibuf [dreg:s22], $0x2FFFF;
	_ =	strace $0x9FFFFFFF  }
0xd5: {  	(tm) =	ssettm $0x7FFFFFFF  }
tec
execute0_lowered:
.L_overlay_start_1:
0x0: {  	(tag) =	ssettag $0x1  }
0x1: {  	s6 =	rddreg [dreg:$0x0]  }
0x2: {  	s7 =	rddreg [dreg:$0x1]  }
0x3: {  	s2 =	rddreg [dreg:$0x2];
	s1 =	srdreg.scid  }
0x4: {  	s0 =	stileid.u32;
	s3 =	rddreg [dreg:$0x3]  }
0x5: {  	s4 =	simm.s32 $0x0;
	s18 =	simm.s32 $0x1480;
	s19 =	simm.s32 $0x1  }
0x6: {  	s20 =	simm.s32 $0x5480;
	s21 =	simm.s32 $0x9480;
	s10 =	smul.u32 $0x14000, s0  }
0x7: {  	s22 =	simm.s32 $0x0;
	s8 =	sand.u32 $0x1, s1;
	s12 =	smul.u32 $0x2800, s0  }
0x8: {  	s5 =	sshll.u32 s0, $0x1;
	s1 =	rddreg [dreg:$0x4];
	s15 =	smul.u32 $0x1400, s8  }
0x9: {  	[smem:$0x7FF] =	sst s4;
	s9 =	sor.u32 s8, s5;
	s17 =	smul.u32 $0xA000, s8  }
0xa: {  	_ =	strace $0x8000004A;
	s30 =	ssub.s32 $0x2, s8;
	s5 =	smul.u32 $0xA00, s9  }
0xb: {  	s11 =	sshll.u32 s9, $0xB;
	s14 =	sadd.s32 s10, s7;
	s12 =	sadd.s32 s12, s7  }
0xc: {  	s31 =	sshrl.u32 s30, $0x1;
	s9 =	sshll.u32 s9, $0x4;
	s11 =	sadd.s32 s11, s7  }
0xd: {  	s16 =	ssub.s32 s30, s31;
	s6 =	sadd.s32 s6, s9;
	s12 =	sadd.s32 s15, s12  }
0xe: {  	s14 =	sadd.s32 s17, s14;
	s15 =	simm.s32 $0x2;
	s17 =	simm.s32 $0xA80  }
0xf: {  	s5 =	sshrl.u32 s5, $0x3;
	s9 =	sadd.s32 $0x303200, s11;
	s10 =	sadd.s32 $0x313200, s11  }
0x10: {  	s11 =	smax.u32 s16, $0x1;
	s12 =	sadd.s32 $0x2DB200, s12;
	s13 =	sadd.s32 s5, s7  }
0x11: {  	s5 =	sadd.s32 $0x186F200, s7;
	s7 =	sadd.s32 $0xDA00, s13;
	s8 =	sadd.s32 $0x5200, s13  }
0x12: {  	s16 =	simm.s32 $0x80;
	s13 =	sadd.s32 $0x463200, s14;
	s14 =	sadd.s32 $0x323200, s14  }
.LBB2_1:
0x13: {  	[tilespmem:s4], [sflag:$0x2] =	stream.linear.gather [hbm4b:s6+s4], $0x80, $0x38;
	[tilespmem:$0x9C80] =	vst v63  }
0x14: {  	_ =	swait.ge [sflag:s15], $0x80  }
0x15: {  	[sflag:s15] =	ssyncset.done $0x0  }
0x16: {  	[sflag:s15] =	ssyncadd.s32 $0xFFFFFF80  }
0x17: {  	[tilespmem:s16], [sflag:$0x2] =	stream.linear.gather [hbm4b:s7+s4], $0xA00, $0x38;
	[tilespmem:$0x9C80] =	vst v63  }
0x18: {  	_ =	swait.ge [sflag:s15], $0xA00  }
0x19: {  	[sflag:s15] =	ssyncset.done $0x0  }
0x1a: {  	[sflag:s15] =	ssyncadd.s32 $0xFFFFF600  }
0x1b: {  	[tilespmem:s17], [sflag:$0x2] =	stream.linear.gather [hbm4b:s8+s4], $0xA00, $0x38;
	[tilespmem:$0x9C80] =	vst v63  }
0x1c: {  	_ =	swait.ge [sflag:s15], $0xA00  }
0x1d: {  	[sflag:s15] =	ssyncset.done $0x0  }
0x1e: {  	[sflag:s15] =	ssyncadd.s32 $0xFFFFF600  }
0x1f: {  	[tilespmem:s18], [sflag:$0x1] =	stream.indirect.gather [hbm4b:s2+s16], $0x80, s4, s16, $0xb8;
	[tilespmem:$0x9C80] =	vst v63  }
0x20: {  	_ =	swait.ge [sflag:s19], $0x4000  }
0x21: {  	[sflag:s19] =	ssyncset.done $0x0  }
0x22: {  	[sflag:s19] =	ssyncadd.s32 $0xFFFFC000  }
0x23: {  	[hbm4b:s9+s4] =	stream.linear.scatter [tilespmem:s18], [sflag:$0x2], $0x4000, $0x38;
	[tilespmem:$0x9C80] =	vst v63  }
0x24: {  	_ =	swait.ge [sflag:s15], $0x4000  }
0x25: {  	[sflag:s15] =	ssyncset.done $0x0  }
0x26: {  	[sflag:s15] =	ssyncadd.s32 $0xFFFFC000  }
0x27: {  	[tilespmem:s18], [sflag:$0x1] =	stream.indirect.gather [hbm4b:s3+s16], $0x80, s4, s16, $0xb8;
	[tilespmem:$0x9C80] =	vst v63  }
0x28: {  	_ =	swait.ge [sflag:s19], $0x4000  }
0x29: {  	[sflag:s19] =	ssyncset.done $0x0  }
0x2a: {  	[sflag:s19] =	ssyncadd.s32 $0xFFFFC000  }
0x2b: {  	[hbm4b:s10+s4] =	stream.linear.scatter [tilespmem:s18], [sflag:$0x2], $0x4000, $0x38;
	[tilespmem:$0x9C80] =	vst v63  }
0x2c: {  	_ =	swait.ge [sflag:s15], $0x4000  }
0x2d: {  	[sflag:s15] =	ssyncset.done $0x0  }
0x2e: {  	s23 =	simm.s32 $0x80;
	[sflag:s15] =	ssyncadd.s32 $0xFFFFC000  }
0x2f: {  	[tilespmem:s20], [sflag:$0x1] =	stream.indirect.gather [hbm4b:s2+s16], $0x80, s23, s16, $0xb8;
	[tilespmem:$0x9C80] =	vst v63  }
0x30: {  	_ =	swait.ge [sflag:s19], $0x4000  }
0x31: {  	[sflag:s19] =	ssyncset.done $0x0  }
0x32: {  	[sflag:s19] =	ssyncadd.s32 $0xFFFFC000  }
0x33: {  	[hbm4b:s14+s4] =	stream.linear.scatter [tilespmem:s20], [sflag:$0x2], $0x4000, $0x38;
	[tilespmem:$0x9C80] =	vst v63  }
0x34: {  	_ =	swait.ge [sflag:s15], $0x4000  }
0x35: {  	[sflag:s15] =	ssyncset.done $0x0  }
0x36: {  	[sflag:s15] =	ssyncadd.s32 $0xFFFFC000  }
0x37: {  	[tilespmem:s20], [sflag:$0x1] =	stream.indirect.gather [hbm4b:s3+s16], $0x80, s23, s16, $0xb8;
	[tilespmem:$0x9C80] =	vst v63  }
0x38: {  	_ =	swait.ge [sflag:s19], $0x4000  }
0x39: {  	[sflag:s19] =	ssyncset.done $0x0  }
0x3a: {  	[sflag:s19] =	ssyncadd.s32 $0xFFFFC000  }
0x3b: {  	[hbm4b:s13+s4] =	stream.linear.scatter [tilespmem:s20], [sflag:$0x2], $0x4000, $0x38;
	[tilespmem:$0x9C80] =	vst v63  }
0x3c: {  	_ =	swait.ge [sflag:s15], $0x4000  }
0x3d: {  	[sflag:s15] =	ssyncset.done $0x0  }
0x3e: {  	s31 =	simm.s32 $0xA80;
	[sflag:s15] =	ssyncadd.s32 $0xFFFFC000  }
0x3f: {  	[tilespmem:s21], [sflag:$0x1] =	stream.indirect.gather [hbm4b:s5+s16], $0x10, s31, s16, $0xb8;
	[tilespmem:$0x9C80] =	vst v63  }
0x40: {  	_ =	swait.ge [sflag:s19], $0x800  }
0x41: {  	[sflag:s19] =	ssyncset.done $0x0  }
0x42: {  	s28 =	simm.s32 $0x400;
	[sflag:s19] =	ssyncadd.s32 $0xFFFFF800  }
0x43: {  	[hbm4b:s12+s4] =	stream.linear.scatter [tilespmem:s21], [sflag:$0x2], $0x800, $0x38;
	[tilespmem:$0x9C80] =	vst v63  }
0x44: {  	s24 =	sadd.s32 $0x800, s13;
	s25 =	sadd.s32 $0x800, s14;
	_ =	swait.ge [sflag:s15], $0x800  }
0x45: {  	s26 =	simm.s32 $0x80;
	s23 =	sadd.s32 $0x100, s12;
	[sflag:s15] =	ssyncset.done $0x0  }
.LBB2_2:
0x46: {  	s29 =	sadd.s32 $0x80, s26  }
0x47: {  	[sflag:s15] =	ssyncadd.s32 $0xFFFFF800;
	s30 =	smov.u32 s28;
	s31 =	sadd.s32 $0x200, s28  }
0x48: {  	[tilespmem:s20], [sflag:$0x1] =	stream.indirect.gather [hbm4b:s2+s16], $0x80, s29, s16, $0xb8;
	[tilespmem:$0x9C80] =	vst v63  }
0x49: {  	p0 =	sne.s32 s28, $0x2600;
	_ =	swait.ge [sflag:s19], $0x4000  }
0x4a: {  	[sflag:s19] =	ssyncset.done $0x0  }
0x4b: {  	[sflag:s19] =	ssyncadd.s32 $0xFFFFC000  }
0x4c: {  	[hbm4b:s25+s4] =	stream.linear.scatter [tilespmem:s20], [sflag:$0x2], $0x4000, $0x38;
	[tilespmem:$0x9C80] =	vst v63  }
0x4d: {  	_ =	swait.ge [sflag:s15], $0x4000  }
0x4e: {  	[sflag:s15] =	ssyncset.done $0x0  }
0x4f: {  	[sflag:s15] =	ssyncadd.s32 $0xFFFFC000  }
0x50: {  	[tilespmem:s20], [sflag:$0x1] =	stream.indirect.gather [hbm4b:s3+s16], $0x80, s29, s16, $0xb8;
	[tilespmem:$0x9C80] =	vst v63  }
0x51: {  	_ =	swait.ge [sflag:s19], $0x4000  }
0x52: {  	[sflag:s19] =	ssyncset.done $0x0  }
0x53: {  	[sflag:s19] =	ssyncadd.s32 $0xFFFFC000  }
0x54: {  	[hbm4b:s24+s4] =	stream.linear.scatter [tilespmem:s20], [sflag:$0x2], $0x4000, $0x38;
	[tilespmem:$0x9C80] =	vst v63  }
0x55: {  	_ =	swait.ge [sflag:s15], $0x4000  }
0x56: {  	[sflag:s15] =	ssyncset.done $0x0  }
0x57: {  	s26 =	sadd.s32 $0xA80, s26;
	[sflag:s15] =	ssyncadd.s32 $0xFFFFC000  }
0x58: {  	[tilespmem:s21], [sflag:$0x1] =	stream.indirect.gather [hbm4b:s5+s16], $0x10, s26, s16, $0xb8;
	[tilespmem:$0x9C80] =	vst v63  }
0x59: {  	_ =	swait.ge [sflag:s19], $0x800  }
.Ltmp0:
0x5a: {  	[sflag:s19] =	ssyncset.done $0x0;
	(pc) =	sbr.rel @p0 .LBB2_2-.Ltmp0, $4  }
0x5b: {  	s28 =	smov.u32 s31;
	[sflag:s19] =	ssyncadd.s32 $0xFFFFF800  }
0x5c: {  	[hbm4b:s23+s4] =	stream.linear.scatter [tilespmem:s21], [sflag:$0x2], $0x800, $0x38;
	[tilespmem:$0x9C80] =	vst v63  }
0x5d: {  	s25 =	sadd.s32 $0x800, s25;
	s24 =	sadd.s32 $0x800, s24;
	_ =	swait.ge [sflag:s15], $0x800  }
0x5e: {  	s26 =	sshra.s32 s30, $0x2;
	s23 =	sadd.s32 $0x100, s23;
	[sflag:s15] =	ssyncset.done $0x0  }
0x5f: {  	s28 =	sadd.s32 $0x80, s26;
	[sflag:s15] =	ssyncadd.s32 $0xFFFFF800  }
0x60: {  	[tilespmem:s20], [sflag:$0x1] =	stream.indirect.gather [hbm4b:s2+s16], $0x80, s28, s16, $0xb8;
	[tilespmem:$0x9C80] =	vst v63  }
0x61: {  	_ =	swait.ge [sflag:s19], $0x4000  }
0x62: {  	[sflag:s19] =	ssyncset.done $0x0  }
0x63: {  	[sflag:s19] =	ssyncadd.s32 $0xFFFFC000  }
0x64: {  	[hbm4b:s25+s4] =	stream.linear.scatter [tilespmem:s20], [sflag:$0x2], $0x4000, $0x38;
	[tilespmem:$0x9C80] =	vst v63  }
0x65: {  	_ =	swait.ge [sflag:s15], $0x4000  }
0x66: {  	[sflag:s15] =	ssyncset.done $0x0  }
0x67: {  	[sflag:s15] =	ssyncadd.s32 $0xFFFFC000  }
0x68: {  	[tilespmem:s20], [sflag:$0x1] =	stream.indirect.gather [hbm4b:s3+s16], $0x80, s28, s16, $0xb8;
	[tilespmem:$0x9C80] =	vst v63  }
0x69: {  	_ =	swait.ge [sflag:s19], $0x4000  }
0x6a: {  	[sflag:s19] =	ssyncset.done $0x0  }
0x6b: {  	[sflag:s19] =	ssyncadd.s32 $0xFFFFC000  }
0x6c: {  	[hbm4b:s24+s4] =	stream.linear.scatter [tilespmem:s20], [sflag:$0x2], $0x4000, $0x38;
	[tilespmem:$0x9C80] =	vst v63  }
0x6d: {  	_ =	swait.ge [sflag:s15], $0x4000  }
0x6e: {  	[sflag:s15] =	ssyncset.done $0x0  }
0x6f: {  	s31 =	sadd.s32 $0xA80, s26;
	[sflag:s15] =	ssyncadd.s32 $0xFFFFC000  }
0x70: {  	[tilespmem:s21], [sflag:$0x1] =	stream.indirect.gather [hbm4b:s5+s16], $0x10, s31, s16, $0xb8;
	[tilespmem:$0x9C80] =	vst v63  }
0x71: {  	s22 =	sadd.s32 $0x1, s22;
	_ =	swait.ge [sflag:s19], $0x800  }
0x72: {  	p0 =	sne.s32 s22, s11;
	[sflag:s19] =	ssyncset.done $0x0  }
.Ltmp1:
0x73: {  	[sflag:s19] =	ssyncadd.s32 $0xFFFFF800;
	(pc) =	sbr.rel @p0 .LBB2_1-.Ltmp1, $4  }
0x74: {  	[hbm4b:s23+s4] =	stream.linear.scatter [tilespmem:s21], [sflag:$0x2], $0x800, $0x38;
	[tilespmem:$0x9C80] =	vst v63  }
0x75: {  	_ =	swait.ge [sflag:s15], $0x800  }
0x76: {  	[sflag:s15] =	ssyncset.done $0x0  }
0x77: {  	[sflag:s15] =	ssyncadd.s32 $0xFFFFF800  }
0x78: {  	_ =	sfence.sel $0x180000  }
0x79: {  	[bflag:$0x0] =	sbarrier.arrive $0xFFFF  }
0x7a: {  	p0 =	sne.s32 s0, $0x0;
	_ =	strace $0x9000004A  }
0x7b: {  	s0 =	sadd.s32 @!p0 $0x100000, s1;
	[bflag:$0x2] =	sbarrier.arrive $0xFFFF  }
0x7c: {  	[sflag:s0] =	ssyncadd.tile.s32 @!p0 $0x1;
	_ =	shalt  }
.Lfunc_end2:
_tile_overlayer_lowered:
.L_overlay_start_2:
0x7d: {  	(tag) =	ssettag $0x2  }
0x7e: {  	s0 =	rddreg [dreg:$0x0];
	s2 =	stileid.u32  }
0x7f: {  	s1 =	rddreg [dreg:$0x1];
	p0 =	sne.s32 s2, $0x0  }
0x80: {  	s3 =	rddreg [dreg:$0x2];
	[bflag:$0x3] =	sbarrier.arrive $0xFFFF;
	s2 =	simm.s32 @!p0 $0x1C02  }
0x81: {  	[timem:s3], [sflag:s2] =	dma.local @!p0 [hbm:s0], s1  }
0x82: {  	s0 =	simm.s32 @!p0 $0x2  }
0x83: {  	_ =	swait.ge @!p0 [sflag:s0], s1  }
0x84: {  	s1 =	ssub.s32 @!p0 $0x0, s1;
	[sflag:s0] =	ssyncset.done @!p0 $0x0  }
0x85: {  	[sflag:s0] =	ssyncadd.s32 @!p0 s1  }
0x86: {  	[bflag:$0x3] =	sbarrier.arrive $0xFFFF  }
0x87: {  	_ =	shalt  }

// kernel: kernel.14.cloned.1.call-start
scs
__scs_entry_jumppad:
0x0: {  	(pc) =	sbr.rel $0x88, $3  }
0x1: {  	(tag) =	ssettag $0x0;
	lr =	simm.s32 $0x1  }
0x2: {  	[smem:$0x3F8D] =	sst lr;
	_ =	strace $0xD0000000  }
0x3: {  	_ = 	snop  }
0x4: {  	_ = 	snop  }
0x5: {  	_ = 	snop  }
0x6: {  	_ = 	snop  }
0x7: {  	_ = 	snop  }
__scs_overlays_trampoline_lowered:
0x8: {  	[smem:$0x3F9C] =	sst s0  }
0x9: {  	[smem:$0x3F9D] =	sst s1  }
0xa: {  	[smem:$0x3F9E] =	sst s2  }
0xb: {  	[smem:$0x3F9F] =	sst s3  }
0xc: {  	[smem:$0x3FA0] =	sst s4  }
0xd: {  	[smem:$0x3FA1] =	sst s5  }
0xe: {  	[smem:$0x3FA2] =	sst s6  }
0xf: {  	[smem:$0x3FA3] =	sst s7  }
0x10: {  	[smem:$0x3FA4] =	sst s8  }
0x11: {  	[smem:$0x3FA5] =	sst s9;
	s0 =	simm.s32 @!p0 $0x0  }
0x12: {  	s1 =	sld [smem:$0x3F8B];
	s0 =	simm.s32 @p0 $0x1  }
0x13: {  	[smem:$0x3FA6] =	sst s0;
	s0 =	simm.s32 @!p1 $0x0  }
0x14: {  	s2 =	sld [smem:$0x3F8A];
	s0 =	simm.s32 @p1 $0x1  }
0x15: {  	[smem:$0x3FA7] =	sst s0;
	s0 =	simm.s32 @!p2 $0x0  }
0x16: {  	s3 =	sld [smem:$0x3FDB];
	s0 =	simm.s32 @p2 $0x1  }
0x17: {  	s4 =	simm.s32 $0x1BF5;
	[smem:$0x3FA9] =	sst s0  }
0x18: {  	s0 =	sld [smem:$0x3F8C];
	_ =	swait.ge [sflag:s4], $0x0  }
0x19: {  	s7 =	sld [smem:$0x3F8D]  }
0x1a: {  	s8 =	sadd.s32 $0xFFFFE003, lr  }
0x1b: {  	s9 =	sadd.s32 $0xFFFFFEF7, lr;
	s5 =	simm.s32 $0xFFFFFFFF;
	p2 =	slt.u32 s8, $0xFFFFF086  }
0x1c: {  	p1 =	slt.u32 s9, $0xF7A;
	s5 =	simm.s32 @!p2 $0x0  }
0x1d: {  	s5 =	simm.s32 @p1 $0x1;
	p0 =	seq.s32 s7, s2  }
0x1e: {  	s7 =	smul.u32 @!p0 $0xF7A, s2;
	p2 =	seq.s32 @!p0 s5, $0x0  }
0x1f: {  	s9 =	smul.u32 $0xF7A, s1;
	s8 =	simm.s32 @!p0 $0x1BF5;
	p2 =	por !p2, p0  }
0x20: {  	[sflag:s8] =	ssyncset.s32 @!p0 $0xFFFFF086;
	s6 =	sadd.s32 @!p0 s3, s7;
	s7 =	simm.s32 @!p0 $0x108  }
0x21: {  	s3 =	sadd.s32 s3, s9;
	s6 =	sadd.s32 @!p0 $0x88, s6;
	s7 =	simm.s32 @p2 $0x1082  }
0x22: {  	[simem:s7], [sflag:s8] =	dma.local @!p0 [hbm:s6], $0xF7A  }
0x23: {  	s9 =	sor.u32 $0xD0000000, s2;
	s6 =	simm.s32 $0x108;
	_ =	swait.ge @!p0 [sflag:s8], $0x0  }
0x24: {  	s3 =	sadd.s32 $0x88, s3;
	s6 =	simm.s32 @!p1 $0x1082;
	[sflag:s4] =	ssyncset.s32 $0xFFFFF086  }
0x25: {  	[simem:s6], [sflag:s4] =	dma.local [hbm:s3], $0xF7A  }
0x26: {  	[smem:$0x3F8D] =	sst s1;
	(tag) =	ssettag s2;
	_ =	strace s9  }
0x27: {  	s1 =	sld [smem:$0x3F9D]  }
0x28: {  	s2 =	sld [smem:$0x3F9E]  }
0x29: {  	s4 =	sld [smem:$0x3FA0]  }
0x2a: {  	p0 =	seq.s32 s5, $0x0;
	s5 =	sld [smem:$0x3FA1]  }
0x2b: {  	s6 =	sld [smem:$0x3FA2]  }
0x2c: {  	s7 =	sld [smem:$0x3FA3]  }
0x2d: {  	s3 =	simm.s32 $0x108;
	s8 =	sld [smem:$0x3FA4]  }
0x2e: {  	s3 =	simm.s32 @!p0 $0x1082;
	s9 =	sld [smem:$0x3FA5]  }
0x2f: {  	lr =	sadd.s32 s0, s3;
	s0 =	sld [smem:$0x3F9C]  }
0x30: {  	s3 =	sld [smem:$0x3F9F]  }
0x31: {  	[smem:$0x3FA8] =	sst s10  }
0x32: {  	s10 =	sld [smem:$0x3FA6];
	_ =	sdelay $0x3  }
0x33: {  	p0 =	seq.s32 s10, $0x1;
	s10 =	sld [smem:$0x3FA8];
	_ =	sdelay $0x3  }
0x34: {  	[smem:$0x3FA8] =	sst s10  }
0x35: {  	s10 =	sld [smem:$0x3FA7];
	_ =	sdelay $0x3  }
0x36: {  	p1 =	seq.s32 s10, $0x1;
	s10 =	sld [smem:$0x3FA8];
	_ =	sdelay $0x3  }
0x37: {  	[smem:$0x3FA8] =	sst s10  }
0x38: {  	s10 =	sld [smem:$0x3FA9]  }
0x39: {  	_ = 	snop;
	(pc) =	sbr.ind lr, $3  }
0x3a: {  	_ = 	snop  }
0x3b: {  	_ = 	snop  }
0x3c: {  	p2 =	seq.s32 s10, $0x1;
	s10 =	sld [smem:$0x3FA8]  }
0x3d: {  	_ =	shalt  }
0x3e: {  	_ =	shalt  }
0x3f: {  	_ =	shalt  }
0x40: {  	_ =	shalt  }
0x41: {  	_ =	shalt  }
0x42: {  	_ =	shalt  }
0x43: {  	_ =	shalt  }
0x44: {  	_ =	shalt  }
0x45: {  	_ =	shalt  }
0x46: {  	_ =	shalt  }
0x47: {  	_ =	shalt  }
0x48: {  	_ =	shalt  }
0x49: {  	_ =	shalt  }
0x4a: {  	_ =	shalt  }
0x4b: {  	_ =	shalt  }
0x4c: {  	_ =	shalt  }
0x4d: {  	_ =	shalt  }
0x4e: {  	_ =	shalt  }
0x4f: {  	_ =	shalt  }
0x50: {  	_ =	shalt  }
0x51: {  	_ =	shalt  }
0x52: {  	_ =	shalt  }
0x53: {  	_ =	shalt  }
0x54: {  	_ =	shalt  }
0x55: {  	_ =	shalt  }
0x56: {  	_ =	shalt  }
0x57: {  	_ =	shalt  }
0x58: {  	_ =	shalt  }
0x59: {  	_ =	shalt  }
0x5a: {  	_ =	shalt  }
0x5b: {  	_ =	shalt  }
0x5c: {  	_ =	shalt  }
0x5d: {  	_ =	shalt  }
0x5e: {  	_ =	shalt  }
0x5f: {  	_ =	shalt  }
0x60: {  	_ =	shalt  }
0x61: {  	_ =	shalt  }
0x62: {  	_ =	shalt  }
0x63: {  	_ =	shalt  }
0x64: {  	_ =	shalt  }
0x65: {  	_ =	shalt  }
0x66: {  	_ =	shalt  }
0x67: {  	_ =	shalt  }
0x68: {  	_ =	shalt  }
0x69: {  	_ =	shalt  }
0x6a: {  	_ =	shalt  }
0x6b: {  	_ =	shalt  }
0x6c: {  	_ =	shalt  }
0x6d: {  	_ =	shalt  }
0x6e: {  	_ =	shalt  }
0x6f: {  	_ =	shalt  }
0x70: {  	_ =	shalt  }
0x71: {  	_ =	shalt  }
0x72: {  	_ =	shalt  }
0x73: {  	_ =	shalt  }
0x74: {  	_ =	shalt  }
0x75: {  	_ =	shalt  }
0x76: {  	_ =	shalt  }
0x77: {  	_ =	shalt  }
0x78: {  	_ =	shalt  }
0x79: {  	_ =	shalt  }
0x7a: {  	_ =	shalt  }
0x7b: {  	_ =	shalt  }
0x7c: {  	_ =	shalt  }
0x7d: {  	_ =	shalt  }
0x7e: {  	_ =	shalt  }
0x7f: {  	_ =	shalt  }
0x80: {  	_ =	shalt  }
0x81: {  	_ =	shalt  }
0x82: {  	_ =	shalt  }
0x83: {  	_ =	shalt  }
0x84: {  	_ =	shalt  }
0x85: {  	_ =	shalt  }
0x86: {  	_ =	shalt  }
0x87: {  	_ =	shalt  }
.Lfunc_end0:
.L_simem_size_0:
called_computation.2_lowered:
.L_overlay_start_0:
0x88: {  	s2 =	sld [smem:$0x3FD9]  }
0x89: {  	s3 =	sld [smem:$0x3FFE];
	_ =	sdelay $0x1  }
0x8a: {  	s1 =	srdreg.scid  }
0x8b: {  	s0 =	sand.u32 $0x1, s1  }
0x8c: {  	s17 =	sshll.u32 s0, $0xA;
	s2 =	sadd.s32 s3, s2  }
0x8d: {  	s2 =	sadd.s32 s2, s17  }
0x8e: {  	[smem:$0x3FB4] =	sst s2  }
0x8f: {  	_ = 	snop  }
0x90: {  	s5 =	sld [smem:$0x3FC7]  }
0x91: {  	s18 =	sld [smem:$0x3FC1]  }
0x92: {  	s6 =	sld [smem:$0x3FBF]  }
0x93: {  	s4 =	sld [smem:$0x3FD0];
	(tm) =	ssettm $0x1  }
0x94: {  	s19 =	sld [smem:$0x3FFB];
	_ =	sdelay $0x3  }
0x95: {  	_ =	strace s19  }
0x96: {  	s2 =	sld [smem:$0x3FFC];
	_ =	sdelay $0x3  }
0x97: {  	_ =	strace s2  }
0x98: {  	s2 =	sld [smem:$0x3FFD];
	_ =	sdelay $0x3  }
0x99: {  	_ =	strace s2  }
0x9a: {  	_ =	strace $0x8FFFFFFF  }
0x9b: {  	s20 =	sld [smem:$0x3FDB];
	_ =	sdelay $0x1  }
0x9c: {  	s7 =	simm.s32 $_scs_section_size  }
0x9d: {  	s8 =	simm.s32 $_size__tile_overlayer_lowered;
	s9 =	simm.s32 $_tile_overlayer_lowered  }
0x9e: {  	s10 =	simm.s32 $0x1BFF;
	s21 =	sshll.u32 s9, $0x1;
	s7 =	sadd.s32 s7, s20  }
0x9f: {  	s22 =	simm.s32 $0x0;
	s8 =	sshll.u32 s8, $0x1;
	s9 =	sadd.s32 s21, s7  }
0xa0: {  	[timem:s22], [sflag:s10] =	dma.local [hbm:s9], s8  }
0xa1: {  	_ =	swait.ge [sflag:s10], s8  }
0xa2: {  	s8 =	ssub.s32 $0x0, s8;
	[sflag:s10] =	ssyncset.done $0x0  }
0xa3: {  	[sflag:s10] =	ssyncadd.s32 s8;
	_ =	sdelay $0x1  }
0xa4: {  	s23 =	simm.s32 $0x1B8B  }
0xa5: {  	_ =	swait.ge [sflag:s23], $0x1  }
0xa6: {  	[sflag:s23] =	ssyncset.done $0x0  }
0xa7: {  	[sflag:s23] =	ssyncadd.s32 $0xFFFFFFFF  }
0xa8: {  	s8 =	sld [smem:$0x0]  }
0xa9: {  	s9 =	sand.u32 $0xFFFFFFFE, s1  }
0xaa: {  	p0 =	sne.s32 s1, s9  }
0xab: {  	s9 =	sshll.u32 @p0 s9, $0xE  }
0xac: {  	s9 =	sadd.s32 @p0 $0x11B8D, s9;
	s10 =	sshll.u32 @p0 s8, $0x11  }
0xad: {  	s9 =	sor.u32 @p0 s10, s9  }
0xae: {  	[sflag:s9] =	ssyncadd.remote.s32 @p0 $0x1;
	_ =	sdelay $0x1  }
0xaf: {  	s9 =	simm.s32 @p0 $0x1B8D  }
0xb0: {  	_ =	swait.eq @p0 [sflag:s9], $0x1  }
0xb1: {  	[sflag:s9] =	ssyncadd.s32 @p0 $0xFFFFFFFF  }
0xb2: {  	s10 =	sshll.u32 @!p0 s1, $0xE  }
0xb3: {  	s10 =	sor.u32 @!p0 $0x4000, s10;
	s9 =	simm.s32 @!p0 $0x1B8D  }
0xb4: {  	s8 =	sshll.u32 @!p0 s8, $0x11;
	s10 =	sadd.s32 @!p0 $0x11B8D, s10;
	_ =	swait.eq @!p0 [sflag:s9], $0x1  }
0xb5: {  	s8 =	sor.u32 @!p0 s8, s10;
	[sflag:s9] =	ssyncadd.s32 @!p0 $0xFFFFFFFF  }
0xb6: {  	s25 =	simm.s32 $0x1B8E;
	s24 =	sld [smem:$0x3FFE];
	[sflag:s8] =	ssyncadd.remote.s32 @!p0 $0x1  }
0xb7: {  	s26 =	simm.s32 $execute0_lowered;
	[smem:$0x3FD2] =	sst s25  }
0xb8: {  	s9 =	sshll.u32 s26, $0x1;
	_ =	strace $0x8000004C;
	[dreg:$0x1] =	wrdreg $0xFFFFFFFF  }
0xb9: {  	s28 =	simm.s32 $_size_execute0_lowered;
	s7 =	sadd.s32 s7, s9;
	[dreg:$0x0] =	wrdreg $0x0  }
0xba: {  	s9 =	sshll.u32 s28, $0x1;
	[dreg:$0x2] =	wrdreg s7  }
0xbb: {  	[dreg:$0x3] =	wrdreg s9  }
0xbc: {  	[dreg:$0x4] =	wrdreg $0xC0  }
0xbd: {  	_ =	task [dreg:s22], $0x5FFFF  }
0xbe: {  	[dreg:$0x1] =	wrdreg $0xFFFFFFFF  }
0xbf: {  	[dreg:$0x0] =	wrdreg $0x60  }
0xc0: {  	[dreg:$0x2] =	wrdreg s5  }
0xc1: {  	[dreg:$0x3] =	wrdreg s24  }
0xc2: {  	[dreg:$0x4] =	wrdreg s6  }
0xc3: {  	[dreg:$0x5] =	wrdreg s18  }
0xc4: {  	[dreg:$0x6] =	wrdreg s4  }
0xc5: {  	[dreg:$0x7] =	wrdreg $0xB  }
0xc6: {  	_ =	task.clear_ibuf [dreg:s22], $0x8FFFF;
	_ =	strace $0x9000004C  }
0xc7: {  	s29 =	simm.s32 $0xB;
	_ =	strace $0x8000004E  }
0xc8: {  	_ =	swait.ge [sflag:s29], $0x1  }
0xc9: {  	[sflag:s29] =	ssyncadd.s32 $0xFFFFFFFF  }
0xca: {  	_ =	strace $0x9000004E  }
0xcb: {  	_ =	sfence  }
0xcc: {  	s30 =	sld [smem:$0x0];
	_ =	sdelay $0x2  }
0xcd: {  	s31 =	sshll.u32 s1, $0xD;
	s1 =	sshrl.u32 s1, $0x2  }
0xce: {  	s4 =	sand.u32 $0x4000, s31;
	s1 =	sadd.s32 s1, s30  }
0xcf: {  	s0 =	sor.u32 s4, s0;
	s1 =	sshll.u32 s1, $0x11  }
0xd0: {  	s0 =	sor.u32 s1, s0  }
0xd1: {  	s0 =	sadd.s32 $0x8F2B, s0  }
0xd2: {  	[sflag:s0] =	ssyncadd.remote.s32 $0x1  }
0xd3: {  	_ =	sfence.sel $0xFFFF  }
0xd4: {  	[dreg:$0x0] =	wrdreg $0xFFFFFFFF;
	(pc) =	sbr.abs _section_cstart, $3  }
0xd5: {  	[dreg:$0x1] =	wrdreg $0xFFFFFFFF  }
0xd6: {  	_ =	task.clear_ibuf [dreg:s22], $0x2FFFF;
	_ =	strace $0x9FFFFFFF  }
0xd7: {  	(tm) =	ssettm $0x7FFFFFFF  }
tec
execute0_lowered:
.L_overlay_start_1:
0x0: {  	(tag) =	ssettag $0x1  }
0x1: {  	s6 =	rddreg [dreg:$0x0]  }
0x2: {  	s7 =	rddreg [dreg:$0x1]  }
0x3: {  	s2 =	srdreg.scid;
	s1 =	rddreg [dreg:$0x2]  }
0x4: {  	s0 =	stileid.u32;
	s3 =	rddreg [dreg:$0x3]  }
0x5: {  	s11 =	rddreg [dreg:$0x4];
	s4 =	simm.s32 $0x0;
	s18 =	simm.s32 $0x1480  }
0x6: {  	s19 =	simm.s32 $0x1;
	s20 =	simm.s32 $0x5480;
	s21 =	simm.s32 $0x9480  }
0x7: {  	s22 =	simm.s32 $0x0;
	s10 =	sand.u32 $0x1, s2;
	s12 =	smul.u32 $0x14000, s0  }
0x8: {  	s26 =	sshll.u32 s0, $0x1;
	s2 =	rddreg [dreg:$0x5];
	s15 =	smul.u32 $0x2800, s0  }
0x9: {  	[smem:$0x7FF] =	sst s4;
	s8 =	sor.u32 s10, s26;
	s16 =	smul.u32 $0xA000, s10  }
0xa: {  	_ =	strace $0x8000004D;
	s14 =	ssub.s32 $0x2, s10;
	s17 =	smul.u32 $0x1400, s10  }
0xb: {  	s5 =	smul.u32 $0xA00, s8;
	s13 =	sshll.u32 s8, $0xB;
	s12 =	sadd.s32 s12, s7  }
0xc: {  	s28 =	sshrl.u32 s14, $0x1;
	s29 =	sshll.u32 s8, $0x4;
	s30 =	sadd.s32 s15, s11  }
0xd: {  	s15 =	simm.s32 $0x2;
	s13 =	sadd.s32 s13, s7;
	s14 =	ssub.s32 s14, s28  }
0xe: {  	s6 =	sadd.s32 s6, s29;
	s31 =	sadd.s32 s16, s12;
	s12 =	sadd.s32 s17, s30  }
0xf: {  	s5 =	sshrl.u32 s5, $0x3;
	s10 =	sadd.s32 $0x5B5A00, s13;
	s11 =	smax.u32 s14, $0x1  }
0x10: {  	s14 =	sadd.s32 $0x5C5A00, s31;
	s9 =	sadd.s32 s5, s7;
	s5 =	sadd.s32 $0x186F200, s7  }
0x11: {  	s17 =	simm.s32 $0xA80;
	s7 =	sadd.s32 $0x5A3200, s9;
	s8 =	sadd.s32 $0x7A00, s9  }
0x12: {  	s16 =	simm.s32 $0x80;
	s9 =	sadd.s32 $0x5A5A00, s13;
	s13 =	sadd.s32 $0x705A00, s31  }
.LBB2_1:
0x13: {  	[tilespmem:s4], [sflag:$0x2] =	stream.linear.gather [hbm4b:s6+s4], $0x80, $0x38;
	[tilespmem:$0x9C80] =	vst v63  }
0x14: {  	_ =	swait.ge [sflag:s15], $0x80  }
0x15: {  	[sflag:s15] =	ssyncset.done $0x0  }
0x16: {  	[sflag:s15] =	ssyncadd.s32 $0xFFFFFF80  }
0x17: {  	[tilespmem:s16], [sflag:$0x2] =	stream.linear.gather [hbm4b:s7+s4], $0xA00, $0x38;
	[tilespmem:$0x9C80] =	vst v63  }
0x18: {  	_ =	swait.ge [sflag:s15], $0xA00  }
0x19: {  	[sflag:s15] =	ssyncset.done $0x0  }
0x1a: {  	[sflag:s15] =	ssyncadd.s32 $0xFFFFF600  }
0x1b: {  	[tilespmem:s17], [sflag:$0x2] =	stream.linear.gather [hbm4b:s8+s4], $0xA00, $0x38;
	[tilespmem:$0x9C80] =	vst v63  }
0x1c: {  	_ =	swait.ge [sflag:s15], $0xA00  }
0x1d: {  	[sflag:s15] =	ssyncset.done $0x0  }
0x1e: {  	[sflag:s15] =	ssyncadd.s32 $0xFFFFF600  }
0x1f: {  	[tilespmem:s18], [sflag:$0x1] =	stream.indirect.gather [hbm4b:s1+s16], $0x80, s4, s16, $0xb8;
	[tilespmem:$0x9C80] =	vst v63  }
0x20: {  	_ =	swait.ge [sflag:s19], $0x4000  }
0x21: {  	[sflag:s19] =	ssyncset.done $0x0  }
0x22: {  	[sflag:s19] =	ssyncadd.s32 $0xFFFFC000  }
0x23: {  	[hbm4b:s9+s4] =	stream.linear.scatter [tilespmem:s18], [sflag:$0x2], $0x4000, $0x38;
	[tilespmem:$0x9C80] =	vst v63  }
0x24: {  	_ =	swait.ge [sflag:s15], $0x4000  }
0x25: {  	[sflag:s15] =	ssyncset.done $0x0  }
0x26: {  	[sflag:s15] =	ssyncadd.s32 $0xFFFFC000  }
0x27: {  	[tilespmem:s18], [sflag:$0x1] =	stream.indirect.gather [hbm4b:s3+s16], $0x80, s4, s16, $0xb8;
	[tilespmem:$0x9C80] =	vst v63  }
0x28: {  	_ =	swait.ge [sflag:s19], $0x4000  }
0x29: {  	[sflag:s19] =	ssyncset.done $0x0  }
0x2a: {  	[sflag:s19] =	ssyncadd.s32 $0xFFFFC000  }
0x2b: {  	[hbm4b:s10+s4] =	stream.linear.scatter [tilespmem:s18], [sflag:$0x2], $0x4000, $0x38;
	[tilespmem:$0x9C80] =	vst v63  }
0x2c: {  	_ =	swait.ge [sflag:s15], $0x4000  }
0x2d: {  	[sflag:s15] =	ssyncset.done $0x0  }
0x2e: {  	s23 =	simm.s32 $0x80;
	[sflag:s15] =	ssyncadd.s32 $0xFFFFC000  }
0x2f: {  	[tilespmem:s20], [sflag:$0x1] =	stream.indirect.gather [hbm4b:s1+s16], $0x80, s23, s16, $0xb8;
	[tilespmem:$0x9C80] =	vst v63  }
0x30: {  	_ =	swait.ge [sflag:s19], $0x4000  }
0x31: {  	[sflag:s19] =	ssyncset.done $0x0  }
0x32: {  	[sflag:s19] =	ssyncadd.s32 $0xFFFFC000  }
0x33: {  	[hbm4b:s14+s4] =	stream.linear.scatter [tilespmem:s20], [sflag:$0x2], $0x4000, $0x38;
	[tilespmem:$0x9C80] =	vst v63  }
0x34: {  	_ =	swait.ge [sflag:s15], $0x4000  }
0x35: {  	[sflag:s15] =	ssyncset.done $0x0  }
0x36: {  	[sflag:s15] =	ssyncadd.s32 $0xFFFFC000  }
0x37: {  	[tilespmem:s20], [sflag:$0x1] =	stream.indirect.gather [hbm4b:s3+s16], $0x80, s23, s16, $0xb8;
	[tilespmem:$0x9C80] =	vst v63  }
0x38: {  	_ =	swait.ge [sflag:s19], $0x4000  }
0x39: {  	[sflag:s19] =	ssyncset.done $0x0  }
0x3a: {  	[sflag:s19] =	ssyncadd.s32 $0xFFFFC000  }
0x3b: {  	[hbm4b:s13+s4] =	stream.linear.scatter [tilespmem:s20], [sflag:$0x2], $0x4000, $0x38;
	[tilespmem:$0x9C80] =	vst v63  }
0x3c: {  	_ =	swait.ge [sflag:s15], $0x4000  }
0x3d: {  	[sflag:s15] =	ssyncset.done $0x0  }
0x3e: {  	s31 =	simm.s32 $0xA80;
	[sflag:s15] =	ssyncadd.s32 $0xFFFFC000  }
0x3f: {  	[tilespmem:s21], [sflag:$0x1] =	stream.indirect.gather [hbm4b:s5+s16], $0x10, s31, s16, $0xb8;
	[tilespmem:$0x9C80] =	vst v63  }
0x40: {  	_ =	swait.ge [sflag:s19], $0x800  }
0x41: {  	[sflag:s19] =	ssyncset.done $0x0  }
0x42: {  	s28 =	simm.s32 $0x400;
	[sflag:s19] =	ssyncadd.s32 $0xFFFFF800  }
0x43: {  	[hbm4b:s12+s4] =	stream.linear.scatter [tilespmem:s21], [sflag:$0x2], $0x800, $0x38;
	[tilespmem:$0x9C80] =	vst v63  }
0x44: {  	s24 =	sadd.s32 $0x800, s13;
	s25 =	sadd.s32 $0x800, s14;
	_ =	swait.ge [sflag:s15], $0x800  }
0x45: {  	s26 =	simm.s32 $0x80;
	s23 =	sadd.s32 $0x100, s12;
	[sflag:s15] =	ssyncset.done $0x0  }
.LBB2_2:
0x46: {  	s29 =	sadd.s32 $0x80, s26  }
0x47: {  	[sflag:s15] =	ssyncadd.s32 $0xFFFFF800;
	s30 =	smov.u32 s28;
	s31 =	sadd.s32 $0x200, s28  }
0x48: {  	[tilespmem:s20], [sflag:$0x1] =	stream.indirect.gather [hbm4b:s1+s16], $0x80, s29, s16, $0xb8;
	[tilespmem:$0x9C80] =	vst v63  }
0x49: {  	p0 =	sne.s32 s28, $0x2600;
	_ =	swait.ge [sflag:s19], $0x4000  }
0x4a: {  	[sflag:s19] =	ssyncset.done $0x0  }
0x4b: {  	[sflag:s19] =	ssyncadd.s32 $0xFFFFC000  }
0x4c: {  	[hbm4b:s25+s4] =	stream.linear.scatter [tilespmem:s20], [sflag:$0x2], $0x4000, $0x38;
	[tilespmem:$0x9C80] =	vst v63  }
0x4d: {  	_ =	swait.ge [sflag:s15], $0x4000  }
0x4e: {  	[sflag:s15] =	ssyncset.done $0x0  }
0x4f: {  	[sflag:s15] =	ssyncadd.s32 $0xFFFFC000  }
0x50: {  	[tilespmem:s20], [sflag:$0x1] =	stream.indirect.gather [hbm4b:s3+s16], $0x80, s29, s16, $0xb8;
	[tilespmem:$0x9C80] =	vst v63  }
0x51: {  	_ =	swait.ge [sflag:s19], $0x4000  }
0x52: {  	[sflag:s19] =	ssyncset.done $0x0  }
0x53: {  	[sflag:s19] =	ssyncadd.s32 $0xFFFFC000  }
0x54: {  	[hbm4b:s24+s4] =	stream.linear.scatter [tilespmem:s20], [sflag:$0x2], $0x4000, $0x38;
	[tilespmem:$0x9C80] =	vst v63  }
0x55: {  	_ =	swait.ge [sflag:s15], $0x4000  }
0x56: {  	[sflag:s15] =	ssyncset.done $0x0  }
0x57: {  	s26 =	sadd.s32 $0xA80, s26;
	[sflag:s15] =	ssyncadd.s32 $0xFFFFC000  }
0x58: {  	[tilespmem:s21], [sflag:$0x1] =	stream.indirect.gather [hbm4b:s5+s16], $0x10, s26, s16, $0xb8;
	[tilespmem:$0x9C80] =	vst v63  }
0x59: {  	_ =	swait.ge [sflag:s19], $0x800  }
.Ltmp0:
0x5a: {  	[sflag:s19] =	ssyncset.done $0x0;
	(pc) =	sbr.rel @p0 .LBB2_2-.Ltmp0, $4  }
0x5b: {  	s28 =	smov.u32 s31;
	[sflag:s19] =	ssyncadd.s32 $0xFFFFF800  }
0x5c: {  	[hbm4b:s23+s4] =	stream.linear.scatter [tilespmem:s21], [sflag:$0x2], $0x800, $0x38;
	[tilespmem:$0x9C80] =	vst v63  }
0x5d: {  	s25 =	sadd.s32 $0x800, s25;
	s24 =	sadd.s32 $0x800, s24;
	_ =	swait.ge [sflag:s15], $0x800  }
0x5e: {  	s26 =	sshra.s32 s30, $0x2;
	s23 =	sadd.s32 $0x100, s23;
	[sflag:s15] =	ssyncset.done $0x0  }
0x5f: {  	s28 =	sadd.s32 $0x80, s26;
	[sflag:s15] =	ssyncadd.s32 $0xFFFFF800  }
0x60: {  	[tilespmem:s20], [sflag:$0x1] =	stream.indirect.gather [hbm4b:s1+s16], $0x80, s28, s16, $0xb8;
	[tilespmem:$0x9C80] =	vst v63  }
0x61: {  	_ =	swait.ge [sflag:s19], $0x4000  }
0x62: {  	[sflag:s19] =	ssyncset.done $0x0  }
0x63: {  	[sflag:s19] =	ssyncadd.s32 $0xFFFFC000  }
0x64: {  	[hbm4b:s25+s4] =	stream.linear.scatter [tilespmem:s20], [sflag:$0x2], $0x4000, $0x38;
	[tilespmem:$0x9C80] =	vst v63  }
0x65: {  	_ =	swait.ge [sflag:s15], $0x4000  }
0x66: {  	[sflag:s15] =	ssyncset.done $0x0  }
0x67: {  	[sflag:s15] =	ssyncadd.s32 $0xFFFFC000  }
0x68: {  	[tilespmem:s20], [sflag:$0x1] =	stream.indirect.gather [hbm4b:s3+s16], $0x80, s28, s16, $0xb8;
	[tilespmem:$0x9C80] =	vst v63  }
0x69: {  	_ =	swait.ge [sflag:s19], $0x4000  }
0x6a: {  	[sflag:s19] =	ssyncset.done $0x0  }
0x6b: {  	[sflag:s19] =	ssyncadd.s32 $0xFFFFC000  }
0x6c: {  	[hbm4b:s24+s4] =	stream.linear.scatter [tilespmem:s20], [sflag:$0x2], $0x4000, $0x38;
	[tilespmem:$0x9C80] =	vst v63  }
0x6d: {  	_ =	swait.ge [sflag:s15], $0x4000  }
0x6e: {  	[sflag:s15] =	ssyncset.done $0x0  }
0x6f: {  	s31 =	sadd.s32 $0xA80, s26;
	[sflag:s15] =	ssyncadd.s32 $0xFFFFC000  }
0x70: {  	[tilespmem:s21], [sflag:$0x1] =	stream.indirect.gather [hbm4b:s5+s16], $0x10, s31, s16, $0xb8;
	[tilespmem:$0x9C80] =	vst v63  }
0x71: {  	s22 =	sadd.s32 $0x1, s22;
	_ =	swait.ge [sflag:s19], $0x800  }
0x72: {  	p0 =	sne.s32 s22, s11;
	[sflag:s19] =	ssyncset.done $0x0  }
.Ltmp1:
0x73: {  	[sflag:s19] =	ssyncadd.s32 $0xFFFFF800;
	(pc) =	sbr.rel @p0 .LBB2_1-.Ltmp1, $4  }
0x74: {  	[hbm4b:s23+s4] =	stream.linear.scatter [tilespmem:s21], [sflag:$0x2], $0x800, $0x38;
	[tilespmem:$0x9C80] =	vst v63  }
0x75: {  	_ =	swait.ge [sflag:s15], $0x800  }
0x76: {  	[sflag:s15] =	ssyncset.done $0x0  }
0x77: {  	[sflag:s15] =	ssyncadd.s32 $0xFFFFF800  }
0x78: {  	_ =	sfence.sel $0x180000  }
0x79: {  	[bflag:$0x0] =	sbarrier.arrive $0xFFFF  }
0x7a: {  	p0 =	sne.s32 s0, $0x0;
	_ =	strace $0x9000004D  }
0x7b: {  	s0 =	sadd.s32 @!p0 $0x100000, s2;
	[bflag:$0x2] =	sbarrier.arrive $0xFFFF  }
0x7c: {  	[sflag:s0] =	ssyncadd.tile.s32 @!p0 $0x1;
	_ =	shalt  }
.Lfunc_end2:
_tile_overlayer_lowered:
.L_overlay_start_2:
0x7d: {  	(tag) =	ssettag $0x2  }
0x7e: {  	s0 =	rddreg [dreg:$0x0];
	s2 =	stileid.u32  }
0x7f: {  	s1 =	rddreg [dreg:$0x1];
	p0 =	sne.s32 s2, $0x0  }
0x80: {  	s3 =	rddreg [dreg:$0x2];
	[bflag:$0x3] =	sbarrier.arrive $0xFFFF;
	s2 =	simm.s32 @!p0 $0x1C02  }
0x81: {  	[timem:s3], [sflag:s2] =	dma.local @!p0 [hbm:s0], s1  }
0x82: {  	s0 =	simm.s32 @!p0 $0x2  }
0x83: {  	_ =	swait.ge @!p0 [sflag:s0], s1  }
0x84: {  	s1 =	ssub.s32 @!p0 $0x0, s1;
	[sflag:s0] =	ssyncset.done @!p0 $0x0  }
0x85: {  	[sflag:s0] =	ssyncadd.s32 @!p0 s1  }
0x86: {  	[bflag:$0x3] =	sbarrier.arrive $0xFFFF  }
0x87: {  	_ =	shalt  }

// kernel: kernel.8.cloned.1.call-start
scs
__scs_entry_jumppad:
0x0: {  	(pc) =	sbr.rel $0x88, $3  }
0x1: {  	(tag) =	ssettag $0x0;
	lr =	simm.s32 $0x1  }
0x2: {  	[smem:$0x3F8D] =	sst lr;
	_ =	strace $0xD0000000  }
0x3: {  	_ = 	snop  }
0x4: {  	_ = 	snop  }
0x5: {  	_ = 	snop  }
0x6: {  	_ = 	snop  }
0x7: {  	_ = 	snop  }
__scs_overlays_trampoline_lowered:
0x8: {  	[smem:$0x3F9C] =	sst s0  }
0x9: {  	[smem:$0x3F9D] =	sst s1  }
0xa: {  	[smem:$0x3F9E] =	sst s2  }
0xb: {  	[smem:$0x3F9F] =	sst s3  }
0xc: {  	[smem:$0x3FA0] =	sst s4  }
0xd: {  	[smem:$0x3FA1] =	sst s5  }
0xe: {  	[smem:$0x3FA2] =	sst s6  }
0xf: {  	[smem:$0x3FA3] =	sst s7  }
0x10: {  	[smem:$0x3FA4] =	sst s8  }
0x11: {  	[smem:$0x3FA5] =	sst s9;
	s0 =	simm.s32 @!p0 $0x0  }
0x12: {  	s1 =	sld [smem:$0x3F8B];
	s0 =	simm.s32 @p0 $0x1  }
0x13: {  	[smem:$0x3FA6] =	sst s0;
	s0 =	simm.s32 @!p1 $0x0  }
0x14: {  	s2 =	sld [smem:$0x3F8A];
	s0 =	simm.s32 @p1 $0x1  }
0x15: {  	[smem:$0x3FA7] =	sst s0;
	s0 =	simm.s32 @!p2 $0x0  }
0x16: {  	s3 =	sld [smem:$0x3FDB];
	s0 =	simm.s32 @p2 $0x1  }
0x17: {  	s4 =	simm.s32 $0x1BF5;
	[smem:$0x3FA9] =	sst s0  }
0x18: {  	s0 =	sld [smem:$0x3F8C];
	_ =	swait.ge [sflag:s4], $0x0  }
0x19: {  	s7 =	sld [smem:$0x3F8D]  }
0x1a: {  	s8 =	sadd.s32 $0xFFFFE003, lr  }
0x1b: {  	s9 =	sadd.s32 $0xFFFFFEF7, lr;
	s5 =	simm.s32 $0xFFFFFFFF;
	p2 =	slt.u32 s8, $0xFFFFF086  }
0x1c: {  	p1 =	slt.u32 s9, $0xF7A;
	s5 =	simm.s32 @!p2 $0x0  }
0x1d: {  	s5 =	simm.s32 @p1 $0x1;
	p0 =	seq.s32 s7, s2  }
0x1e: {  	s7 =	smul.u32 @!p0 $0xF7A, s2;
	p2 =	seq.s32 @!p0 s5, $0x0  }
0x1f: {  	s9 =	smul.u32 $0xF7A, s1;
	s8 =	simm.s32 @!p0 $0x1BF5;
	p2 =	por !p2, p0  }
0x20: {  	[sflag:s8] =	ssyncset.s32 @!p0 $0xFFFFF086;
	s6 =	sadd.s32 @!p0 s3, s7;
	s7 =	simm.s32 @!p0 $0x108  }
0x21: {  	s3 =	sadd.s32 s3, s9;
	s6 =	sadd.s32 @!p0 $0x88, s6;
	s7 =	simm.s32 @p2 $0x1082  }
0x22: {  	[simem:s7], [sflag:s8] =	dma.local @!p0 [hbm:s6], $0xF7A  }
0x23: {  	s9 =	sor.u32 $0xD0000000, s2;
	s6 =	simm.s32 $0x108;
	_ =	swait.ge @!p0 [sflag:s8], $0x0  }
0x24: {  	s3 =	sadd.s32 $0x88, s3;
	s6 =	simm.s32 @!p1 $0x1082;
	[sflag:s4] =	ssyncset.s32 $0xFFFFF086  }
0x25: {  	[simem:s6], [sflag:s4] =	dma.local [hbm:s3], $0xF7A  }
0x26: {  	[smem:$0x3F8D] =	sst s1;
	(tag) =	ssettag s2;
	_ =	strace s9  }
0x27: {  	s1 =	sld [smem:$0x3F9D]  }
0x28: {  	s2 =	sld [smem:$0x3F9E]  }
0x29: {  	s4 =	sld [smem:$0x3FA0]  }
0x2a: {  	p0 =	seq.s32 s5, $0x0;
	s5 =	sld [smem:$0x3FA1]  }
0x2b: {  	s6 =	sld [smem:$0x3FA2]  }
0x2c: {  	s7 =	sld [smem:$0x3FA3]  }
0x2d: {  	s3 =	simm.s32 $0x108;
	s8 =	sld [smem:$0x3FA4]  }
0x2e: {  	s3 =	simm.s32 @!p0 $0x1082;
	s9 =	sld [smem:$0x3FA5]  }
0x2f: {  	lr =	sadd.s32 s0, s3;
	s0 =	sld [smem:$0x3F9C]  }
0x30: {  	s3 =	sld [smem:$0x3F9F]  }
0x31: {  	[smem:$0x3FA8] =	sst s10  }
0x32: {  	s10 =	sld [smem:$0x3FA6];
	_ =	sdelay $0x3  }
0x33: {  	p0 =	seq.s32 s10, $0x1;
	s10 =	sld [smem:$0x3FA8];
	_ =	sdelay $0x3  }
0x34: {  	[smem:$0x3FA8] =	sst s10  }
0x35: {  	s10 =	sld [smem:$0x3FA7];
	_ =	sdelay $0x3  }
0x36: {  	p1 =	seq.s32 s10, $0x1;
	s10 =	sld [smem:$0x3FA8];
	_ =	sdelay $0x3  }
0x37: {  	[smem:$0x3FA8] =	sst s10  }
0x38: {  	s10 =	sld [smem:$0x3FA9]  }
0x39: {  	_ = 	snop;
	(pc) =	sbr.ind lr, $3  }
0x3a: {  	_ = 	snop  }
0x3b: {  	_ = 	snop  }
0x3c: {  	p2 =	seq.s32 s10, $0x1;
	s10 =	sld [smem:$0x3FA8]  }
0x3d: {  	_ =	shalt  }
0x3e: {  	_ =	shalt  }
0x3f: {  	_ =	shalt  }
0x40: {  	_ =	shalt  }
0x41: {  	_ =	shalt  }
0x42: {  	_ =	shalt  }
0x43: {  	_ =	shalt  }
0x44: {  	_ =	shalt  }
0x45: {  	_ =	shalt  }
0x46: {  	_ =	shalt  }
0x47: {  	_ =	shalt  }
0x48: {  	_ =	shalt  }
0x49: {  	_ =	shalt  }
0x4a: {  	_ =	shalt  }
0x4b: {  	_ =	shalt  }
0x4c: {  	_ =	shalt  }
0x4d: {  	_ =	shalt  }
0x4e: {  	_ =	shalt  }
0x4f: {  	_ =	shalt  }
0x50: {  	_ =	shalt  }
0x51: {  	_ =	shalt  }
0x52: {  	_ =	shalt  }
0x53: {  	_ =	shalt  }
0x54: {  	_ =	shalt  }
0x55: {  	_ =	shalt  }
0x56: {  	_ =	shalt  }
0x57: {  	_ =	shalt  }
0x58: {  	_ =	shalt  }
0x59: {  	_ =	shalt  }
0x5a: {  	_ =	shalt  }
0x5b: {  	_ =	shalt  }
0x5c: {  	_ =	shalt  }
0x5d: {  	_ =	shalt  }
0x5e: {  	_ =	shalt  }
0x5f: {  	_ =	shalt  }
0x60: {  	_ =	shalt  }
0x61: {  	_ =	shalt  }
0x62: {  	_ =	shalt  }
0x63: {  	_ =	shalt  }
0x64: {  	_ =	shalt  }
0x65: {  	_ =	shalt  }
0x66: {  	_ =	shalt  }
0x67: {  	_ =	shalt  }
0x68: {  	_ =	shalt  }
0x69: {  	_ =	shalt  }
0x6a: {  	_ =	shalt  }
0x6b: {  	_ =	shalt  }
0x6c: {  	_ =	shalt  }
0x6d: {  	_ =	shalt  }
0x6e: {  	_ =	shalt  }
0x6f: {  	_ =	shalt  }
0x70: {  	_ =	shalt  }
0x71: {  	_ =	shalt  }
0x72: {  	_ =	shalt  }
0x73: {  	_ =	shalt  }
0x74: {  	_ =	shalt  }
0x75: {  	_ =	shalt  }
0x76: {  	_ =	shalt  }
0x77: {  	_ =	shalt  }
0x78: {  	_ =	shalt  }
0x79: {  	_ =	shalt  }
0x7a: {  	_ =	shalt  }
0x7b: {  	_ =	shalt  }
0x7c: {  	_ =	shalt  }
0x7d: {  	_ =	shalt  }
0x7e: {  	_ =	shalt  }
0x7f: {  	_ =	shalt  }
0x80: {  	_ =	shalt  }
0x81: {  	_ =	shalt  }
0x82: {  	_ =	shalt  }
0x83: {  	_ =	shalt  }
0x84: {  	_ =	shalt  }
0x85: {  	_ =	shalt  }
0x86: {  	_ =	shalt  }
0x87: {  	_ =	shalt  }
.Lfunc_end0:
.L_simem_size_0:
called_computation_lowered:
.L_overlay_start_0:
0x88: {  	s2 =	sld [smem:$0x3FD9]  }
0x89: {  	s3 =	sld [smem:$0x3FFE];
	_ =	sdelay $0x1  }
0x8a: {  	s1 =	srdreg.scid  }
0x8b: {  	s0 =	sand.u32 $0x1, s1  }
0x8c: {  	s17 =	sshll.u32 s0, $0xA;
	s2 =	sadd.s32 s3, s2  }
0x8d: {  	s2 =	sadd.s32 s2, s17  }
0x8e: {  	[smem:$0x3FB4] =	sst s2  }
0x8f: {  	_ = 	snop  }
0x90: {  	s2 =	sld [smem:$0x3FC9]  }
0x91: {  	s18 =	sld [smem:$0x3FC1]  }
0x92: {  	s4 =	sld [smem:$0x3FBF];
	(tm) =	ssettm $0x1  }
0x93: {  	s5 =	sld [smem:$0x3FFB];
	_ =	sdelay $0x3  }
0x94: {  	_ =	strace s5  }
0x95: {  	s5 =	sld [smem:$0x3FFC];
	_ =	sdelay $0x3  }
0x96: {  	_ =	strace s5  }
0x97: {  	s5 =	sld [smem:$0x3FFD];
	_ =	sdelay $0x3  }
0x98: {  	_ =	strace s5  }
0x99: {  	_ =	strace $0x8FFFFFFF  }
0x9a: {  	s19 =	sld [smem:$0x3FDB];
	_ =	sdelay $0x1  }
0x9b: {  	s6 =	simm.s32 $_scs_section_size  }
0x9c: {  	s7 =	simm.s32 $_size__tile_overlayer_lowered;
	s8 =	simm.s32 $_tile_overlayer_lowered  }
0x9d: {  	s22 =	simm.s32 $0x1BFF;
	s21 =	sshll.u32 s8, $0x1;
	s5 =	sadd.s32 s6, s19  }
0x9e: {  	s9 =	simm.s32 $0x0;
	s20 =	sshll.u32 s7, $0x1;
	s7 =	sadd.s32 s21, s5  }
0x9f: {  	[timem:s9], [sflag:s22] =	dma.local [hbm:s7], s20  }
0xa0: {  	_ =	swait.ge [sflag:s22], s20  }
0xa1: {  	s6 =	ssub.s32 $0x0, s20;
	[sflag:s22] =	ssyncset.done $0x0  }
0xa2: {  	[sflag:s22] =	ssyncadd.s32 s6;
	_ =	sdelay $0x1  }
0xa3: {  	s23 =	simm.s32 $0x1B8B  }
0xa4: {  	_ =	swait.ge [sflag:s23], $0x1  }
0xa5: {  	[sflag:s23] =	ssyncset.done $0x0  }
0xa6: {  	s25 =	simm.s32 $0x1B8E;
	s24 =	sld [smem:$0x3FFE];
	[sflag:s23] =	ssyncadd.s32 $0xFFFFFFFF  }
0xa7: {  	s26 =	simm.s32 $execute0_lowered;
	[smem:$0x3FD2] =	sst s25  }
0xa8: {  	s7 =	sshll.u32 s26, $0x1;
	_ =	strace $0x80000046;
	[dreg:$0x1] =	wrdreg $0xFFFFFFFF  }
0xa9: {  	s28 =	simm.s32 $_size_execute0_lowered;
	s5 =	sadd.s32 s5, s7;
	[dreg:$0x0] =	wrdreg $0x0  }
0xaa: {  	s7 =	sshll.u32 s28, $0x1;
	[dreg:$0x2] =	wrdreg s5  }
0xab: {  	[dreg:$0x3] =	wrdreg s7  }
0xac: {  	[dreg:$0x4] =	wrdreg $0xC0  }
0xad: {  	_ =	task [dreg:s9], $0x5FFFF  }
0xae: {  	[dreg:$0x1] =	wrdreg $0xFFFFFFFF  }
0xaf: {  	[dreg:$0x0] =	wrdreg $0x60  }
0xb0: {  	[dreg:$0x2] =	wrdreg s2  }
0xb1: {  	[dreg:$0x3] =	wrdreg s24  }
0xb2: {  	[dreg:$0x4] =	wrdreg s4  }
0xb3: {  	[dreg:$0x5] =	wrdreg s18  }
0xb4: {  	[dreg:$0x6] =	wrdreg $0x9  }
0xb5: {  	_ =	task.clear_ibuf [dreg:s9], $0x7FFFF;
	_ =	strace $0x90000046  }
0xb6: {  	s29 =	simm.s32 $0x9;
	_ =	strace $0x80000048  }
0xb7: {  	_ =	swait.ge [sflag:s29], $0x1  }
0xb8: {  	[sflag:s29] =	ssyncadd.s32 $0xFFFFFFFF  }
0xb9: {  	_ =	strace $0x90000048  }
0xba: {  	_ =	sfence  }
0xbb: {  	s30 =	sld [smem:$0x0];
	_ =	sdelay $0x2  }
0xbc: {  	s31 =	sshll.u32 s1, $0xD;
	s1 =	sshrl.u32 s1, $0x2  }
0xbd: {  	s3 =	sand.u32 $0x4000, s31;
	s1 =	sadd.s32 s1, s30  }
0xbe: {  	s0 =	sor.u32 s3, s0;
	s1 =	sshll.u32 s1, $0x11  }
0xbf: {  	s0 =	sor.u32 s1, s0  }
0xc0: {  	s0 =	sadd.s32 $0x8F2B, s0  }
0xc1: {  	[sflag:s0] =	ssyncadd.remote.s32 $0x1  }
0xc2: {  	_ =	sfence.sel $0xFFFF  }
0xc3: {  	[dreg:$0x0] =	wrdreg $0xFFFFFFFF;
	(pc) =	sbr.abs _section_cstart, $3  }
0xc4: {  	[dreg:$0x1] =	wrdreg $0xFFFFFFFF  }
0xc5: {  	_ =	task.clear_ibuf [dreg:s9], $0x2FFFF;
	_ =	strace $0x9FFFFFFF  }
0xc6: {  	(tm) =	ssettm $0x7FFFFFFF  }
0xc7: {  	_ =	shalt  }
tec
execute0_lowered:
.L_overlay_start_1:
0x0: {  	(tag) =	ssettag $0x1  }
0x1: {  	s6 =	rddreg [dreg:$0x0]  }
0x2: {  	s7 =	rddreg [dreg:$0x1]  }
0x3: {  	s2 =	rddreg [dreg:$0x2];
	s1 =	srdreg.scid  }
0x4: {  	s0 =	stileid.u32;
	s3 =	rddreg [dreg:$0x3]  }
0x5: {  	s4 =	simm.s32 $0x0;
	s18 =	simm.s32 $0x1480;
	s19 =	simm.s32 $0x1  }
0x6: {  	s20 =	simm.s32 $0x5480;
	s21 =	simm.s32 $0x9480;
	s10 =	smul.u32 $0x14000, s0  }
0x7: {  	s22 =	simm.s32 $0x0;
	s8 =	sand.u32 $0x1, s1;
	s12 =	smul.u32 $0x2800, s0  }
0x8: {  	s5 =	sshll.u32 s0, $0x1;
	s1 =	rddreg [dreg:$0x4];
	s15 =	smul.u32 $0x1400, s8  }
0x9: {  	[smem:$0x7FF] =	sst s4;
	s9 =	sor.u32 s8, s5;
	s17 =	smul.u32 $0xA000, s8  }
0xa: {  	_ =	strace $0x80000047;
	s30 =	ssub.s32 $0x2, s8;
	s5 =	smul.u32 $0xA00, s9  }
0xb: {  	s11 =	sshll.u32 s9, $0xB;
	s14 =	sadd.s32 s10, s7;
	s12 =	sadd.s32 s12, s7  }
0xc: {  	s31 =	sshrl.u32 s30, $0x1;
	s9 =	sshll.u32 s9, $0x4;
	s11 =	sadd.s32 s11, s7  }
0xd: {  	s16 =	ssub.s32 s30, s31;
	s6 =	sadd.s32 s6, s9;
	s12 =	sadd.s32 s15, s12  }
0xe: {  	s14 =	sadd.s32 s17, s14;
	s15 =	simm.s32 $0x2;
	s17 =	simm.s32 $0xA80  }
0xf: {  	s5 =	sshrl.u32 s5, $0x3;
	s9 =	sadd.s32 $0x3B200, s11;
	s10 =	sadd.s32 $0x4B200, s11  }
0x10: {  	s11 =	smax.u32 s16, $0x1;
	s12 =	sadd.s32 $0x13200, s12;
	s13 =	sadd.s32 s5, s7  }
0x11: {  	s16 =	simm.s32 $0x80;
	s5 =	sadd.s32 $0x186F200, s7;
	s7 =	sadd.s32 $0x10A00, s13  }
0x12: {  	s8 =	sadd.s32 $0xB200, s13;
	s13 =	sadd.s32 $0x19B200, s14;
	s14 =	sadd.s32 $0x5B200, s14  }
.LBB2_1:
0x13: {  	[tilespmem:s4], [sflag:$0x2] =	stream.linear.gather [hbm4b:s6+s4], $0x80, $0x38;
	[tilespmem:$0x9C80] =	vst v63  }
0x14: {  	_ =	swait.ge [sflag:s15], $0x80  }
0x15: {  	[sflag:s15] =	ssyncset.done $0x0  }
0x16: {  	[sflag:s15] =	ssyncadd.s32 $0xFFFFFF80  }
0x17: {  	[tilespmem:s16], [sflag:$0x2] =	stream.linear.gather [hbm4b:s7+s4], $0xA00, $0x38;
	[tilespmem:$0x9C80] =	vst v63  }
0x18: {  	_ =	swait.ge [sflag:s15], $0xA00  }
0x19: {  	[sflag:s15] =	ssyncset.done $0x0  }
0x1a: {  	[sflag:s15] =	ssyncadd.s32 $0xFFFFF600  }
0x1b: {  	[tilespmem:s17], [sflag:$0x2] =	stream.linear.gather [hbm4b:s8+s4], $0xA00, $0x38;
	[tilespmem:$0x9C80] =	vst v63  }
0x1c: {  	_ =	swait.ge [sflag:s15], $0xA00  }
0x1d: {  	[sflag:s15] =	ssyncset.done $0x0  }
0x1e: {  	[sflag:s15] =	ssyncadd.s32 $0xFFFFF600  }
0x1f: {  	[tilespmem:s18], [sflag:$0x1] =	stream.indirect.gather [hbm4b:s2+s16], $0x80, s4, s16, $0xb8;
	[tilespmem:$0x9C80] =	vst v63  }
0x20: {  	_ =	swait.ge [sflag:s19], $0x4000  }
0x21: {  	[sflag:s19] =	ssyncset.done $0x0  }
0x22: {  	[sflag:s19] =	ssyncadd.s32 $0xFFFFC000  }
0x23: {  	[hbm4b:s9+s4] =	stream.linear.scatter [tilespmem:s18], [sflag:$0x2], $0x4000, $0x38;
	[tilespmem:$0x9C80] =	vst v63  }
0x24: {  	_ =	swait.ge [sflag:s15], $0x4000  }
0x25: {  	[sflag:s15] =	ssyncset.done $0x0  }
0x26: {  	[sflag:s15] =	ssyncadd.s32 $0xFFFFC000  }
0x27: {  	[tilespmem:s18], [sflag:$0x1] =	stream.indirect.gather [hbm4b:s3+s16], $0x80, s4, s16, $0xb8;
	[tilespmem:$0x9C80] =	vst v63  }
0x28: {  	_ =	swait.ge [sflag:s19], $0x4000  }
0x29: {  	[sflag:s19] =	ssyncset.done $0x0  }
0x2a: {  	[sflag:s19] =	ssyncadd.s32 $0xFFFFC000  }
0x2b: {  	[hbm4b:s10+s4] =	stream.linear.scatter [tilespmem:s18], [sflag:$0x2], $0x4000, $0x38;
	[tilespmem:$0x9C80] =	vst v63  }
0x2c: {  	_ =	swait.ge [sflag:s15], $0x4000  }
0x2d: {  	[sflag:s15] =	ssyncset.done $0x0  }
0x2e: {  	s23 =	simm.s32 $0x80;
	[sflag:s15] =	ssyncadd.s32 $0xFFFFC000  }
0x2f: {  	[tilespmem:s20], [sflag:$0x1] =	stream.indirect.gather [hbm4b:s2+s16], $0x80, s23, s16, $0xb8;
	[tilespmem:$0x9C80] =	vst v63  }
0x30: {  	_ =	swait.ge [sflag:s19], $0x4000  }
0x31: {  	[sflag:s19] =	ssyncset.done $0x0  }
0x32: {  	[sflag:s19] =	ssyncadd.s32 $0xFFFFC000  }
0x33: {  	[hbm4b:s14+s4] =	stream.linear.scatter [tilespmem:s20], [sflag:$0x2], $0x4000, $0x38;
	[tilespmem:$0x9C80] =	vst v63  }
0x34: {  	_ =	swait.ge [sflag:s15], $0x4000  }
0x35: {  	[sflag:s15] =	ssyncset.done $0x0  }
0x36: {  	[sflag:s15] =	ssyncadd.s32 $0xFFFFC000  }
0x37: {  	[tilespmem:s20], [sflag:$0x1] =	stream.indirect.gather [hbm4b:s3+s16], $0x80, s23, s16, $0xb8;
	[tilespmem:$0x9C80] =	vst v63  }
0x38: {  	_ =	swait.ge [sflag:s19], $0x4000  }
0x39: {  	[sflag:s19] =	ssyncset.done $0x0  }
0x3a: {  	[sflag:s19] =	ssyncadd.s32 $0xFFFFC000  }
0x3b: {  	[hbm4b:s13+s4] =	stream.linear.scatter [tilespmem:s20], [sflag:$0x2], $0x4000, $0x38;
	[tilespmem:$0x9C80] =	vst v63  }
0x3c: {  	_ =	swait.ge [sflag:s15], $0x4000  }
0x3d: {  	[sflag:s15] =	ssyncset.done $0x0  }
0x3e: {  	s31 =	simm.s32 $0xA80;
	[sflag:s15] =	ssyncadd.s32 $0xFFFFC000  }
0x3f: {  	[tilespmem:s21], [sflag:$0x1] =	stream.indirect.gather [hbm4b:s5+s16], $0x10, s31, s16, $0xb8;
	[tilespmem:$0x9C80] =	vst v63  }
0x40: {  	_ =	swait.ge [sflag:s19], $0x800  }
0x41: {  	[sflag:s19] =	ssyncset.done $0x0  }
0x42: {  	s28 =	simm.s32 $0x400;
	[sflag:s19] =	ssyncadd.s32 $0xFFFFF800  }
0x43: {  	[hbm4b:s12+s4] =	stream.linear.scatter [tilespmem:s21], [sflag:$0x2], $0x800, $0x38;
	[tilespmem:$0x9C80] =	vst v63  }
0x44: {  	s24 =	sadd.s32 $0x800, s13;
	s25 =	sadd.s32 $0x800, s14;
	_ =	swait.ge [sflag:s15], $0x800  }
0x45: {  	s26 =	simm.s32 $0x80;
	s23 =	sadd.s32 $0x100, s12;
	[sflag:s15] =	ssyncset.done $0x0  }
.LBB2_2:
0x46: {  	s29 =	sadd.s32 $0x80, s26  }
0x47: {  	[sflag:s15] =	ssyncadd.s32 $0xFFFFF800;
	s30 =	smov.u32 s28;
	s31 =	sadd.s32 $0x200, s28  }
0x48: {  	[tilespmem:s20], [sflag:$0x1] =	stream.indirect.gather [hbm4b:s2+s16], $0x80, s29, s16, $0xb8;
	[tilespmem:$0x9C80] =	vst v63  }
0x49: {  	p0 =	sne.s32 s28, $0x2600;
	_ =	swait.ge [sflag:s19], $0x4000  }
0x4a: {  	[sflag:s19] =	ssyncset.done $0x0  }
0x4b: {  	[sflag:s19] =	ssyncadd.s32 $0xFFFFC000  }
0x4c: {  	[hbm4b:s25+s4] =	stream.linear.scatter [tilespmem:s20], [sflag:$0x2], $0x4000, $0x38;
	[tilespmem:$0x9C80] =	vst v63  }
0x4d: {  	_ =	swait.ge [sflag:s15], $0x4000  }
0x4e: {  	[sflag:s15] =	ssyncset.done $0x0  }
0x4f: {  	[sflag:s15] =	ssyncadd.s32 $0xFFFFC000  }
0x50: {  	[tilespmem:s20], [sflag:$0x1] =	stream.indirect.gather [hbm4b:s3+s16], $0x80, s29, s16, $0xb8;
	[tilespmem:$0x9C80] =	vst v63  }
0x51: {  	_ =	swait.ge [sflag:s19], $0x4000  }
0x52: {  	[sflag:s19] =	ssyncset.done $0x0  }
0x53: {  	[sflag:s19] =	ssyncadd.s32 $0xFFFFC000  }
0x54: {  	[hbm4b:s24+s4] =	stream.linear.scatter [tilespmem:s20], [sflag:$0x2], $0x4000, $0x38;
	[tilespmem:$0x9C80] =	vst v63  }
0x55: {  	_ =	swait.ge [sflag:s15], $0x4000  }
0x56: {  	[sflag:s15] =	ssyncset.done $0x0  }
0x57: {  	s26 =	sadd.s32 $0xA80, s26;
	[sflag:s15] =	ssyncadd.s32 $0xFFFFC000  }
0x58: {  	[tilespmem:s21], [sflag:$0x1] =	stream.indirect.gather [hbm4b:s5+s16], $0x10, s26, s16, $0xb8;
	[tilespmem:$0x9C80] =	vst v63  }
0x59: {  	_ =	swait.ge [sflag:s19], $0x800  }
.Ltmp0:
0x5a: {  	[sflag:s19] =	ssyncset.done $0x0;
	(pc) =	sbr.rel @p0 .LBB2_2-.Ltmp0, $4  }
0x5b: {  	s28 =	smov.u32 s31;
	[sflag:s19] =	ssyncadd.s32 $0xFFFFF800  }
0x5c: {  	[hbm4b:s23+s4] =	stream.linear.scatter [tilespmem:s21], [sflag:$0x2], $0x800, $0x38;
	[tilespmem:$0x9C80] =	vst v63  }
0x5d: {  	s25 =	sadd.s32 $0x800, s25;
	s24 =	sadd.s32 $0x800, s24;
	_ =	swait.ge [sflag:s15], $0x800  }
0x5e: {  	s26 =	sshra.s32 s30, $0x2;
	s23 =	sadd.s32 $0x100, s23;
	[sflag:s15] =	ssyncset.done $0x0  }
0x5f: {  	s28 =	sadd.s32 $0x80, s26;
	[sflag:s15] =	ssyncadd.s32 $0xFFFFF800  }
0x60: {  	[tilespmem:s20], [sflag:$0x1] =	stream.indirect.gather [hbm4b:s2+s16], $0x80, s28, s16, $0xb8;
	[tilespmem:$0x9C80] =	vst v63  }
0x61: {  	_ =	swait.ge [sflag:s19], $0x4000  }
0x62: {  	[sflag:s19] =	ssyncset.done $0x0  }
0x63: {  	[sflag:s19] =	ssyncadd.s32 $0xFFFFC000  }
0x64: {  	[hbm4b:s25+s4] =	stream.linear.scatter [tilespmem:s20], [sflag:$0x2], $0x4000, $0x38;
	[tilespmem:$0x9C80] =	vst v63  }
0x65: {  	_ =	swait.ge [sflag:s15], $0x4000  }
0x66: {  	[sflag:s15] =	ssyncset.done $0x0  }
0x67: {  	[sflag:s15] =	ssyncadd.s32 $0xFFFFC000  }
0x68: {  	[tilespmem:s20], [sflag:$0x1] =	stream.indirect.gather [hbm4b:s3+s16], $0x80, s28, s16, $0xb8;
	[tilespmem:$0x9C80] =	vst v63  }
0x69: {  	_ =	swait.ge [sflag:s19], $0x4000  }
0x6a: {  	[sflag:s19] =	ssyncset.done $0x0  }
0x6b: {  	[sflag:s19] =	ssyncadd.s32 $0xFFFFC000  }
0x6c: {  	[hbm4b:s24+s4] =	stream.linear.scatter [tilespmem:s20], [sflag:$0x2], $0x4000, $0x38;
	[tilespmem:$0x9C80] =	vst v63  }
0x6d: {  	_ =	swait.ge [sflag:s15], $0x4000  }
0x6e: {  	[sflag:s15] =	ssyncset.done $0x0  }
0x6f: {  	s31 =	sadd.s32 $0xA80, s26;
	[sflag:s15] =	ssyncadd.s32 $0xFFFFC000  }
0x70: {  	[tilespmem:s21], [sflag:$0x1] =	stream.indirect.gather [hbm4b:s5+s16], $0x10, s31, s16, $0xb8;
	[tilespmem:$0x9C80] =	vst v63  }
0x71: {  	s22 =	sadd.s32 $0x1, s22;
	_ =	swait.ge [sflag:s19], $0x800  }
0x72: {  	p0 =	sne.s32 s22, s11;
	[sflag:s19] =	ssyncset.done $0x0  }
.Ltmp1:
0x73: {  	[sflag:s19] =	ssyncadd.s32 $0xFFFFF800;
	(pc) =	sbr.rel @p0 .LBB2_1-.Ltmp1, $4  }
0x74: {  	[hbm4b:s23+s4] =	stream.linear.scatter [tilespmem:s21], [sflag:$0x2], $0x800, $0x38;
	[tilespmem:$0x9C80] =	vst v63  }
0x75: {  	_ =	swait.ge [sflag:s15], $0x800  }
0x76: {  	[sflag:s15] =	ssyncset.done $0x0  }
0x77: {  	[sflag:s15] =	ssyncadd.s32 $0xFFFFF800  }
0x78: {  	_ =	sfence.sel $0x180000  }
0x79: {  	[bflag:$0x0] =	sbarrier.arrive $0xFFFF  }
0x7a: {  	p0 =	sne.s32 s0, $0x0;
	_ =	strace $0x90000047  }
0x7b: {  	s0 =	sadd.s32 @!p0 $0x100000, s1;
	[bflag:$0x2] =	sbarrier.arrive $0xFFFF  }
0x7c: {  	[sflag:s0] =	ssyncadd.tile.s32 @!p0 $0x1;
	_ =	shalt  }
.Lfunc_end2:
_tile_overlayer_lowered:
.L_overlay_start_2:
0x7d: {  	(tag) =	ssettag $0x2  }
0x7e: {  	s0 =	rddreg [dreg:$0x0];
	s2 =	stileid.u32  }
0x7f: {  	s1 =	rddreg [dreg:$0x1];
	p0 =	sne.s32 s2, $0x0  }
0x80: {  	s3 =	rddreg [dreg:$0x2];
	[bflag:$0x3] =	sbarrier.arrive $0xFFFF;
	s2 =	simm.s32 @!p0 $0x1C02  }
0x81: {  	[timem:s3], [sflag:s2] =	dma.local @!p0 [hbm:s0], s1  }
0x82: {  	s0 =	simm.s32 @!p0 $0x2  }
0x83: {  	_ =	swait.ge @!p0 [sflag:s0], s1  }
0x84: {  	s1 =	ssub.s32 @!p0 $0x0, s1;
	[sflag:s0] =	ssyncset.done @!p0 $0x0  }
0x85: {  	[sflag:s0] =	ssyncadd.s32 @!p0 s1  }
0x86: {  	[bflag:$0x3] =	sbarrier.arrive $0xFFFF  }
0x87: {  	_ =	shalt  }

</sc_bundles>
